<compile_context>
chip_gen: v7x
topology: tpu7x:2x2x1
jax: 0.10.2.dev20260603
libtpu: 0.0.44.dev20260713+nightly
codegen_flags: <defaults>
</compile_context>

<pallas_src>
import functools

import numpy as np
import jax
import jax.numpy as jnp
from jax import lax
from jax.experimental import pallas as pl
from jax.experimental.pallas import tpu as pltpu
from jax.experimental.pallas import tpu_sc as plsc

_POS_DIM = 3
_N_LEVELS = 16
_N_FEATS = 2
_CAP = 2 ** 18
_N = 262144
_OUT = 64

_SFC = [1.0 / float(np.sqrt((i + 1.0) * (i + 2.0))) for i in range(_POS_DIM)]
_PRIMES_I32 = [int(np.int32(np.uint32(p)))
               for p in (2654435761, 805459861, 3674653429)]


def _scales_np():
    l = np.arange(_N_LEVELS, dtype=np.float64)
    g = (1000.0 / 10.0) ** (l / max(_N_LEVELS - 1, 1))
    return (10.0 * g * 1.0).astype(np.float32)


_NC, _NS = 2, 16
_NW = _NC * _NS
_C = 1024
_PPW = _N // _NW
_NCHUNK = _PPW // _C
_G = _C // 16


def _sc_encode(xT, tab, lvc):
    mesh = plsc.VectorSubcoreMesh(
        core_axis_name="c", subcore_axis_name="s",
        num_cores=_NC, num_subcores=_NS)

    @functools.partial(
        pl.kernel,
        out_type=jax.ShapeDtypeStruct((2 * _N_LEVELS, _N), jnp.float32),
        mesh=mesh,
        compiler_params=pltpu.CompilerParams(
            needs_layout_passes=False, use_tc_tiling_on_sc=False),
        scratch_types=[
            pltpu.VMEM((_POS_DIM, _C), jnp.float32),
            pltpu.VMEM((4 * _C,), jnp.int32),
            pltpu.VMEM((4 * _C,), jnp.int32),
            pltpu.VMEM((4 * _C,), jnp.float32),
            pltpu.VMEM((4 * _C,), jnp.float32),
            pltpu.VMEM((4 * _C,), jnp.float32),
            pltpu.VMEM((4 * _C,), jnp.int32),
            pltpu.VMEM((4 * _C,), jnp.int32),
            pltpu.VMEM((4 * _C,), jnp.float32),
            pltpu.VMEM((4 * _C,), jnp.float32),
            pltpu.VMEM((4 * _C,), jnp.float32),
            pltpu.VMEM((2 * _N_LEVELS, _C), jnp.float32),
            pltpu.VMEM((8 * _N_LEVELS,), jnp.float32),
            pltpu.SemaphoreType.DMA,
            pltpu.SemaphoreType.DMA,
            pltpu.SemaphoreType.DMA,
            pltpu.SemaphoreType.DMA,
        ],
    )
    def enc_kernel(xT_hbm, tab_hbm, lvc_hbm, out_hbm,
                   x_v, i0a_v, i1a_v, ba_v, f0a_v, f1a_v,
                   i0b_v, i1b_v, bb_v, f0b_v, f1b_v, enc_v, lvc_v,
                   sa0, sa1, sb0, sb1):
        wid = lax.axis_index("s") * _NC + lax.axis_index("c")
        pltpu.sync_copy(lvc_hbm, lvc_v)
        zeros16 = jnp.zeros((16,), jnp.int32)

        def compute_level(l, idx0_v, idx1_v, bary_v):
            lb = 8 * l
            sc_v = plsc.load_gather(lvc_v, [zeros16 + lb])
            sh0 = plsc.load_gather(lvc_v, [zeros16 + (lb + 1)])
            sh1 = plsc.load_gather(lvc_v, [zeros16 + (lb + 2)])
            sh2 = plsc.load_gather(lvc_v, [zeros16 + (lb + 3)])
            lvl_off = l * (2 * _CAP)

            def group_body(g, carry3):
                o = g * 16
                x0 = x_v[0, pl.ds(o, 16)]
                x1 = x_v[1, pl.ds(o, 16)]
                x2 = x_v[2, pl.ds(o, 16)]
                cf0 = (x0 * sc_v + sh0) * _SFC[0]
                cf1 = (x1 * sc_v + sh1) * _SFC[1]
                cf2 = (x2 * sc_v + sh2) * _SFC[2]
                s1 = cf1 + cf2
                e0 = cf0 + s1
                e1 = s1 - cf0
                e2 = cf2 - 2.0 * cf1
                e3 = -3.0 * cf2
                ee = [e0, e1, e2, e3]
                ci = []
                for e in ee:
                    t = e * 0.25 - 0.5
                    ti = t.astype(jnp.int32)
                    tf = ti.astype(jnp.float32)
                    ci.append(jnp.where(tf < t, ti + 1, ti))
                rsum = (ci[0] + ci[1]) + (ci[2] + ci[3])
                ri = [c * 4 for c in ci]
                dd = [ee[i] - ri[i].astype(jnp.float32) for i in range(4)]
                rank = [rsum, rsum, rsum, rsum]
                for i in range(4):
                    for j in range(i + 1, 4):
                        c = dd[i] < dd[j]
                        rank[i] = rank[i] + jnp.where(c, 1, 0)
                        rank[j] = rank[j] + jnp.where(c, 0, 1)
                dl = []
                for i in range(4):
                    low = rank[i] < 0
                    high = rank[i] > 3
                    ri[i] = jnp.where(low, ri[i] + 4,
                                      jnp.where(high, ri[i] - 4, ri[i]))
                    rank[i] = jnp.where(low, rank[i] + 4,
                                        jnp.where(high, rank[i] - 4,
                                                  rank[i]))
                    dl.append((ee[i] - ri[i].astype(jnp.float32)) * 0.25)
                gg = []
                for r in range(4):
                    acc = jnp.where(rank[0] == r, dl[0], 0.0)
                    for i in range(1, 4):
                        acc = acc + jnp.where(rank[i] == r, dl[i], 0.0)
                    gg.append(acc)
                bary = [1.0 + gg[3] - gg[0], gg[2] - gg[3],
                        gg[1] - gg[2], gg[0] - gg[1]]
                for r in range(4):
                    if r == 0:
                        k0, k1, k2 = ri[0], ri[1], ri[2]
                    else:
                        k0 = ri[0] + jnp.where(rank[0] > 3 - r, r - 4, r)
                        k1 = ri[1] + jnp.where(rank[1] > 3 - r, r - 4, r)
                        k2 = ri[2] + jnp.where(rank[2] > 3 - r, r - 4, r)
                    h = ((k0 * _PRIMES_I32[0]) ^ (k1 * _PRIMES_I32[1])
                         ^ (k2 * _PRIMES_I32[2]))
                    p = h & (_CAP - 1)
                    fpos = (lvl_off + ((p >> 7) << 8)) + (p & 127)
                    idx0_v[pl.ds(r * _C + o, 16)] = fpos
                    idx1_v[pl.ds(r * _C + o, 16)] = fpos + 128
                    bary_v[pl.ds(r * _C + o, 16)] = bary[r]
                return carry3

            lax.fori_loop(0, _G, group_body, 0)

        def blend_level(l, bary_v, f0_v, f1_v):
            def blend_body(g, carry3):
                o = g * 16
                acc0 = jnp.zeros((16,), jnp.float32)
                acc1 = jnp.zeros((16,), jnp.float32)
                for r in range(4):
                    f0 = f0_v[pl.ds(r * _C + o, 16)]
                    f1 = f1_v[pl.ds(r * _C + o, 16)]
                    br = bary_v[pl.ds(r * _C + o, 16)]
                    acc0 = acc0 + br * f0
                    acc1 = acc1 + br * f1
                enc_v[2 * l, pl.ds(o, 16)] = acc0
                enc_v[2 * l + 1, pl.ds(o, 16)] = acc1
                return carry3

            lax.fori_loop(0, _G, blend_body, 0)

        def chunk_body(ci, carry):
            base = wid * _PPW + ci * _C
            pltpu.sync_copy(xT_hbm.at[:, pl.ds(base, _C)], x_v)

            def pair_body(i, carry2):
                l0 = 2 * i
                l1 = 2 * i + 1
                compute_level(l0, i0a_v, i1a_v, ba_v)
                compute_level(l1, i0b_v, i1b_v, bb_v)
                blend_level(l0, ba_v, f0a_v, f1a_v)
                blend_level(l1, bb_v, f0b_v, f1b_v)
                return carry2

            lax.fori_loop(0, _N_LEVELS // 2, pair_body, 0)
            pltpu.sync_copy(enc_v, out_hbm.at[:, pl.ds(base, _C)])
            return carry

        lax.fori_loop(0, _NCHUNK, chunk_body, 0)

    return enc_kernel(xT, tab, lvc)


def _tc_decode(enc, W, b):
    BN = 2048

    def body(enc_ref, w_ref, b_ref, o_ref):
        o_ref[...] = lax.dot_general(
            w_ref[...], enc_ref[...], (((1,), (0,)), ((), ())),
            preferred_element_type=jnp.float32) + b_ref[...]

    outT = pl.pallas_call(
        body,
        grid=(_N // BN,),
        in_specs=[
            pl.BlockSpec((2 * _N_LEVELS, BN), lambda i: (0, i)),
            pl.BlockSpec((_OUT, 2 * _N_LEVELS), lambda i: (0, 0)),
            pl.BlockSpec((_OUT, 1), lambda i: (0, 0)),
        ],
        out_specs=pl.BlockSpec((_OUT, BN), lambda i: (0, i)),
        out_shape=jax.ShapeDtypeStruct((_OUT, _N), jnp.float32),
    )(enc, W, b[:, None])
    return outT.T


def kernel(x, table, shifts, W, b):
    xT = x.T
    tab = (table.reshape(_N_LEVELS, _CAP // 128, 128, _N_FEATS)
           .transpose(0, 1, 3, 2)
           .reshape(_N_LEVELS * _CAP * _N_FEATS))
    scales = jnp.asarray(_scales_np())
    lvc = jnp.concatenate(
        [scales[:, None], shifts, jnp.zeros((_N_LEVELS, 4), jnp.float32)],
        axis=1).reshape(-1)
    enc = _sc_encode(xT, tab, lvc)
    return _tc_decode(enc, W, b)

# --- scband reference (transcript-rebuilt; emitter-appended) ---
"""Pipeline reference for scband-permutohedral-lattice-layer-21242908246578 (READ-ONLY COPY).

The authoritative reference and input builder live on the scoring server;
editing this copy changes nothing except your own understanding.
"""

import jax, jax.numpy as jnp
import numpy as np

POS_DIM = 3
N_LEVELS = 16
N_FEATS = 2
CAPACITY = 2 ** 18
COARSEST = 10.0
FINEST = 1000.0
POS_SCALE = 1.0
OUT_DECODER = 64
N_POINTS = 262144

_SF = np.array([1.0 / np.sqrt((i + 1.0) * (i + 2.0)) for i in range(POS_DIM)], dtype=np.float32)
_PRIMES = np.array([2654435761, 805459861, 3674653429], dtype=np.uint32)

def _level_scales():
    l = np.arange(N_LEVELS, dtype=np.float64)
    g = (FINEST / COARSEST) ** (l / max(N_LEVELS - 1, 1))
    return (COARSEST * g * POS_SCALE).astype(np.float32)

def setup_inputs(seed: int = 0):
    key = jax.random.key(seed)
    k1, k2, k3, k4 = jax.random.split(key, 4)
    x = jax.random.normal(k1, (N_POINTS, POS_DIM), dtype=jnp.float32)
    table = jax.random.uniform(k2, (N_LEVELS, CAPACITY, N_FEATS), dtype=jnp.float32, minval=-1e-4, maxval=1e-4)
    shifts = jax.random.uniform(k3, (N_LEVELS, POS_DIM), dtype=jnp.float32, minval=0.0, maxval=10.0)
    W = jax.random.normal(k4, (OUT_DECODER, N_LEVELS * N_FEATS), dtype=jnp.float32) * (1.0 / np.sqrt(N_LEVELS * N_FEATS))
    b = jnp.zeros((OUT_DECODER,), dtype=jnp.float32)
    return {"x": x, "table": table, "shifts": shifts, "W": W, "b": b}

def _encode_level(pos, feats):
    # pos: [N, d] scaled + shifted positions; feats: [CAPACITY, N_FEATS]
    d = POS_DIM
    n = pos.shape[0]
    inv = 1.0 / (d + 1)
    # elevate onto the H_d hyperplane (permutohedral basis)
    cf = pos * jnp.asarray(_SF)
    S = jnp.cumsum(cf[:, ::-1], axis=1)[:, ::-1]  # S_i = sum_{j>=i} cf_j
    elev_rest = jnp.concatenate([S[:, 1:], jnp.zeros((n, 1), dtype=pos.dtype)], axis=1) - jnp.arange(1, d + 1, dtype=pos.dtype) * cf
    elevated = jnp.concatenate([S[:, 0:1], elev_rest], axis=1)  # [N, d+1]
    # closest remainder-0 lattice point
    v = elevated * inv
    up = jnp.ceil(v) * (d + 1)
    down = jnp.floor(v) * (d + 1)
    rem0 = jnp.where(up - elevated < elevated - down, up, down)
    rsum = jnp.round(jnp.sum(rem0, axis=1) * inv).astype(jnp.int32)
    # rank differential
    diff = elevated - rem0
    less = diff[:, :, None] < diff[:, None, :]
    mu = jnp.asarray(np.triu(np.ones((d + 1, d + 1), dtype=bool), 1))
    ml = jnp.asarray(np.tril(np.ones((d + 1, d + 1), dtype=bool), -1))
    geqT = jnp.logical_not(jnp.swapaxes(less, 1, 2))
    rank = jnp.sum(jnp.logical_and(less, mu), axis=2).astype(jnp.int32) + jnp.sum(jnp.logical_and(geqT, ml), axis=2).astype(jnp.int32)
    rank = rank + rsum[:, None]
    rem0i = rem0.astype(jnp.int32)
    low = rank < 0
    high = rank > d
    rem0i = jnp.where(low, rem0i + (d + 1), jnp.where(high, rem0i - (d + 1), rem0i))
    rank = jnp.where(low, rank + (d + 1), jnp.where(high, rank - (d + 1), rank))
    # barycentric coordinates
    delta = (elevated - rem0i.astype(pos.dtype)) * inv
    bary = jnp.zeros((n, d + 2), dtype=pos.dtype)
    rows = jnp.arange(n)[:, None]
    bary = bary.at[rows, d - rank].add(delta)
    bary = bary.at[rows, d + 1 - rank].add(-delta)
    bary = bary.at[:, 0].add(1.0 + bary[:, d + 1])
    # hash each simplex vertex, gather features, blend
    primes = jnp.asarray(_PRIMES)
    out = jnp.zeros((n, N_FEATS), dtype=pos.dtype)
    for r in range(d + 1):
        key_r = rem0i[:, :d] + r - (d + 1) * (rank[:, :d] > d - r).astype(jnp.int32)
        ku = key_r.astype(jnp.uint32)
        h = jnp.zeros((n,), dtype=jnp.uint32)
        for i in range(d):
            h = jnp.bitwise_xor(h, ku[:, i] * primes[i])
        idx = (h % jnp.uint32(CAPACITY)).astype(jnp.int32)
        out = out + bary[:, r:r + 1] * feats[idx]
    return out

def reference(x, table, shifts, W, b):
    scales = _level_scales()
    outs = []
    for l in range(N_LEVELS):
        pos = x * float(scales[l]) + shifts[l]
        outs.append(_encode_level(pos, table[l]))
    encoded = jnp.concatenate(outs, axis=1)  # [N, n_levels * n_feats]
    return encoded @ W.T + b

if __name__ == "__main__":
    import jax
    _d = setup_inputs()
    print(jax.jit(kernel)(*tuple(_d.values())))

</pallas_src>

<mosaic_0001>
#map = affine_map<(d0, d1) -> (0, 0)>
#map1 = affine_map<(d0, d1) -> (0)>
module attributes {stable_mosaic.version = 14 : i64} {
  func.func @enc_kernel(%arg0: i32, %arg1: i32, %arg2: memref<3x262144xf32, #tpu.memory_space<hbm>>, %arg3: memref<8388608xf32, #tpu.memory_space<hbm>>, %arg4: memref<128xf32, #tpu.memory_space<hbm>>, %arg5: memref<32x262144xf32, #tpu.memory_space<hbm>>, %arg6: memref<3x1024xf32, #tpu.memory_space<vmem>>, %arg7: memref<4096xi32, #tpu.memory_space<vmem>>, %arg8: memref<4096xi32, #tpu.memory_space<vmem>>, %arg9: memref<4096xf32, #tpu.memory_space<vmem>>, %arg10: memref<4096xf32, #tpu.memory_space<vmem>>, %arg11: memref<4096xf32, #tpu.memory_space<vmem>>, %arg12: memref<4096xi32, #tpu.memory_space<vmem>>, %arg13: memref<4096xi32, #tpu.memory_space<vmem>>, %arg14: memref<4096xf32, #tpu.memory_space<vmem>>, %arg15: memref<4096xf32, #tpu.memory_space<vmem>>, %arg16: memref<4096xf32, #tpu.memory_space<vmem>>, %arg17: memref<32x1024xf32, #tpu.memory_space<vmem>>, %arg18: memref<128xf32, #tpu.memory_space<vmem>>, %arg19: memref<!tpu.dma_semaphore, #tpu.memory_space<semaphore_mem>>, %arg20: memref<!tpu.dma_semaphore, #tpu.memory_space<semaphore_mem>>, %arg21: memref<!tpu.dma_semaphore, #tpu.memory_space<semaphore_mem>>, %arg22: memref<!tpu.dma_semaphore, #tpu.memory_space<semaphore_mem>>) attributes {dimension_semantics = [#tpu.dimension_semantics<core_parallel>, #tpu.dimension_semantics<subcore_parallel>], iteration_bounds = array<i64: 2, 16>, scalar_prefetch = 0 : i64, scratch_operands = 17 : i64, tpu.core_type = #tpu.core_type<sc_vector_subcore>, window_params = [{transform_indices = #map}, {transform_indices = #map1}, {transform_indices = #map1}, {transform_indices = #map}]} {
    %mul3A = arith.constant 2 : i32
    %mul3A_0 = arith.muli %arg1, %mul3A : i32
    %add3A = arith.addi %mul3A_0, %arg0 : i32
    "tpu.region"() ({
      %run_scoped3A = tpu.sem_alloc : memref<!tpu.dma_semaphore, #tpu.memory_space<semaphore_mem>>
      tpu.enqueue_dma source(%arg4 : memref<128xf32, #tpu.memory_space<hbm>>) target(%arg18 : memref<128xf32, #tpu.memory_space<vmem>>) target_semaphore(%run_scoped3A : memref<!tpu.dma_semaphore, #tpu.memory_space<semaphore_mem>>)
      tpu.wait_dma2 semaphore(%run_scoped3A : memref<!tpu.dma_semaphore, #tpu.memory_space<semaphore_mem>>) src(%arg4 : memref<128xf32, #tpu.memory_space<hbm>>) dst(%arg18 : memref<128xf32, #tpu.memory_space<vmem>>)
      tpu.yield
    }) : () -> ()
    %broadcast_in_dim3A = arith.constant 0 : i32
    %broadcast_in_dim3A_1 = vector.broadcast %broadcast_in_dim3A : i32 to vector<16xi32>
    %scan3A = arith.constant 0 : i32
    %scan3A_2 = arith.constant 0 : i32
    %scan3A_3 = arith.constant 8 : i32
    %scan3A_4 = arith.addi %scan3A_2, %scan3A_3 : i32
    %scan3A_5 = arith.constant 1 : i32
    scf.for %scan3A_7 = %scan3A_2 to %scan3A_4 step %scan3A_5  : i32 {
      %mul3A_8 = arith.constant 8192 : i32
      %mul3A_9 = arith.muli %add3A, %mul3A_8 : i32
      %mul3A_10 = arith.constant 1024 : i32
      %mul3A_11 = arith.muli %scan3A_7, %mul3A_10 : i32
      %add3A_12 = arith.addi %mul3A_9, %mul3A_11 : i32
      "tpu.region"() ({
        %run_scoped3A = tpu.sem_alloc : memref<!tpu.dma_semaphore, #tpu.memory_space<semaphore_mem>>
        %dma_start3A = arith.constant 0 : i32
        %dma_start3A_19 = tpu.memref_slice %arg2[%dma_start3A, %add3A_12] : memref<3x262144xf32, #tpu.memory_space<hbm>> -> memref<3x1024xf32, #tpu.memory_space<hbm>>
        %dma_start3A_20 = arith.constant 0 : i32
        %dma_start3A_21 = tpu.memref_slice %arg2[%dma_start3A_20, %add3A_12] : memref<3x262144xf32, #tpu.memory_space<hbm>> -> memref<3x1024xf32, #tpu.memory_space<hbm>>
        tpu.enqueue_dma source(%dma_start3A_21 : memref<3x1024xf32, #tpu.memory_space<hbm>>) target(%arg6 : memref<3x1024xf32, #tpu.memory_space<vmem>>) target_semaphore(%run_scoped3A : memref<!tpu.dma_semaphore, #tpu.memory_space<semaphore_mem>>)
        %dma_wait3A = arith.constant 0 : i32
        %dma_wait3A_22 = tpu.memref_slice %arg2[%dma_wait3A, %add3A_12] : memref<3x262144xf32, #tpu.memory_space<hbm>> -> memref<3x1024xf32, #tpu.memory_space<hbm>>
        %dma_wait3A_23 = arith.constant 0 : i32
        %dma_wait3A_24 = tpu.memref_slice %arg2[%dma_wait3A_23, %add3A_12] : memref<3x262144xf32, #tpu.memory_space<hbm>> -> memref<3x1024xf32, #tpu.memory_space<hbm>>
        tpu.wait_dma2 semaphore(%run_scoped3A : memref<!tpu.dma_semaphore, #tpu.memory_space<semaphore_mem>>) src(%dma_wait3A_24 : memref<3x1024xf32, #tpu.memory_space<hbm>>) dst(%arg6 : memref<3x1024xf32, #tpu.memory_space<vmem>>)
        tpu.yield
      }) : () -> ()
      %scan3A_13 = arith.constant 0 : i32
      %scan3A_14 = arith.constant 0 : i32
      %scan3A_15 = arith.constant 8 : i32
      %scan3A_16 = arith.addi %scan3A_14, %scan3A_15 : i32
      %scan3A_17 = arith.constant 1 : i32
      scf.for %scan3A_19 = %scan3A_14 to %scan3A_16 step %scan3A_17  : i32 {
        %mul3A_20 = arith.constant 2 : i32
        %mul3A_21 = arith.muli %mul3A_20, %scan3A_19 : i32
        %mul3A_22 = arith.constant 2 : i32
        %mul3A_23 = arith.muli %mul3A_22, %scan3A_19 : i32
        %add3A_24 = arith.constant 1 : i32
        %add3A_25 = arith.addi %mul3A_23, %add3A_24 : i32
        %mul3A_26 = arith.constant 8 : i32
        %mul3A_27 = arith.muli %mul3A_26, %mul3A_21 : i32
        %add3A_28 = vector.broadcast %mul3A_27 : i32 to vector<16xi32>
        %add3A_29 = arith.addi %broadcast_in_dim3A_1, %add3A_28 : vector<16xi32>
        %gather3A = tpu.vector_load_idx %arg18[%add3A_29] : memref<128xf32, #tpu.memory_space<vmem>>[vector<16xi32>], vector<16xf32>,
        %add3A_30 = arith.constant 1 : i32
        %add3A_31 = arith.addi %mul3A_27, %add3A_30 : i32
        %add3A_32 = vector.broadcast %add3A_31 : i32 to vector<16xi32>
        %add3A_33 = arith.addi %broadcast_in_dim3A_1, %add3A_32 : vector<16xi32>
        %gather3A_34 = tpu.vector_load_idx %arg18[%add3A_33] : memref<128xf32, #tpu.memory_space<vmem>>[vector<16xi32>], vector<16xf32>,
        %add3A_35 = arith.constant 2 : i32
        %add3A_36 = arith.addi %mul3A_27, %add3A_35 : i32
        %add3A_37 = vector.broadcast %add3A_36 : i32 to vector<16xi32>
        %add3A_38 = arith.addi %broadcast_in_dim3A_1, %add3A_37 : vector<16xi32>
        %gather3A_39 = tpu.vector_load_idx %arg18[%add3A_38] : memref<128xf32, #tpu.memory_space<vmem>>[vector<16xi32>], vector<16xf32>,
        %add3A_40 = arith.constant 3 : i32
        %add3A_41 = arith.addi %mul3A_27, %add3A_40 : i32
        %add3A_42 = vector.broadcast %add3A_41 : i32 to vector<16xi32>
        %add3A_43 = arith.addi %broadcast_in_dim3A_1, %add3A_42 : vector<16xi32>
        %gather3A_44 = tpu.vector_load_idx %arg18[%add3A_43] : memref<128xf32, #tpu.memory_space<vmem>>[vector<16xi32>], vector<16xf32>,
        %mul3A_45 = arith.constant 524288 : i32
        %mul3A_46 = arith.muli %mul3A_21, %mul3A_45 : i32
        %scan3A_47 = arith.constant 0 : i32
        %scan3A_48 = arith.constant 0 : i32
        %scan3A_49 = arith.constant 64 : i32
        %scan3A_50 = arith.addi %scan3A_48, %scan3A_49 : i32
        %scan3A_51 = arith.constant 1 : i32
        scf.for %scan3A_93 = %scan3A_48 to %scan3A_50 step %scan3A_51  : i32 {
          %mul3A_94 = arith.constant 16 : i32
          %mul3A_95 = arith.muli %scan3A_93, %mul3A_94 : i32
          %get3A = arith.constant 0 : i32
          %get3A_96 = arith.index_cast %get3A : i32 to index
          %get3A_97 = arith.index_cast %mul3A_95 : i32 to index
          %get3A_98 = tpu.vector_load %arg6[%get3A_96, %get3A_97] {strides = array<i32>} : memref<3x1024xf32, #tpu.memory_space<vmem>>, vector<16xf32>,
          %get3A_99 = arith.constant 1 : i32
          %get3A_100 = arith.index_cast %get3A_99 : i32 to index
          %get3A_101 = arith.index_cast %mul3A_95 : i32 to index
          %get3A_102 = tpu.vector_load %arg6[%get3A_100, %get3A_101] {strides = array<i32>} : memref<3x1024xf32, #tpu.memory_space<vmem>>, vector<16xf32>,
          %get3A_103 = arith.constant 2 : i32
          %get3A_104 = arith.index_cast %get3A_103 : i32 to index
          %get3A_105 = arith.index_cast %mul3A_95 : i32 to index
          %get3A_106 = tpu.vector_load %arg6[%get3A_104, %get3A_105] {strides = array<i32>} : memref<3x1024xf32, #tpu.memory_space<vmem>>, vector<16xf32>,
          %mul3A_107 = arith.mulf %get3A_98, %gather3A : vector<16xf32>
          %add3A_108 = arith.addf %mul3A_107, %gather3A_34 : vector<16xf32>
          %mul3A_109 = arith.constant 0.707106769 : f32
          %mul3A_110 = vector.broadcast %mul3A_109 : f32 to vector<16xf32>
          %mul3A_111 = arith.mulf %add3A_108, %mul3A_110 : vector<16xf32>
          %mul3A_112 = arith.mulf %get3A_102, %gather3A : vector<16xf32>
          %add3A_113 = arith.addf %mul3A_112, %gather3A_39 : vector<16xf32>
          %mul3A_114 = arith.constant 0.408248305 : f32
          %mul3A_115 = vector.broadcast %mul3A_114 : f32 to vector<16xf32>
          %mul3A_116 = arith.mulf %add3A_113, %mul3A_115 : vector<16xf32>
          %mul3A_117 = arith.mulf %get3A_106, %gather3A : vector<16xf32>
          %add3A_118 = arith.addf %mul3A_117, %gather3A_44 : vector<16xf32>
          %mul3A_119 = arith.constant 0.288675129 : f32
          %mul3A_120 = vector.broadcast %mul3A_119 : f32 to vector<16xf32>
          %mul3A_121 = arith.mulf %add3A_118, %mul3A_120 : vector<16xf32>
          %add3A_122 = arith.addf %mul3A_116, %mul3A_121 : vector<16xf32>
          %add3A_123 = arith.addf %mul3A_111, %add3A_122 : vector<16xf32>
          %sub3A = arith.subf %add3A_122, %mul3A_111 : vector<16xf32>
          %mul3A_124 = arith.constant 2.000000e+00 : f32
          %mul3A_125 = vector.broadcast %mul3A_124 : f32 to vector<16xf32>
          %mul3A_126 = arith.mulf %mul3A_125, %mul3A_116 : vector<16xf32>
          %sub3A_127 = arith.subf %mul3A_121, %mul3A_126 : vector<16xf32>
          %mul3A_128 = arith.constant -3.000000e+00 : f32
          %mul3A_129 = vector.broadcast %mul3A_128 : f32 to vector<16xf32>
          %mul3A_130 = arith.mulf %mul3A_129, %mul3A_121 : vector<16xf32>
          %mul3A_131 = arith.constant 2.500000e-01 : f32
          %mul3A_132 = vector.broadcast %mul3A_131 : f32 to vector<16xf32>
          %mul3A_133 = arith.mulf %add3A_123, %mul3A_132 : vector<16xf32>
          %sub3A_134 = arith.constant 5.000000e-01 : f32
          %sub3A_135 = vector.broadcast %sub3A_134 : f32 to vector<16xf32>
          %sub3A_136 = arith.subf %mul3A_133, %sub3A_135 : vector<16xf32>
          %convert_element_type3A = arith.fptosi %sub3A_136 : vector<16xf32> to vector<16xi32>
          %convert_element_type3A_137 = arith.sitofp %convert_element_type3A : vector<16xi32> to vector<16xf32>
          %lt3A = arith.cmpf olt, %convert_element_type3A_137, %sub3A_136 : vector<16xf32>
          %add3A_138 = arith.constant 1 : i32
          %add3A_139 = vector.broadcast %add3A_138 : i32 to vector<16xi32>
          %add3A_140 = arith.addi %convert_element_type3A, %add3A_139 : vector<16xi32>
          %select_n3A = arith.select %lt3A, %add3A_140, %convert_element_type3A : vector<16xi1>, vector<16xi32>
          %mul3A_141 = arith.constant 2.500000e-01 : f32
          %mul3A_142 = vector.broadcast %mul3A_141 : f32 to vector<16xf32>
          %mul3A_143 = arith.mulf %sub3A, %mul3A_142 : vector<16xf32>
          %sub3A_144 = arith.constant 5.000000e-01 : f32
          %sub3A_145 = vector.broadcast %sub3A_144 : f32 to vector<16xf32>
          %sub3A_146 = arith.subf %mul3A_143, %sub3A_145 : vector<16xf32>
          %convert_element_type3A_147 = arith.fptosi %sub3A_146 : vector<16xf32> to vector<16xi32>
          %convert_element_type3A_148 = arith.sitofp %convert_element_type3A_147 : vector<16xi32> to vector<16xf32>
          %lt3A_149 = arith.cmpf olt, %convert_element_type3A_148, %sub3A_146 : vector<16xf32>
          %add3A_150 = arith.constant 1 : i32
          %add3A_151 = vector.broadcast %add3A_150 : i32 to vector<16xi32>
          %add3A_152 = arith.addi %convert_element_type3A_147, %add3A_151 : vector<16xi32>
          %select_n3A_153 = arith.select %lt3A_149, %add3A_152, %convert_element_type3A_147 : vector<16xi1>, vector<16xi32>
          %mul3A_154 = arith.constant 2.500000e-01 : f32
          %mul3A_155 = vector.broadcast %mul3A_154 : f32 to vector<16xf32>
          %mul3A_156 = arith.mulf %sub3A_127, %mul3A_155 : vector<16xf32>
          %sub3A_157 = arith.constant 5.000000e-01 : f32
          %sub3A_158 = vector.broadcast %sub3A_157 : f32 to vector<16xf32>
          %sub3A_159 = arith.subf %mul3A_156, %sub3A_158 : vector<16xf32>
          %convert_element_type3A_160 = arith.fptosi %sub3A_159 : vector<16xf32> to vector<16xi32>
          %convert_element_type3A_161 = arith.sitofp %convert_element_type3A_160 : vector<16xi32> to vector<16xf32>
          %lt3A_162 = arith.cmpf olt, %convert_element_type3A_161, %sub3A_159 : vector<16xf32>
          %add3A_163 = arith.constant 1 : i32
          %add3A_164 = vector.broadcast %add3A_163 : i32 to vector<16xi32>
          %add3A_165 = arith.addi %convert_element_type3A_160, %add3A_164 : vector<16xi32>
          %select_n3A_166 = arith.select %lt3A_162, %add3A_165, %convert_element_type3A_160 : vector<16xi1>, vector<16xi32>
          %mul3A_167 = arith.constant 2.500000e-01 : f32
          %mul3A_168 = vector.broadcast %mul3A_167 : f32 to vector<16xf32>
          %mul3A_169 = arith.mulf %mul3A_130, %mul3A_168 : vector<16xf32>
          %sub3A_170 = arith.constant 5.000000e-01 : f32
          %sub3A_171 = vector.broadcast %sub3A_170 : f32 to vector<16xf32>
          %sub3A_172 = arith.subf %mul3A_169, %sub3A_171 : vector<16xf32>
          %convert_element_type3A_173 = arith.fptosi %sub3A_172 : vector<16xf32> to vector<16xi32>
          %convert_element_type3A_174 = arith.sitofp %convert_element_type3A_173 : vector<16xi32> to vector<16xf32>
          %lt3A_175 = arith.cmpf olt, %convert_element_type3A_174, %sub3A_172 : vector<16xf32>
          %add3A_176 = arith.constant 1 : i32
          %add3A_177 = vector.broadcast %add3A_176 : i32 to vector<16xi32>
          %add3A_178 = arith.addi %convert_element_type3A_173, %add3A_177 : vector<16xi32>
          %select_n3A_179 = arith.select %lt3A_175, %add3A_178, %convert_element_type3A_173 : vector<16xi1>, vector<16xi32>
          %add3A_180 = arith.addi %select_n3A, %select_n3A_153 : vector<16xi32>
          %add3A_181 = arith.addi %select_n3A_166, %select_n3A_179 : vector<16xi32>
          %add3A_182 = arith.addi %add3A_180, %add3A_181 : vector<16xi32>
          %mul3A_183 = arith.constant 4 : i32
          %mul3A_184 = vector.broadcast %mul3A_183 : i32 to vector<16xi32>
          %mul3A_185 = arith.muli %select_n3A, %mul3A_184 : vector<16xi32>
          %mul3A_186 = arith.constant 4 : i32
          %mul3A_187 = vector.broadcast %mul3A_186 : i32 to vector<16xi32>
          %mul3A_188 = arith.muli %select_n3A_153, %mul3A_187 : vector<16xi32>
          %mul3A_189 = arith.constant 4 : i32
          %mul3A_190 = vector.broadcast %mul3A_189 : i32 to vector<16xi32>
          %mul3A_191 = arith.muli %select_n3A_166, %mul3A_190 : vector<16xi32>
          %mul3A_192 = arith.constant 4 : i32
          %mul3A_193 = vector.broadcast %mul3A_192 : i32 to vector<16xi32>
          %mul3A_194 = arith.muli %select_n3A_179, %mul3A_193 : vector<16xi32>
          %convert_element_type3A_195 = arith.sitofp %mul3A_185 : vector<16xi32> to vector<16xf32>
          %sub3A_196 = arith.subf %add3A_123, %convert_element_type3A_195 : vector<16xf32>
          %convert_element_type3A_197 = arith.sitofp %mul3A_188 : vector<16xi32> to vector<16xf32>
          %sub3A_198 = arith.subf %sub3A, %convert_element_type3A_197 : vector<16xf32>
          %convert_element_type3A_199 = arith.sitofp %mul3A_191 : vector<16xi32> to vector<16xf32>
          %sub3A_200 = arith.subf %sub3A_127, %convert_element_type3A_199 : vector<16xf32>
          %convert_element_type3A_201 = arith.sitofp %mul3A_194 : vector<16xi32> to vector<16xf32>
          %sub3A_202 = arith.subf %mul3A_130, %convert_element_type3A_201 : vector<16xf32>
          %lt3A_203 = arith.cmpf olt, %sub3A_196, %sub3A_198 : vector<16xf32>
          %jit3A = arith.constant 1 : i32
          %jit3A_204 = arith.constant 0 : i32
          %broadcast_in_dim3A_205 = vector.broadcast %jit3A : i32 to vector<16xi32>
          %broadcast_in_dim3A_206 = vector.broadcast %jit3A_204 : i32 to vector<16xi32>
          %select_n3A_207 = arith.select %lt3A_203, %broadcast_in_dim3A_205, %broadcast_in_dim3A_206 : vector<16xi1>, vector<16xi32>
          %add3A_208 = arith.addi %add3A_182, %select_n3A_207 : vector<16xi32>
          %jit3A_209 = arith.constant 0 : i32
          %jit3A_210 = arith.constant 1 : i32
          %broadcast_in_dim3A_211 = vector.broadcast %jit3A_209 : i32 to vector<16xi32>
          %broadcast_in_dim3A_212 = vector.broadcast %jit3A_210 : i32 to vector<16xi32>
          %select_n3A_213 = arith.select %lt3A_203, %broadcast_in_dim3A_211, %broadcast_in_dim3A_212 : vector<16xi1>, vector<16xi32>
          %add3A_214 = arith.addi %add3A_182, %select_n3A_213 : vector<16xi32>
          %lt3A_215 = arith.cmpf olt, %sub3A_196, %sub3A_200 : vector<16xf32>
          %jit3A_216 = arith.constant 1 : i32
          %jit3A_217 = arith.constant 0 : i32
          %broadcast_in_dim3A_218 = vector.broadcast %jit3A_216 : i32 to vector<16xi32>
          %broadcast_in_dim3A_219 = vector.broadcast %jit3A_217 : i32 to vector<16xi32>
          %select_n3A_220 = arith.select %lt3A_215, %broadcast_in_dim3A_218, %broadcast_in_dim3A_219 : vector<16xi1>, vector<16xi32>
          %add3A_221 = arith.addi %add3A_208, %select_n3A_220 : vector<16xi32>
          %jit3A_222 = arith.constant 0 : i32
          %jit3A_223 = arith.constant 1 : i32
          %broadcast_in_dim3A_224 = vector.broadcast %jit3A_222 : i32 to vector<16xi32>
          %broadcast_in_dim3A_225 = vector.broadcast %jit3A_223 : i32 to vector<16xi32>
          %select_n3A_226 = arith.select %lt3A_215, %broadcast_in_dim3A_224, %broadcast_in_dim3A_225 : vector<16xi1>, vector<16xi32>
          %add3A_227 = arith.addi %add3A_182, %select_n3A_226 : vector<16xi32>
          %lt3A_228 = arith.cmpf olt, %sub3A_196, %sub3A_202 : vector<16xf32>
          %jit3A_229 = arith.constant 1 : i32
          %jit3A_230 = arith.constant 0 : i32
          %broadcast_in_dim3A_231 = vector.broadcast %jit3A_229 : i32 to vector<16xi32>
          %broadcast_in_dim3A_232 = vector.broadcast %jit3A_230 : i32 to vector<16xi32>
          %select_n3A_233 = arith.select %lt3A_228, %broadcast_in_dim3A_231, %broadcast_in_dim3A_232 : vector<16xi1>, vector<16xi32>
          %add3A_234 = arith.addi %add3A_221, %select_n3A_233 : vector<16xi32>
          %jit3A_235 = arith.constant 0 : i32
          %jit3A_236 = arith.constant 1 : i32
          %broadcast_in_dim3A_237 = vector.broadcast %jit3A_235 : i32 to vector<16xi32>
          %broadcast_in_dim3A_238 = vector.broadcast %jit3A_236 : i32 to vector<16xi32>
          %select_n3A_239 = arith.select %lt3A_228, %broadcast_in_dim3A_237, %broadcast_in_dim3A_238 : vector<16xi1>, vector<16xi32>
          %add3A_240 = arith.addi %add3A_182, %select_n3A_239 : vector<16xi32>
          %lt3A_241 = arith.cmpf olt, %sub3A_198, %sub3A_200 : vector<16xf32>
          %jit3A_242 = arith.constant 1 : i32
          %jit3A_243 = arith.constant 0 : i32
          %broadcast_in_dim3A_244 = vector.broadcast %jit3A_242 : i32 to vector<16xi32>
          %broadcast_in_dim3A_245 = vector.broadcast %jit3A_243 : i32 to vector<16xi32>
          %select_n3A_246 = arith.select %lt3A_241, %broadcast_in_dim3A_244, %broadcast_in_dim3A_245 : vector<16xi1>, vector<16xi32>
          %add3A_247 = arith.addi %add3A_214, %select_n3A_246 : vector<16xi32>
          %jit3A_248 = arith.constant 0 : i32
          %jit3A_249 = arith.constant 1 : i32
          %broadcast_in_dim3A_250 = vector.broadcast %jit3A_248 : i32 to vector<16xi32>
          %broadcast_in_dim3A_251 = vector.broadcast %jit3A_249 : i32 to vector<16xi32>
          %select_n3A_252 = arith.select %lt3A_241, %broadcast_in_dim3A_250, %broadcast_in_dim3A_251 : vector<16xi1>, vector<16xi32>
          %add3A_253 = arith.addi %add3A_227, %select_n3A_252 : vector<16xi32>
          %lt3A_254 = arith.cmpf olt, %sub3A_198, %sub3A_202 : vector<16xf32>
          %jit3A_255 = arith.constant 1 : i32
          %jit3A_256 = arith.constant 0 : i32
          %broadcast_in_dim3A_257 = vector.broadcast %jit3A_255 : i32 to vector<16xi32>
          %broadcast_in_dim3A_258 = vector.broadcast %jit3A_256 : i32 to vector<16xi32>
          %select_n3A_259 = arith.select %lt3A_254, %broadcast_in_dim3A_257, %broadcast_in_dim3A_258 : vector<16xi1>, vector<16xi32>
          %add3A_260 = arith.addi %add3A_247, %select_n3A_259 : vector<16xi32>
          %jit3A_261 = arith.constant 0 : i32
          %jit3A_262 = arith.constant 1 : i32
          %broadcast_in_dim3A_263 = vector.broadcast %jit3A_261 : i32 to vector<16xi32>
          %broadcast_in_dim3A_264 = vector.broadcast %jit3A_262 : i32 to vector<16xi32>
          %select_n3A_265 = arith.select %lt3A_254, %broadcast_in_dim3A_263, %broadcast_in_dim3A_264 : vector<16xi1>, vector<16xi32>
          %add3A_266 = arith.addi %add3A_240, %select_n3A_265 : vector<16xi32>
          %lt3A_267 = arith.cmpf olt, %sub3A_200, %sub3A_202 : vector<16xf32>
          %jit3A_268 = arith.constant 1 : i32
          %jit3A_269 = arith.constant 0 : i32
          %broadcast_in_dim3A_270 = vector.broadcast %jit3A_268 : i32 to vector<16xi32>
          %broadcast_in_dim3A_271 = vector.broadcast %jit3A_269 : i32 to vector<16xi32>
          %select_n3A_272 = arith.select %lt3A_267, %broadcast_in_dim3A_270, %broadcast_in_dim3A_271 : vector<16xi1>, vector<16xi32>
          %add3A_273 = arith.addi %add3A_253, %select_n3A_272 : vector<16xi32>
          %jit3A_274 = arith.constant 0 : i32
          %jit3A_275 = arith.constant 1 : i32
          %broadcast_in_dim3A_276 = vector.broadcast %jit3A_274 : i32 to vector<16xi32>
          %broadcast_in_dim3A_277 = vector.broadcast %jit3A_275 : i32 to vector<16xi32>
          %select_n3A_278 = arith.select %lt3A_267, %broadcast_in_dim3A_276, %broadcast_in_dim3A_277 : vector<16xi1>, vector<16xi32>
          %add3A_279 = arith.addi %add3A_266, %select_n3A_278 : vector<16xi32>
          %lt3A_280 = arith.constant 0 : i32
          %lt3A_281 = vector.broadcast %lt3A_280 : i32 to vector<16xi32>
          %lt3A_282 = arith.cmpi slt, %add3A_234, %lt3A_281 : vector<16xi32>
          %gt3A = arith.constant 3 : i32
          %gt3A_283 = vector.broadcast %gt3A : i32 to vector<16xi32>
          %gt3A_284 = arith.cmpi sgt, %add3A_234, %gt3A_283 : vector<16xi32>
          %add3A_285 = arith.constant 4 : i32
          %add3A_286 = vector.broadcast %add3A_285 : i32 to vector<16xi32>
          %add3A_287 = arith.addi %mul3A_185, %add3A_286 : vector<16xi32>
          %sub3A_288 = arith.constant 4 : i32
          %sub3A_289 = vector.broadcast %sub3A_288 : i32 to vector<16xi32>
          %sub3A_290 = arith.subi %mul3A_185, %sub3A_289 : vector<16xi32>
          %select_n3A_291 = arith.select %gt3A_284, %sub3A_290, %mul3A_185 : vector<16xi1>, vector<16xi32>
          %select_n3A_292 = arith.select %lt3A_282, %add3A_287, %select_n3A_291 : vector<16xi1>, vector<16xi32>
          %add3A_293 = arith.constant 4 : i32
          %add3A_294 = vector.broadcast %add3A_293 : i32 to vector<16xi32>
          %add3A_295 = arith.addi %add3A_234, %add3A_294 : vector<16xi32>
          %sub3A_296 = arith.constant 4 : i32
          %sub3A_297 = vector.broadcast %sub3A_296 : i32 to vector<16xi32>
          %sub3A_298 = arith.subi %add3A_234, %sub3A_297 : vector<16xi32>
          %select_n3A_299 = arith.select %gt3A_284, %sub3A_298, %add3A_234 : vector<16xi1>, vector<16xi32>
          %select_n3A_300 = arith.select %lt3A_282, %add3A_295, %select_n3A_299 : vector<16xi1>, vector<16xi32>
          %convert_element_type3A_301 = arith.sitofp %select_n3A_292 : vector<16xi32> to vector<16xf32>
          %sub3A_302 = arith.subf %add3A_123, %convert_element_type3A_301 : vector<16xf32>
          %mul3A_303 = arith.constant 2.500000e-01 : f32
          %mul3A_304 = vector.broadcast %mul3A_303 : f32 to vector<16xf32>
          %mul3A_305 = arith.mulf %sub3A_302, %mul3A_304 : vector<16xf32>
          %lt3A_306 = arith.constant 0 : i32
          %lt3A_307 = vector.broadcast %lt3A_306 : i32 to vector<16xi32>
          %lt3A_308 = arith.cmpi slt, %add3A_260, %lt3A_307 : vector<16xi32>
          %gt3A_309 = arith.constant 3 : i32
          %gt3A_310 = vector.broadcast %gt3A_309 : i32 to vector<16xi32>
          %gt3A_311 = arith.cmpi sgt, %add3A_260, %gt3A_310 : vector<16xi32>
          %add3A_312 = arith.constant 4 : i32
          %add3A_313 = vector.broadcast %add3A_312 : i32 to vector<16xi32>
          %add3A_314 = arith.addi %mul3A_188, %add3A_313 : vector<16xi32>
          %sub3A_315 = arith.constant 4 : i32
          %sub3A_316 = vector.broadcast %sub3A_315 : i32 to vector<16xi32>
          %sub3A_317 = arith.subi %mul3A_188, %sub3A_316 : vector<16xi32>
          %select_n3A_318 = arith.select %gt3A_311, %sub3A_317, %mul3A_188 : vector<16xi1>, vector<16xi32>
          %select_n3A_319 = arith.select %lt3A_308, %add3A_314, %select_n3A_318 : vector<16xi1>, vector<16xi32>
          %add3A_320 = arith.constant 4 : i32
          %add3A_321 = vector.broadcast %add3A_320 : i32 to vector<16xi32>
          %add3A_322 = arith.addi %add3A_260, %add3A_321 : vector<16xi32>
          %sub3A_323 = arith.constant 4 : i32
          %sub3A_324 = vector.broadcast %sub3A_323 : i32 to vector<16xi32>
          %sub3A_325 = arith.subi %add3A_260, %sub3A_324 : vector<16xi32>
          %select_n3A_326 = arith.select %gt3A_311, %sub3A_325, %add3A_260 : vector<16xi1>, vector<16xi32>
          %select_n3A_327 = arith.select %lt3A_308, %add3A_322, %select_n3A_326 : vector<16xi1>, vector<16xi32>
          %convert_element_type3A_328 = arith.sitofp %select_n3A_319 : vector<16xi32> to vector<16xf32>
          %sub3A_329 = arith.subf %sub3A, %convert_element_type3A_328 : vector<16xf32>
          %mul3A_330 = arith.constant 2.500000e-01 : f32
          %mul3A_331 = vector.broadcast %mul3A_330 : f32 to vector<16xf32>
          %mul3A_332 = arith.mulf %sub3A_329, %mul3A_331 : vector<16xf32>
          %lt3A_333 = arith.constant 0 : i32
          %lt3A_334 = vector.broadcast %lt3A_333 : i32 to vector<16xi32>
          %lt3A_335 = arith.cmpi slt, %add3A_273, %lt3A_334 : vector<16xi32>
          %gt3A_336 = arith.constant 3 : i32
          %gt3A_337 = vector.broadcast %gt3A_336 : i32 to vector<16xi32>
          %gt3A_338 = arith.cmpi sgt, %add3A_273, %gt3A_337 : vector<16xi32>
          %add3A_339 = arith.constant 4 : i32
          %add3A_340 = vector.broadcast %add3A_339 : i32 to vector<16xi32>
          %add3A_341 = arith.addi %mul3A_191, %add3A_340 : vector<16xi32>
          %sub3A_342 = arith.constant 4 : i32
          %sub3A_343 = vector.broadcast %sub3A_342 : i32 to vector<16xi32>
          %sub3A_344 = arith.subi %mul3A_191, %sub3A_343 : vector<16xi32>
          %select_n3A_345 = arith.select %gt3A_338, %sub3A_344, %mul3A_191 : vector<16xi1>, vector<16xi32>
          %select_n3A_346 = arith.select %lt3A_335, %add3A_341, %select_n3A_345 : vector<16xi1>, vector<16xi32>
          %add3A_347 = arith.constant 4 : i32
          %add3A_348 = vector.broadcast %add3A_347 : i32 to vector<16xi32>
          %add3A_349 = arith.addi %add3A_273, %add3A_348 : vector<16xi32>
          %sub3A_350 = arith.constant 4 : i32
          %sub3A_351 = vector.broadcast %sub3A_350 : i32 to vector<16xi32>
          %sub3A_352 = arith.subi %add3A_273, %sub3A_351 : vector<16xi32>
          %select_n3A_353 = arith.select %gt3A_338, %sub3A_352, %add3A_273 : vector<16xi1>, vector<16xi32>
          %select_n3A_354 = arith.select %lt3A_335, %add3A_349, %select_n3A_353 : vector<16xi1>, vector<16xi32>
          %convert_element_type3A_355 = arith.sitofp %select_n3A_346 : vector<16xi32> to vector<16xf32>
          %sub3A_356 = arith.subf %sub3A_127, %convert_element_type3A_355 : vector<16xf32>
          %mul3A_357 = arith.constant 2.500000e-01 : f32
          %mul3A_358 = vector.broadcast %mul3A_357 : f32 to vector<16xf32>
          %mul3A_359 = arith.mulf %sub3A_356, %mul3A_358 : vector<16xf32>
          %lt3A_360 = arith.constant 0 : i32
          %lt3A_361 = vector.broadcast %lt3A_360 : i32 to vector<16xi32>
          %lt3A_362 = arith.cmpi slt, %add3A_279, %lt3A_361 : vector<16xi32>
          %gt3A_363 = arith.constant 3 : i32
          %gt3A_364 = vector.broadcast %gt3A_363 : i32 to vector<16xi32>
          %gt3A_365 = arith.cmpi sgt, %add3A_279, %gt3A_364 : vector<16xi32>
          %add3A_366 = arith.constant 4 : i32
          %add3A_367 = vector.broadcast %add3A_366 : i32 to vector<16xi32>
          %add3A_368 = arith.addi %mul3A_194, %add3A_367 : vector<16xi32>
          %sub3A_369 = arith.constant 4 : i32
          %sub3A_370 = vector.broadcast %sub3A_369 : i32 to vector<16xi32>
          %sub3A_371 = arith.subi %mul3A_194, %sub3A_370 : vector<16xi32>
          %select_n3A_372 = arith.select %gt3A_365, %sub3A_371, %mul3A_194 : vector<16xi1>, vector<16xi32>
          %select_n3A_373 = arith.select %lt3A_362, %add3A_368, %select_n3A_372 : vector<16xi1>, vector<16xi32>
          %add3A_374 = arith.constant 4 : i32
          %add3A_375 = vector.broadcast %add3A_374 : i32 to vector<16xi32>
          %add3A_376 = arith.addi %add3A_279, %add3A_375 : vector<16xi32>
          %sub3A_377 = arith.constant 4 : i32
          %sub3A_378 = vector.broadcast %sub3A_377 : i32 to vector<16xi32>
          %sub3A_379 = arith.subi %add3A_279, %sub3A_378 : vector<16xi32>
          %select_n3A_380 = arith.select %gt3A_365, %sub3A_379, %add3A_279 : vector<16xi1>, vector<16xi32>
          %select_n3A_381 = arith.select %lt3A_362, %add3A_376, %select_n3A_380 : vector<16xi1>, vector<16xi32>
          %convert_element_type3A_382 = arith.sitofp %select_n3A_373 : vector<16xi32> to vector<16xf32>
          %sub3A_383 = arith.subf %mul3A_130, %convert_element_type3A_382 : vector<16xf32>
          %mul3A_384 = arith.constant 2.500000e-01 : f32
          %mul3A_385 = vector.broadcast %mul3A_384 : f32 to vector<16xf32>
          %mul3A_386 = arith.mulf %sub3A_383, %mul3A_385 : vector<16xf32>
          %eq3A = arith.constant 0 : i32
          %eq3A_387 = vector.broadcast %eq3A : i32 to vector<16xi32>
          %eq3A_388 = arith.cmpi eq, %select_n3A_300, %eq3A_387 : vector<16xi32>
          %jit3A_389 = arith.constant 0.000000e+00 : f32
          %broadcast_in_dim3A_390 = vector.broadcast %jit3A_389 : f32 to vector<16xf32>
          %select_n3A_391 = arith.select %eq3A_388, %mul3A_305, %broadcast_in_dim3A_390 : vector<16xi1>, vector<16xf32>
          %eq3A_392 = arith.constant 0 : i32
          %eq3A_393 = vector.broadcast %eq3A_392 : i32 to vector<16xi32>
          %eq3A_394 = arith.cmpi eq, %select_n3A_327, %eq3A_393 : vector<16xi32>
          %jit3A_395 = arith.constant 0.000000e+00 : f32
          %broadcast_in_dim3A_396 = vector.broadcast %jit3A_395 : f32 to vector<16xf32>
          %select_n3A_397 = arith.select %eq3A_394, %mul3A_332, %broadcast_in_dim3A_396 : vector<16xi1>, vector<16xf32>
          %add3A_398 = arith.addf %select_n3A_391, %select_n3A_397 : vector<16xf32>
          %eq3A_399 = arith.constant 0 : i32
          %eq3A_400 = vector.broadcast %eq3A_399 : i32 to vector<16xi32>
          %eq3A_401 = arith.cmpi eq, %select_n3A_354, %eq3A_400 : vector<16xi32>
          %jit3A_402 = arith.constant 0.000000e+00 : f32
          %broadcast_in_dim3A_403 = vector.broadcast %jit3A_402 : f32 to vector<16xf32>
          %select_n3A_404 = arith.select %eq3A_401, %mul3A_359, %broadcast_in_dim3A_403 : vector<16xi1>, vector<16xf32>
          %add3A_405 = arith.addf %add3A_398, %select_n3A_404 : vector<16xf32>
          %eq3A_406 = arith.constant 0 : i32
          %eq3A_407 = vector.broadcast %eq3A_406 : i32 to vector<16xi32>
          %eq3A_408 = arith.cmpi eq, %select_n3A_381, %eq3A_407 : vector<16xi32>
          %jit3A_409 = arith.constant 0.000000e+00 : f32
          %broadcast_in_dim3A_410 = vector.broadcast %jit3A_409 : f32 to vector<16xf32>
          %select_n3A_411 = arith.select %eq3A_408, %mul3A_386, %broadcast_in_dim3A_410 : vector<16xi1>, vector<16xf32>
          %add3A_412 = arith.addf %add3A_405, %select_n3A_411 : vector<16xf32>
          %eq3A_413 = arith.constant 1 : i32
          %eq3A_414 = vector.broadcast %eq3A_413 : i32 to vector<16xi32>
          %eq3A_415 = arith.cmpi eq, %select_n3A_300, %eq3A_414 : vector<16xi32>
          %jit3A_416 = arith.constant 0.000000e+00 : f32
          %broadcast_in_dim3A_417 = vector.broadcast %jit3A_416 : f32 to vector<16xf32>
          %select_n3A_418 = arith.select %eq3A_415, %mul3A_305, %broadcast_in_dim3A_417 : vector<16xi1>, vector<16xf32>
          %eq3A_419 = arith.constant 1 : i32
          %eq3A_420 = vector.broadcast %eq3A_419 : i32 to vector<16xi32>
          %eq3A_421 = arith.cmpi eq, %select_n3A_327, %eq3A_420 : vector<16xi32>
          %jit3A_422 = arith.constant 0.000000e+00 : f32
          %broadcast_in_dim3A_423 = vector.broadcast %jit3A_422 : f32 to vector<16xf32>
          %select_n3A_424 = arith.select %eq3A_421, %mul3A_332, %broadcast_in_dim3A_423 : vector<16xi1>, vector<16xf32>
          %add3A_425 = arith.addf %select_n3A_418, %select_n3A_424 : vector<16xf32>
          %eq3A_426 = arith.constant 1 : i32
          %eq3A_427 = vector.broadcast %eq3A_426 : i32 to vector<16xi32>
          %eq3A_428 = arith.cmpi eq, %select_n3A_354, %eq3A_427 : vector<16xi32>
          %jit3A_429 = arith.constant 0.000000e+00 : f32
          %broadcast_in_dim3A_430 = vector.broadcast %jit3A_429 : f32 to vector<16xf32>
          %select_n3A_431 = arith.select %eq3A_428, %mul3A_359, %broadcast_in_dim3A_430 : vector<16xi1>, vector<16xf32>
          %add3A_432 = arith.addf %add3A_425, %select_n3A_431 : vector<16xf32>
          %eq3A_433 = arith.constant 1 : i32
          %eq3A_434 = vector.broadcast %eq3A_433 : i32 to vector<16xi32>
          %eq3A_435 = arith.cmpi eq, %select_n3A_381, %eq3A_434 : vector<16xi32>
          %jit3A_436 = arith.constant 0.000000e+00 : f32
          %broadcast_in_dim3A_437 = vector.broadcast %jit3A_436 : f32 to vector<16xf32>
          %select_n3A_438 = arith.select %eq3A_435, %mul3A_386, %broadcast_in_dim3A_437 : vector<16xi1>, vector<16xf32>
          %add3A_439 = arith.addf %add3A_432, %select_n3A_438 : vector<16xf32>
          %eq3A_440 = arith.constant 2 : i32
          %eq3A_441 = vector.broadcast %eq3A_440 : i32 to vector<16xi32>
          %eq3A_442 = arith.cmpi eq, %select_n3A_300, %eq3A_441 : vector<16xi32>
          %jit3A_443 = arith.constant 0.000000e+00 : f32
          %broadcast_in_dim3A_444 = vector.broadcast %jit3A_443 : f32 to vector<16xf32>
          %select_n3A_445 = arith.select %eq3A_442, %mul3A_305, %broadcast_in_dim3A_444 : vector<16xi1>, vector<16xf32>
          %eq3A_446 = arith.constant 2 : i32
          %eq3A_447 = vector.broadcast %eq3A_446 : i32 to vector<16xi32>
          %eq3A_448 = arith.cmpi eq, %select_n3A_327, %eq3A_447 : vector<16xi32>
          %jit3A_449 = arith.constant 0.000000e+00 : f32
          %broadcast_in_dim3A_450 = vector.broadcast %jit3A_449 : f32 to vector<16xf32>
          %select_n3A_451 = arith.select %eq3A_448, %mul3A_332, %broadcast_in_dim3A_450 : vector<16xi1>, vector<16xf32>
          %add3A_452 = arith.addf %select_n3A_445, %select_n3A_451 : vector<16xf32>
          %eq3A_453 = arith.constant 2 : i32
          %eq3A_454 = vector.broadcast %eq3A_453 : i32 to vector<16xi32>
          %eq3A_455 = arith.cmpi eq, %select_n3A_354, %eq3A_454 : vector<16xi32>
          %jit3A_456 = arith.constant 0.000000e+00 : f32
          %broadcast_in_dim3A_457 = vector.broadcast %jit3A_456 : f32 to vector<16xf32>
          %select_n3A_458 = arith.select %eq3A_455, %mul3A_359, %broadcast_in_dim3A_457 : vector<16xi1>, vector<16xf32>
          %add3A_459 = arith.addf %add3A_452, %select_n3A_458 : vector<16xf32>
          %eq3A_460 = arith.constant 2 : i32
          %eq3A_461 = vector.broadcast %eq3A_460 : i32 to vector<16xi32>
          %eq3A_462 = arith.cmpi eq, %select_n3A_381, %eq3A_461 : vector<16xi32>
          %jit3A_463 = arith.constant 0.000000e+00 : f32
          %broadcast_in_dim3A_464 = vector.broadcast %jit3A_463 : f32 to vector<16xf32>
          %select_n3A_465 = arith.select %eq3A_462, %mul3A_386, %broadcast_in_dim3A_464 : vector<16xi1>, vector<16xf32>
          %add3A_466 = arith.addf %add3A_459, %select_n3A_465 : vector<16xf32>
          %eq3A_467 = arith.constant 3 : i32
          %eq3A_468 = vector.broadcast %eq3A_467 : i32 to vector<16xi32>
          %eq3A_469 = arith.cmpi eq, %select_n3A_300, %eq3A_468 : vector<16xi32>
          %jit3A_470 = arith.constant 0.000000e+00 : f32
          %broadcast_in_dim3A_471 = vector.broadcast %jit3A_470 : f32 to vector<16xf32>
          %select_n3A_472 = arith.select %eq3A_469, %mul3A_305, %broadcast_in_dim3A_471 : vector<16xi1>, vector<16xf32>
          %eq3A_473 = arith.constant 3 : i32
          %eq3A_474 = vector.broadcast %eq3A_473 : i32 to vector<16xi32>
          %eq3A_475 = arith.cmpi eq, %select_n3A_327, %eq3A_474 : vector<16xi32>
          %jit3A_476 = arith.constant 0.000000e+00 : f32
          %broadcast_in_dim3A_477 = vector.broadcast %jit3A_476 : f32 to vector<16xf32>
          %select_n3A_478 = arith.select %eq3A_475, %mul3A_332, %broadcast_in_dim3A_477 : vector<16xi1>, vector<16xf32>
          %add3A_479 = arith.addf %select_n3A_472, %select_n3A_478 : vector<16xf32>
          %eq3A_480 = arith.constant 3 : i32
          %eq3A_481 = vector.broadcast %eq3A_480 : i32 to vector<16xi32>
          %eq3A_482 = arith.cmpi eq, %select_n3A_354, %eq3A_481 : vector<16xi32>
          %jit3A_483 = arith.constant 0.000000e+00 : f32
          %broadcast_in_dim3A_484 = vector.broadcast %jit3A_483 : f32 to vector<16xf32>
          %select_n3A_485 = arith.select %eq3A_482, %mul3A_359, %broadcast_in_dim3A_484 : vector<16xi1>, vector<16xf32>
          %add3A_486 = arith.addf %add3A_479, %select_n3A_485 : vector<16xf32>
          %eq3A_487 = arith.constant 3 : i32
          %eq3A_488 = vector.broadcast %eq3A_487 : i32 to vector<16xi32>
          %eq3A_489 = arith.cmpi eq, %select_n3A_381, %eq3A_488 : vector<16xi32>
          %jit3A_490 = arith.constant 0.000000e+00 : f32
          %broadcast_in_dim3A_491 = vector.broadcast %jit3A_490 : f32 to vector<16xf32>
          %select_n3A_492 = arith.select %eq3A_489, %mul3A_386, %broadcast_in_dim3A_491 : vector<16xi1>, vector<16xf32>
          %add3A_493 = arith.addf %add3A_486, %select_n3A_492 : vector<16xf32>
          %add3A_494 = arith.constant 1.000000e+00 : f32
          %add3A_495 = vector.broadcast %add3A_494 : f32 to vector<16xf32>
          %add3A_496 = arith.addf %add3A_495, %add3A_493 : vector<16xf32>
          %sub3A_497 = arith.subf %add3A_496, %add3A_412 : vector<16xf32>
          %sub3A_498 = arith.subf %add3A_466, %add3A_493 : vector<16xf32>
          %sub3A_499 = arith.subf %add3A_439, %add3A_466 : vector<16xf32>
          %sub3A_500 = arith.subf %add3A_412, %add3A_439 : vector<16xf32>
          %mul3A_501 = arith.constant -1640531535 : i32
          %mul3A_502 = vector.broadcast %mul3A_501 : i32 to vector<16xi32>
          %mul3A_503 = arith.muli %select_n3A_292, %mul3A_502 : vector<16xi32>
          %mul3A_504 = arith.constant 805459861 : i32
          %mul3A_505 = vector.broadcast %mul3A_504 : i32 to vector<16xi32>
          %mul3A_506 = arith.muli %select_n3A_319, %mul3A_505 : vector<16xi32>
          %xor3A = arith.xori %mul3A_503, %mul3A_506 : vector<16xi32>
          %mul3A_507 = arith.constant -620313867 : i32
          %mul3A_508 = vector.broadcast %mul3A_507 : i32 to vector<16xi32>
          %mul3A_509 = arith.muli %select_n3A_346, %mul3A_508 : vector<16xi32>
          %xor3A_510 = arith.xori %xor3A, %mul3A_509 : vector<16xi32>
          %and3A = arith.constant 262143 : i32
          %and3A_511 = vector.broadcast %and3A : i32 to vector<16xi32>
          %and3A_512 = arith.andi %xor3A_510, %and3A_511 : vector<16xi32>
          %shift_right_arithmetic3A = arith.constant 7 : i32
          %shift_right_arithmetic3A_513 = vector.broadcast %shift_right_arithmetic3A : i32 to vector<16xi32>
          %shift_right_arithmetic3A_514 = arith.shrsi %and3A_512, %shift_right_arithmetic3A_513 : vector<16xi32>
          %shift_left3A = arith.constant 8 : i32
          %shift_left3A_515 = vector.broadcast %shift_left3A : i32 to vector<16xi32>
          %shift_left3A_516 = arith.shli %shift_right_arithmetic3A_514, %shift_left3A_515 : vector<16xi32>
          %add3A_517 = vector.broadcast %mul3A_46 : i32 to vector<16xi32>
          %add3A_518 = arith.addi %add3A_517, %shift_left3A_516 : vector<16xi32>
          %and3A_519 = arith.constant 127 : i32
          %and3A_520 = vector.broadcast %and3A_519 : i32 to vector<16xi32>
          %and3A_521 = arith.andi %and3A_512, %and3A_520 : vector<16xi32>
          %add3A_522 = arith.addi %add3A_518, %and3A_521 : vector<16xi32>
          %add3A_523 = arith.constant 0 : i32
          %add3A_524 = arith.addi %add3A_523, %mul3A_95 : i32
          %swap3A = arith.index_cast %add3A_524 : i32 to index
          %swap3A_525 = tpu.vector_load %arg7[%swap3A] {strides = array<i32>} : memref<4096xi32, #tpu.memory_space<vmem>>, vector<16xi32>,
          tpu.vector_store %arg7[%swap3A], %add3A_522 {strides = array<i32>} : memref<4096xi32, #tpu.memory_space<vmem>>, vector<16xi32>,
          %add3A_526 = arith.constant 128 : i32
          %add3A_527 = vector.broadcast %add3A_526 : i32 to vector<16xi32>
          %add3A_528 = arith.addi %add3A_522, %add3A_527 : vector<16xi32>
          %add3A_529 = arith.constant 0 : i32
          %add3A_530 = arith.addi %add3A_529, %mul3A_95 : i32
          %swap3A_531 = arith.index_cast %add3A_530 : i32 to index
          %swap3A_532 = tpu.vector_load %arg8[%swap3A_531] {strides = array<i32>} : memref<4096xi32, #tpu.memory_space<vmem>>, vector<16xi32>,
          tpu.vector_store %arg8[%swap3A_531], %add3A_528 {strides = array<i32>} : memref<4096xi32, #tpu.memory_space<vmem>>, vector<16xi32>,
          %add3A_533 = arith.constant 0 : i32
          %add3A_534 = arith.addi %add3A_533, %mul3A_95 : i32
          %swap3A_535 = arith.index_cast %add3A_534 : i32 to index
          %swap3A_536 = tpu.vector_load %arg9[%swap3A_535] {strides = array<i32>} : memref<4096xf32, #tpu.memory_space<vmem>>, vector<16xf32>,
          tpu.vector_store %arg9[%swap3A_535], %sub3A_497 {strides = array<i32>} : memref<4096xf32, #tpu.memory_space<vmem>>, vector<16xf32>,
          %gt3A_537 = arith.constant 2 : i32
          %gt3A_538 = vector.broadcast %gt3A_537 : i32 to vector<16xi32>
          %gt3A_539 = arith.cmpi sgt, %select_n3A_300, %gt3A_538 : vector<16xi32>
          %jit3A_540 = arith.constant -3 : i32
          %jit3A_541 = arith.constant 1 : i32
          %broadcast_in_dim3A_542 = vector.broadcast %jit3A_540 : i32 to vector<16xi32>
          %broadcast_in_dim3A_543 = vector.broadcast %jit3A_541 : i32 to vector<16xi32>
          %select_n3A_544 = arith.select %gt3A_539, %broadcast_in_dim3A_542, %broadcast_in_dim3A_543 : vector<16xi1>, vector<16xi32>
          %add3A_545 = arith.addi %select_n3A_292, %select_n3A_544 : vector<16xi32>
          %gt3A_546 = arith.constant 2 : i32
          %gt3A_547 = vector.broadcast %gt3A_546 : i32 to vector<16xi32>
          %gt3A_548 = arith.cmpi sgt, %select_n3A_327, %gt3A_547 : vector<16xi32>
          %jit3A_549 = arith.constant -3 : i32
          %jit3A_550 = arith.constant 1 : i32
          %broadcast_in_dim3A_551 = vector.broadcast %jit3A_549 : i32 to vector<16xi32>
          %broadcast_in_dim3A_552 = vector.broadcast %jit3A_550 : i32 to vector<16xi32>
          %select_n3A_553 = arith.select %gt3A_548, %broadcast_in_dim3A_551, %broadcast_in_dim3A_552 : vector<16xi1>, vector<16xi32>
          %add3A_554 = arith.addi %select_n3A_319, %select_n3A_553 : vector<16xi32>
          %gt3A_555 = arith.constant 2 : i32
          %gt3A_556 = vector.broadcast %gt3A_555 : i32 to vector<16xi32>
          %gt3A_557 = arith.cmpi sgt, %select_n3A_354, %gt3A_556 : vector<16xi32>
          %jit3A_558 = arith.constant -3 : i32
          %jit3A_559 = arith.constant 1 : i32
          %broadcast_in_dim3A_560 = vector.broadcast %jit3A_558 : i32 to vector<16xi32>
          %broadcast_in_dim3A_561 = vector.broadcast %jit3A_559 : i32 to vector<16xi32>
          %select_n3A_562 = arith.select %gt3A_557, %broadcast_in_dim3A_560, %broadcast_in_dim3A_561 : vector<16xi1>, vector<16xi32>
          %add3A_563 = arith.addi %select_n3A_346, %select_n3A_562 : vector<16xi32>
          %mul3A_564 = arith.constant -1640531535 : i32
          %mul3A_565 = vector.broadcast %mul3A_564 : i32 to vector<16xi32>
          %mul3A_566 = arith.muli %add3A_545, %mul3A_565 : vector<16xi32>
          %mul3A_567 = arith.constant 805459861 : i32
          %mul3A_568 = vector.broadcast %mul3A_567 : i32 to vector<16xi32>
          %mul3A_569 = arith.muli %add3A_554, %mul3A_568 : vector<16xi32>
          %xor3A_570 = arith.xori %mul3A_566, %mul3A_569 : vector<16xi32>
          %mul3A_571 = arith.constant -620313867 : i32
          %mul3A_572 = vector.broadcast %mul3A_571 : i32 to vector<16xi32>
          %mul3A_573 = arith.muli %add3A_563, %mul3A_572 : vector<16xi32>
          %xor3A_574 = arith.xori %xor3A_570, %mul3A_573 : vector<16xi32>
          %and3A_575 = arith.constant 262143 : i32
          %and3A_576 = vector.broadcast %and3A_575 : i32 to vector<16xi32>
          %and3A_577 = arith.andi %xor3A_574, %and3A_576 : vector<16xi32>
          %shift_right_arithmetic3A_578 = arith.constant 7 : i32
          %shift_right_arithmetic3A_579 = vector.broadcast %shift_right_arithmetic3A_578 : i32 to vector<16xi32>
          %shift_right_arithmetic3A_580 = arith.shrsi %and3A_577, %shift_right_arithmetic3A_579 : vector<16xi32>
          %shift_left3A_581 = arith.constant 8 : i32
          %shift_left3A_582 = vector.broadcast %shift_left3A_581 : i32 to vector<16xi32>
          %shift_left3A_583 = arith.shli %shift_right_arithmetic3A_580, %shift_left3A_582 : vector<16xi32>
          %add3A_584 = vector.broadcast %mul3A_46 : i32 to vector<16xi32>
          %add3A_585 = arith.addi %add3A_584, %shift_left3A_583 : vector<16xi32>
          %and3A_586 = arith.constant 127 : i32
          %and3A_587 = vector.broadcast %and3A_586 : i32 to vector<16xi32>
          %and3A_588 = arith.andi %and3A_577, %and3A_587 : vector<16xi32>
          %add3A_589 = arith.addi %add3A_585, %and3A_588 : vector<16xi32>
          %add3A_590 = arith.constant 1024 : i32
          %add3A_591 = arith.addi %add3A_590, %mul3A_95 : i32
          %swap3A_592 = arith.index_cast %add3A_591 : i32 to index
          %swap3A_593 = tpu.vector_load %arg7[%swap3A_592] {strides = array<i32>} : memref<4096xi32, #tpu.memory_space<vmem>>, vector<16xi32>,
          tpu.vector_store %arg7[%swap3A_592], %add3A_589 {strides = array<i32>} : memref<4096xi32, #tpu.memory_space<vmem>>, vector<16xi32>,
          %add3A_594 = arith.constant 128 : i32
          %add3A_595 = vector.broadcast %add3A_594 : i32 to vector<16xi32>
          %add3A_596 = arith.addi %add3A_589, %add3A_595 : vector<16xi32>
          %add3A_597 = arith.constant 1024 : i32
          %add3A_598 = arith.addi %add3A_597, %mul3A_95 : i32
          %swap3A_599 = arith.index_cast %add3A_598 : i32 to index
          %swap3A_600 = tpu.vector_load %arg8[%swap3A_599] {strides = array<i32>} : memref<4096xi32, #tpu.memory_space<vmem>>, vector<16xi32>,
          tpu.vector_store %arg8[%swap3A_599], %add3A_596 {strides = array<i32>} : memref<4096xi32, #tpu.memory_space<vmem>>, vector<16xi32>,
          %add3A_601 = arith.constant 1024 : i32
          %add3A_602 = arith.addi %add3A_601, %mul3A_95 : i32
          %swap3A_603 = arith.index_cast %add3A_602 : i32 to index
          %swap3A_604 = tpu.vector_load %arg9[%swap3A_603] {strides = array<i32>} : memref<4096xf32, #tpu.memory_space<vmem>>, vector<16xf32>,
          tpu.vector_store %arg9[%swap3A_603], %sub3A_498 {strides = array<i32>} : memref<4096xf32, #tpu.memory_space<vmem>>, vector<16xf32>,
          %gt3A_605 = arith.constant 1 : i32
          %gt3A_606 = vector.broadcast %gt3A_605 : i32 to vector<16xi32>
          %gt3A_607 = arith.cmpi sgt, %select_n3A_300, %gt3A_606 : vector<16xi32>
          %jit3A_608 = arith.constant -2 : i32
          %jit3A_609 = arith.constant 2 : i32
          %broadcast_in_dim3A_610 = vector.broadcast %jit3A_608 : i32 to vector<16xi32>
          %broadcast_in_dim3A_611 = vector.broadcast %jit3A_609 : i32 to vector<16xi32>
          %select_n3A_612 = arith.select %gt3A_607, %broadcast_in_dim3A_610, %broadcast_in_dim3A_611 : vector<16xi1>, vector<16xi32>
          %add3A_613 = arith.addi %select_n3A_292, %select_n3A_612 : vector<16xi32>
          %gt3A_614 = arith.constant 1 : i32
          %gt3A_615 = vector.broadcast %gt3A_614 : i32 to vector<16xi32>
          %gt3A_616 = arith.cmpi sgt, %select_n3A_327, %gt3A_615 : vector<16xi32>
          %jit3A_617 = arith.constant -2 : i32
          %jit3A_618 = arith.constant 2 : i32
          %broadcast_in_dim3A_619 = vector.broadcast %jit3A_617 : i32 to vector<16xi32>
          %broadcast_in_dim3A_620 = vector.broadcast %jit3A_618 : i32 to vector<16xi32>
          %select_n3A_621 = arith.select %gt3A_616, %broadcast_in_dim3A_619, %broadcast_in_dim3A_620 : vector<16xi1>, vector<16xi32>
          %add3A_622 = arith.addi %select_n3A_319, %select_n3A_621 : vector<16xi32>
          %gt3A_623 = arith.constant 1 : i32
          %gt3A_624 = vector.broadcast %gt3A_623 : i32 to vector<16xi32>
          %gt3A_625 = arith.cmpi sgt, %select_n3A_354, %gt3A_624 : vector<16xi32>
          %jit3A_626 = arith.constant -2 : i32
          %jit3A_627 = arith.constant 2 : i32
          %broadcast_in_dim3A_628 = vector.broadcast %jit3A_626 : i32 to vector<16xi32>
          %broadcast_in_dim3A_629 = vector.broadcast %jit3A_627 : i32 to vector<16xi32>
          %select_n3A_630 = arith.select %gt3A_625, %broadcast_in_dim3A_628, %broadcast_in_dim3A_629 : vector<16xi1>, vector<16xi32>
          %add3A_631 = arith.addi %select_n3A_346, %select_n3A_630 : vector<16xi32>
          %mul3A_632 = arith.constant -1640531535 : i32
          %mul3A_633 = vector.broadcast %mul3A_632 : i32 to vector<16xi32>
          %mul3A_634 = arith.muli %add3A_613, %mul3A_633 : vector<16xi32>
          %mul3A_635 = arith.constant 805459861 : i32
          %mul3A_636 = vector.broadcast %mul3A_635 : i32 to vector<16xi32>
          %mul3A_637 = arith.muli %add3A_622, %mul3A_636 : vector<16xi32>
          %xor3A_638 = arith.xori %mul3A_634, %mul3A_637 : vector<16xi32>
          %mul3A_639 = arith.constant -620313867 : i32
          %mul3A_640 = vector.broadcast %mul3A_639 : i32 to vector<16xi32>
          %mul3A_641 = arith.muli %add3A_631, %mul3A_640 : vector<16xi32>
          %xor3A_642 = arith.xori %xor3A_638, %mul3A_641 : vector<16xi32>
          %and3A_643 = arith.constant 262143 : i32
          %and3A_644 = vector.broadcast %and3A_643 : i32 to vector<16xi32>
          %and3A_645 = arith.andi %xor3A_642, %and3A_644 : vector<16xi32>
          %shift_right_arithmetic3A_646 = arith.constant 7 : i32
          %shift_right_arithmetic3A_647 = vector.broadcast %shift_right_arithmetic3A_646 : i32 to vector<16xi32>
          %shift_right_arithmetic3A_648 = arith.shrsi %and3A_645, %shift_right_arithmetic3A_647 : vector<16xi32>
          %shift_left3A_649 = arith.constant 8 : i32
          %shift_left3A_650 = vector.broadcast %shift_left3A_649 : i32 to vector<16xi32>
          %shift_left3A_651 = arith.shli %shift_right_arithmetic3A_648, %shift_left3A_650 : vector<16xi32>
          %add3A_652 = vector.broadcast %mul3A_46 : i32 to vector<16xi32>
          %add3A_653 = arith.addi %add3A_652, %shift_left3A_651 : vector<16xi32>
          %and3A_654 = arith.constant 127 : i32
          %and3A_655 = vector.broadcast %and3A_654 : i32 to vector<16xi32>
          %and3A_656 = arith.andi %and3A_645, %and3A_655 : vector<16xi32>
          %add3A_657 = arith.addi %add3A_653, %and3A_656 : vector<16xi32>
          %add3A_658 = arith.constant 2048 : i32
          %add3A_659 = arith.addi %add3A_658, %mul3A_95 : i32
          %swap3A_660 = arith.index_cast %add3A_659 : i32 to index
          %swap3A_661 = tpu.vector_load %arg7[%swap3A_660] {strides = array<i32>} : memref<4096xi32, #tpu.memory_space<vmem>>, vector<16xi32>,
          tpu.vector_store %arg7[%swap3A_660], %add3A_657 {strides = array<i32>} : memref<4096xi32, #tpu.memory_space<vmem>>, vector<16xi32>,
          %add3A_662 = arith.constant 128 : i32
          %add3A_663 = vector.broadcast %add3A_662 : i32 to vector<16xi32>
          %add3A_664 = arith.addi %add3A_657, %add3A_663 : vector<16xi32>
          %add3A_665 = arith.constant 2048 : i32
          %add3A_666 = arith.addi %add3A_665, %mul3A_95 : i32
          %swap3A_667 = arith.index_cast %add3A_666 : i32 to index
          %swap3A_668 = tpu.vector_load %arg8[%swap3A_667] {strides = array<i32>} : memref<4096xi32, #tpu.memory_space<vmem>>, vector<16xi32>,
          tpu.vector_store %arg8[%swap3A_667], %add3A_664 {strides = array<i32>} : memref<4096xi32, #tpu.memory_space<vmem>>, vector<16xi32>,
          %add3A_669 = arith.constant 2048 : i32
          %add3A_670 = arith.addi %add3A_669, %mul3A_95 : i32
          %swap3A_671 = arith.index_cast %add3A_670 : i32 to index
          %swap3A_672 = tpu.vector_load %arg9[%swap3A_671] {strides = array<i32>} : memref<4096xf32, #tpu.memory_space<vmem>>, vector<16xf32>,
          tpu.vector_store %arg9[%swap3A_671], %sub3A_499 {strides = array<i32>} : memref<4096xf32, #tpu.memory_space<vmem>>, vector<16xf32>,
          %gt3A_673 = arith.constant 0 : i32
          %gt3A_674 = vector.broadcast %gt3A_673 : i32 to vector<16xi32>
          %gt3A_675 = arith.cmpi sgt, %select_n3A_300, %gt3A_674 : vector<16xi32>
          %jit3A_676 = arith.constant -1 : i32
          %jit3A_677 = arith.constant 3 : i32
          %broadcast_in_dim3A_678 = vector.broadcast %jit3A_676 : i32 to vector<16xi32>
          %broadcast_in_dim3A_679 = vector.broadcast %jit3A_677 : i32 to vector<16xi32>
          %select_n3A_680 = arith.select %gt3A_675, %broadcast_in_dim3A_678, %broadcast_in_dim3A_679 : vector<16xi1>, vector<16xi32>
          %add3A_681 = arith.addi %select_n3A_292, %select_n3A_680 : vector<16xi32>
          %gt3A_682 = arith.constant 0 : i32
          %gt3A_683 = vector.broadcast %gt3A_682 : i32 to vector<16xi32>
          %gt3A_684 = arith.cmpi sgt, %select_n3A_327, %gt3A_683 : vector<16xi32>
          %jit3A_685 = arith.constant -1 : i32
          %jit3A_686 = arith.constant 3 : i32
          %broadcast_in_dim3A_687 = vector.broadcast %jit3A_685 : i32 to vector<16xi32>
          %broadcast_in_dim3A_688 = vector.broadcast %jit3A_686 : i32 to vector<16xi32>
          %select_n3A_689 = arith.select %gt3A_684, %broadcast_in_dim3A_687, %broadcast_in_dim3A_688 : vector<16xi1>, vector<16xi32>
          %add3A_690 = arith.addi %select_n3A_319, %select_n3A_689 : vector<16xi32>
          %gt3A_691 = arith.constant 0 : i32
          %gt3A_692 = vector.broadcast %gt3A_691 : i32 to vector<16xi32>
          %gt3A_693 = arith.cmpi sgt, %select_n3A_354, %gt3A_692 : vector<16xi32>
          %jit3A_694 = arith.constant -1 : i32
          %jit3A_695 = arith.constant 3 : i32
          %broadcast_in_dim3A_696 = vector.broadcast %jit3A_694 : i32 to vector<16xi32>
          %broadcast_in_dim3A_697 = vector.broadcast %jit3A_695 : i32 to vector<16xi32>
          %select_n3A_698 = arith.select %gt3A_693, %broadcast_in_dim3A_696, %broadcast_in_dim3A_697 : vector<16xi1>, vector<16xi32>
          %add3A_699 = arith.addi %select_n3A_346, %select_n3A_698 : vector<16xi32>
          %mul3A_700 = arith.constant -1640531535 : i32
          %mul3A_701 = vector.broadcast %mul3A_700 : i32 to vector<16xi32>
          %mul3A_702 = arith.muli %add3A_681, %mul3A_701 : vector<16xi32>
          %mul3A_703 = arith.constant 805459861 : i32
          %mul3A_704 = vector.broadcast %mul3A_703 : i32 to vector<16xi32>
          %mul3A_705 = arith.muli %add3A_690, %mul3A_704 : vector<16xi32>
          %xor3A_706 = arith.xori %mul3A_702, %mul3A_705 : vector<16xi32>
          %mul3A_707 = arith.constant -620313867 : i32
          %mul3A_708 = vector.broadcast %mul3A_707 : i32 to vector<16xi32>
          %mul3A_709 = arith.muli %add3A_699, %mul3A_708 : vector<16xi32>
          %xor3A_710 = arith.xori %xor3A_706, %mul3A_709 : vector<16xi32>
          %and3A_711 = arith.constant 262143 : i32
          %and3A_712 = vector.broadcast %and3A_711 : i32 to vector<16xi32>
          %and3A_713 = arith.andi %xor3A_710, %and3A_712 : vector<16xi32>
          %shift_right_arithmetic3A_714 = arith.constant 7 : i32
          %shift_right_arithmetic3A_715 = vector.broadcast %shift_right_arithmetic3A_714 : i32 to vector<16xi32>
          %shift_right_arithmetic3A_716 = arith.shrsi %and3A_713, %shift_right_arithmetic3A_715 : vector<16xi32>
          %shift_left3A_717 = arith.constant 8 : i32
          %shift_left3A_718 = vector.broadcast %shift_left3A_717 : i32 to vector<16xi32>
          %shift_left3A_719 = arith.shli %shift_right_arithmetic3A_716, %shift_left3A_718 : vector<16xi32>
          %add3A_720 = vector.broadcast %mul3A_46 : i32 to vector<16xi32>
          %add3A_721 = arith.addi %add3A_720, %shift_left3A_719 : vector<16xi32>
          %and3A_722 = arith.constant 127 : i32
          %and3A_723 = vector.broadcast %and3A_722 : i32 to vector<16xi32>
          %and3A_724 = arith.andi %and3A_713, %and3A_723 : vector<16xi32>
          %add3A_725 = arith.addi %add3A_721, %and3A_724 : vector<16xi32>
          %add3A_726 = arith.constant 3072 : i32
          %add3A_727 = arith.addi %add3A_726, %mul3A_95 : i32
          %swap3A_728 = arith.index_cast %add3A_727 : i32 to index
          %swap3A_729 = tpu.vector_load %arg7[%swap3A_728] {strides = array<i32>} : memref<4096xi32, #tpu.memory_space<vmem>>, vector<16xi32>,
          tpu.vector_store %arg7[%swap3A_728], %add3A_725 {strides = array<i32>} : memref<4096xi32, #tpu.memory_space<vmem>>, vector<16xi32>,
          %add3A_730 = arith.constant 128 : i32
          %add3A_731 = vector.broadcast %add3A_730 : i32 to vector<16xi32>
          %add3A_732 = arith.addi %add3A_725, %add3A_731 : vector<16xi32>
          %add3A_733 = arith.constant 3072 : i32
          %add3A_734 = arith.addi %add3A_733, %mul3A_95 : i32
          %swap3A_735 = arith.index_cast %add3A_734 : i32 to index
          %swap3A_736 = tpu.vector_load %arg8[%swap3A_735] {strides = array<i32>} : memref<4096xi32, #tpu.memory_space<vmem>>, vector<16xi32>,
          tpu.vector_store %arg8[%swap3A_735], %add3A_732 {strides = array<i32>} : memref<4096xi32, #tpu.memory_space<vmem>>, vector<16xi32>,
          %add3A_737 = arith.constant 3072 : i32
          %add3A_738 = arith.addi %add3A_737, %mul3A_95 : i32
          %swap3A_739 = arith.index_cast %add3A_738 : i32 to index
          %swap3A_740 = tpu.vector_load %arg9[%swap3A_739] {strides = array<i32>} : memref<4096xf32, #tpu.memory_space<vmem>>, vector<16xf32>,
          tpu.vector_store %arg9[%swap3A_739], %sub3A_500 {strides = array<i32>} : memref<4096xf32, #tpu.memory_space<vmem>>, vector<16xf32>,
        }
        %scan3A_52 = arith.constant 64 : i32
        %mul3A_53 = arith.constant 8 : i32
        %mul3A_54 = arith.muli %mul3A_53, %add3A_25 : i32
        %add3A_55 = vector.broadcast %mul3A_54 : i32 to vector<16xi32>
        %add3A_56 = arith.addi %broadcast_in_dim3A_1, %add3A_55 : vector<16xi32>
        %gather3A_57 = tpu.vector_load_idx %arg18[%add3A_56] : memref<128xf32, #tpu.memory_space<vmem>>[vector<16xi32>], vector<16xf32>,
        %add3A_58 = arith.constant 1 : i32
        %add3A_59 = arith.addi %mul3A_54, %add3A_58 : i32
        %add3A_60 = vector.broadcast %add3A_59 : i32 to vector<16xi32>
        %add3A_61 = arith.addi %broadcast_in_dim3A_1, %add3A_60 : vector<16xi32>
        %gather3A_62 = tpu.vector_load_idx %arg18[%add3A_61] : memref<128xf32, #tpu.memory_space<vmem>>[vector<16xi32>], vector<16xf32>,
        %add3A_63 = arith.constant 2 : i32
        %add3A_64 = arith.addi %mul3A_54, %add3A_63 : i32
        %add3A_65 = vector.broadcast %add3A_64 : i32 to vector<16xi32>
        %add3A_66 = arith.addi %broadcast_in_dim3A_1, %add3A_65 : vector<16xi32>
        %gather3A_67 = tpu.vector_load_idx %arg18[%add3A_66] : memref<128xf32, #tpu.memory_space<vmem>>[vector<16xi32>], vector<16xf32>,
        %add3A_68 = arith.constant 3 : i32
        %add3A_69 = arith.addi %mul3A_54, %add3A_68 : i32
        %add3A_70 = vector.broadcast %add3A_69 : i32 to vector<16xi32>
        %add3A_71 = arith.addi %broadcast_in_dim3A_1, %add3A_70 : vector<16xi32>
        %gather3A_72 = tpu.vector_load_idx %arg18[%add3A_71] : memref<128xf32, #tpu.memory_space<vmem>>[vector<16xi32>], vector<16xf32>,
        %mul3A_73 = arith.constant 524288 : i32
        %mul3A_74 = arith.muli %add3A_25, %mul3A_73 : i32
        %scan3A_75 = arith.constant 0 : i32
        %scan3A_76 = arith.constant 0 : i32
        %scan3A_77 = arith.constant 64 : i32
        %scan3A_78 = arith.addi %scan3A_76, %scan3A_77 : i32
        %scan3A_79 = arith.constant 1 : i32
        scf.for %scan3A_93 = %scan3A_76 to %scan3A_78 step %scan3A_79  : i32 {
          %mul3A_94 = arith.constant 16 : i32
          %mul3A_95 = arith.muli %scan3A_93, %mul3A_94 : i32
          %get3A = arith.constant 0 : i32
          %get3A_96 = arith.index_cast %get3A : i32 to index
          %get3A_97 = arith.index_cast %mul3A_95 : i32 to index
          %get3A_98 = tpu.vector_load %arg6[%get3A_96, %get3A_97] {strides = array<i32>} : memref<3x1024xf32, #tpu.memory_space<vmem>>, vector<16xf32>,
          %get3A_99 = arith.constant 1 : i32
          %get3A_100 = arith.index_cast %get3A_99 : i32 to index
          %get3A_101 = arith.index_cast %mul3A_95 : i32 to index
          %get3A_102 = tpu.vector_load %arg6[%get3A_100, %get3A_101] {strides = array<i32>} : memref<3x1024xf32, #tpu.memory_space<vmem>>, vector<16xf32>,
          %get3A_103 = arith.constant 2 : i32
          %get3A_104 = arith.index_cast %get3A_103 : i32 to index
          %get3A_105 = arith.index_cast %mul3A_95 : i32 to index
          %get3A_106 = tpu.vector_load %arg6[%get3A_104, %get3A_105] {strides = array<i32>} : memref<3x1024xf32, #tpu.memory_space<vmem>>, vector<16xf32>,
          %mul3A_107 = arith.mulf %get3A_98, %gather3A_57 : vector<16xf32>
          %add3A_108 = arith.addf %mul3A_107, %gather3A_62 : vector<16xf32>
          %mul3A_109 = arith.constant 0.707106769 : f32
          %mul3A_110 = vector.broadcast %mul3A_109 : f32 to vector<16xf32>
          %mul3A_111 = arith.mulf %add3A_108, %mul3A_110 : vector<16xf32>
          %mul3A_112 = arith.mulf %get3A_102, %gather3A_57 : vector<16xf32>
          %add3A_113 = arith.addf %mul3A_112, %gather3A_67 : vector<16xf32>
          %mul3A_114 = arith.constant 0.408248305 : f32
          %mul3A_115 = vector.broadcast %mul3A_114 : f32 to vector<16xf32>
          %mul3A_116 = arith.mulf %add3A_113, %mul3A_115 : vector<16xf32>
          %mul3A_117 = arith.mulf %get3A_106, %gather3A_57 : vector<16xf32>
          %add3A_118 = arith.addf %mul3A_117, %gather3A_72 : vector<16xf32>
          %mul3A_119 = arith.constant 0.288675129 : f32
          %mul3A_120 = vector.broadcast %mul3A_119 : f32 to vector<16xf32>
          %mul3A_121 = arith.mulf %add3A_118, %mul3A_120 : vector<16xf32>
          %add3A_122 = arith.addf %mul3A_116, %mul3A_121 : vector<16xf32>
          %add3A_123 = arith.addf %mul3A_111, %add3A_122 : vector<16xf32>
          %sub3A = arith.subf %add3A_122, %mul3A_111 : vector<16xf32>
          %mul3A_124 = arith.constant 2.000000e+00 : f32
          %mul3A_125 = vector.broadcast %mul3A_124 : f32 to vector<16xf32>
          %mul3A_126 = arith.mulf %mul3A_125, %mul3A_116 : vector<16xf32>
          %sub3A_127 = arith.subf %mul3A_121, %mul3A_126 : vector<16xf32>
          %mul3A_128 = arith.constant -3.000000e+00 : f32
          %mul3A_129 = vector.broadcast %mul3A_128 : f32 to vector<16xf32>
          %mul3A_130 = arith.mulf %mul3A_129, %mul3A_121 : vector<16xf32>
          %mul3A_131 = arith.constant 2.500000e-01 : f32
          %mul3A_132 = vector.broadcast %mul3A_131 : f32 to vector<16xf32>
          %mul3A_133 = arith.mulf %add3A_123, %mul3A_132 : vector<16xf32>
          %sub3A_134 = arith.constant 5.000000e-01 : f32
          %sub3A_135 = vector.broadcast %sub3A_134 : f32 to vector<16xf32>
          %sub3A_136 = arith.subf %mul3A_133, %sub3A_135 : vector<16xf32>
          %convert_element_type3A = arith.fptosi %sub3A_136 : vector<16xf32> to vector<16xi32>
          %convert_element_type3A_137 = arith.sitofp %convert_element_type3A : vector<16xi32> to vector<16xf32>
          %lt3A = arith.cmpf olt, %convert_element_type3A_137, %sub3A_136 : vector<16xf32>
          %add3A_138 = arith.constant 1 : i32
          %add3A_139 = vector.broadcast %add3A_138 : i32 to vector<16xi32>
          %add3A_140 = arith.addi %convert_element_type3A, %add3A_139 : vector<16xi32>
          %select_n3A = arith.select %lt3A, %add3A_140, %convert_element_type3A : vector<16xi1>, vector<16xi32>
          %mul3A_141 = arith.constant 2.500000e-01 : f32
          %mul3A_142 = vector.broadcast %mul3A_141 : f32 to vector<16xf32>
          %mul3A_143 = arith.mulf %sub3A, %mul3A_142 : vector<16xf32>
          %sub3A_144 = arith.constant 5.000000e-01 : f32
          %sub3A_145 = vector.broadcast %sub3A_144 : f32 to vector<16xf32>
          %sub3A_146 = arith.subf %mul3A_143, %sub3A_145 : vector<16xf32>
          %convert_element_type3A_147 = arith.fptosi %sub3A_146 : vector<16xf32> to vector<16xi32>
          %convert_element_type3A_148 = arith.sitofp %convert_element_type3A_147 : vector<16xi32> to vector<16xf32>
          %lt3A_149 = arith.cmpf olt, %convert_element_type3A_148, %sub3A_146 : vector<16xf32>
          %add3A_150 = arith.constant 1 : i32
          %add3A_151 = vector.broadcast %add3A_150 : i32 to vector<16xi32>
          %add3A_152 = arith.addi %convert_element_type3A_147, %add3A_151 : vector<16xi32>
          %select_n3A_153 = arith.select %lt3A_149, %add3A_152, %convert_element_type3A_147 : vector<16xi1>, vector<16xi32>
          %mul3A_154 = arith.constant 2.500000e-01 : f32
          %mul3A_155 = vector.broadcast %mul3A_154 : f32 to vector<16xf32>
          %mul3A_156 = arith.mulf %sub3A_127, %mul3A_155 : vector<16xf32>
          %sub3A_157 = arith.constant 5.000000e-01 : f32
          %sub3A_158 = vector.broadcast %sub3A_157 : f32 to vector<16xf32>
          %sub3A_159 = arith.subf %mul3A_156, %sub3A_158 : vector<16xf32>
          %convert_element_type3A_160 = arith.fptosi %sub3A_159 : vector<16xf32> to vector<16xi32>
          %convert_element_type3A_161 = arith.sitofp %convert_element_type3A_160 : vector<16xi32> to vector<16xf32>
          %lt3A_162 = arith.cmpf olt, %convert_element_type3A_161, %sub3A_159 : vector<16xf32>
          %add3A_163 = arith.constant 1 : i32
          %add3A_164 = vector.broadcast %add3A_163 : i32 to vector<16xi32>
          %add3A_165 = arith.addi %convert_element_type3A_160, %add3A_164 : vector<16xi32>
          %select_n3A_166 = arith.select %lt3A_162, %add3A_165, %convert_element_type3A_160 : vector<16xi1>, vector<16xi32>
          %mul3A_167 = arith.constant 2.500000e-01 : f32
          %mul3A_168 = vector.broadcast %mul3A_167 : f32 to vector<16xf32>
          %mul3A_169 = arith.mulf %mul3A_130, %mul3A_168 : vector<16xf32>
          %sub3A_170 = arith.constant 5.000000e-01 : f32
          %sub3A_171 = vector.broadcast %sub3A_170 : f32 to vector<16xf32>
          %sub3A_172 = arith.subf %mul3A_169, %sub3A_171 : vector<16xf32>
          %convert_element_type3A_173 = arith.fptosi %sub3A_172 : vector<16xf32> to vector<16xi32>
          %convert_element_type3A_174 = arith.sitofp %convert_element_type3A_173 : vector<16xi32> to vector<16xf32>
          %lt3A_175 = arith.cmpf olt, %convert_element_type3A_174, %sub3A_172 : vector<16xf32>
          %add3A_176 = arith.constant 1 : i32
          %add3A_177 = vector.broadcast %add3A_176 : i32 to vector<16xi32>
          %add3A_178 = arith.addi %convert_element_type3A_173, %add3A_177 : vector<16xi32>
          %select_n3A_179 = arith.select %lt3A_175, %add3A_178, %convert_element_type3A_173 : vector<16xi1>, vector<16xi32>
          %add3A_180 = arith.addi %select_n3A, %select_n3A_153 : vector<16xi32>
          %add3A_181 = arith.addi %select_n3A_166, %select_n3A_179 : vector<16xi32>
          %add3A_182 = arith.addi %add3A_180, %add3A_181 : vector<16xi32>
          %mul3A_183 = arith.constant 4 : i32
          %mul3A_184 = vector.broadcast %mul3A_183 : i32 to vector<16xi32>
          %mul3A_185 = arith.muli %select_n3A, %mul3A_184 : vector<16xi32>
          %mul3A_186 = arith.constant 4 : i32
          %mul3A_187 = vector.broadcast %mul3A_186 : i32 to vector<16xi32>
          %mul3A_188 = arith.muli %select_n3A_153, %mul3A_187 : vector<16xi32>
          %mul3A_189 = arith.constant 4 : i32
          %mul3A_190 = vector.broadcast %mul3A_189 : i32 to vector<16xi32>
          %mul3A_191 = arith.muli %select_n3A_166, %mul3A_190 : vector<16xi32>
          %mul3A_192 = arith.constant 4 : i32
          %mul3A_193 = vector.broadcast %mul3A_192 : i32 to vector<16xi32>
          %mul3A_194 = arith.muli %select_n3A_179, %mul3A_193 : vector<16xi32>
          %convert_element_type3A_195 = arith.sitofp %mul3A_185 : vector<16xi32> to vector<16xf32>
          %sub3A_196 = arith.subf %add3A_123, %convert_element_type3A_195 : vector<16xf32>
          %convert_element_type3A_197 = arith.sitofp %mul3A_188 : vector<16xi32> to vector<16xf32>
          %sub3A_198 = arith.subf %sub3A, %convert_element_type3A_197 : vector<16xf32>
          %convert_element_type3A_199 = arith.sitofp %mul3A_191 : vector<16xi32> to vector<16xf32>
          %sub3A_200 = arith.subf %sub3A_127, %convert_element_type3A_199 : vector<16xf32>
          %convert_element_type3A_201 = arith.sitofp %mul3A_194 : vector<16xi32> to vector<16xf32>
          %sub3A_202 = arith.subf %mul3A_130, %convert_element_type3A_201 : vector<16xf32>
          %lt3A_203 = arith.cmpf olt, %sub3A_196, %sub3A_198 : vector<16xf32>
          %jit3A = arith.constant 1 : i32
          %jit3A_204 = arith.constant 0 : i32
          %broadcast_in_dim3A_205 = vector.broadcast %jit3A : i32 to vector<16xi32>
          %broadcast_in_dim3A_206 = vector.broadcast %jit3A_204 : i32 to vector<16xi32>
          %select_n3A_207 = arith.select %lt3A_203, %broadcast_in_dim3A_205, %broadcast_in_dim3A_206 : vector<16xi1>, vector<16xi32>
          %add3A_208 = arith.addi %add3A_182, %select_n3A_207 : vector<16xi32>
          %jit3A_209 = arith.constant 0 : i32
          %jit3A_210 = arith.constant 1 : i32
          %broadcast_in_dim3A_211 = vector.broadcast %jit3A_209 : i32 to vector<16xi32>
          %broadcast_in_dim3A_212 = vector.broadcast %jit3A_210 : i32 to vector<16xi32>
          %select_n3A_213 = arith.select %lt3A_203, %broadcast_in_dim3A_211, %broadcast_in_dim3A_212 : vector<16xi1>, vector<16xi32>
          %add3A_214 = arith.addi %add3A_182, %select_n3A_213 : vector<16xi32>
          %lt3A_215 = arith.cmpf olt, %sub3A_196, %sub3A_200 : vector<16xf32>
          %jit3A_216 = arith.constant 1 : i32
          %jit3A_217 = arith.constant 0 : i32
          %broadcast_in_dim3A_218 = vector.broadcast %jit3A_216 : i32 to vector<16xi32>
          %broadcast_in_dim3A_219 = vector.broadcast %jit3A_217 : i32 to vector<16xi32>
          %select_n3A_220 = arith.select %lt3A_215, %broadcast_in_dim3A_218, %broadcast_in_dim3A_219 : vector<16xi1>, vector<16xi32>
          %add3A_221 = arith.addi %add3A_208, %select_n3A_220 : vector<16xi32>
          %jit3A_222 = arith.constant 0 : i32
          %jit3A_223 = arith.constant 1 : i32
          %broadcast_in_dim3A_224 = vector.broadcast %jit3A_222 : i32 to vector<16xi32>
          %broadcast_in_dim3A_225 = vector.broadcast %jit3A_223 : i32 to vector<16xi32>
          %select_n3A_226 = arith.select %lt3A_215, %broadcast_in_dim3A_224, %broadcast_in_dim3A_225 : vector<16xi1>, vector<16xi32>
          %add3A_227 = arith.addi %add3A_182, %select_n3A_226 : vector<16xi32>
          %lt3A_228 = arith.cmpf olt, %sub3A_196, %sub3A_202 : vector<16xf32>
          %jit3A_229 = arith.constant 1 : i32
          %jit3A_230 = arith.constant 0 : i32
          %broadcast_in_dim3A_231 = vector.broadcast %jit3A_229 : i32 to vector<16xi32>
          %broadcast_in_dim3A_232 = vector.broadcast %jit3A_230 : i32 to vector<16xi32>
          %select_n3A_233 = arith.select %lt3A_228, %broadcast_in_dim3A_231, %broadcast_in_dim3A_232 : vector<16xi1>, vector<16xi32>
          %add3A_234 = arith.addi %add3A_221, %select_n3A_233 : vector<16xi32>
          %jit3A_235 = arith.constant 0 : i32
          %jit3A_236 = arith.constant 1 : i32
          %broadcast_in_dim3A_237 = vector.broadcast %jit3A_235 : i32 to vector<16xi32>
          %broadcast_in_dim3A_238 = vector.broadcast %jit3A_236 : i32 to vector<16xi32>
          %select_n3A_239 = arith.select %lt3A_228, %broadcast_in_dim3A_237, %broadcast_in_dim3A_238 : vector<16xi1>, vector<16xi32>
          %add3A_240 = arith.addi %add3A_182, %select_n3A_239 : vector<16xi32>
          %lt3A_241 = arith.cmpf olt, %sub3A_198, %sub3A_200 : vector<16xf32>
          %jit3A_242 = arith.constant 1 : i32
          %jit3A_243 = arith.constant 0 : i32
          %broadcast_in_dim3A_244 = vector.broadcast %jit3A_242 : i32 to vector<16xi32>
          %broadcast_in_dim3A_245 = vector.broadcast %jit3A_243 : i32 to vector<16xi32>
          %select_n3A_246 = arith.select %lt3A_241, %broadcast_in_dim3A_244, %broadcast_in_dim3A_245 : vector<16xi1>, vector<16xi32>
          %add3A_247 = arith.addi %add3A_214, %select_n3A_246 : vector<16xi32>
          %jit3A_248 = arith.constant 0 : i32
          %jit3A_249 = arith.constant 1 : i32
          %broadcast_in_dim3A_250 = vector.broadcast %jit3A_248 : i32 to vector<16xi32>
          %broadcast_in_dim3A_251 = vector.broadcast %jit3A_249 : i32 to vector<16xi32>
          %select_n3A_252 = arith.select %lt3A_241, %broadcast_in_dim3A_250, %broadcast_in_dim3A_251 : vector<16xi1>, vector<16xi32>
          %add3A_253 = arith.addi %add3A_227, %select_n3A_252 : vector<16xi32>
          %lt3A_254 = arith.cmpf olt, %sub3A_198, %sub3A_202 : vector<16xf32>
          %jit3A_255 = arith.constant 1 : i32
          %jit3A_256 = arith.constant 0 : i32
          %broadcast_in_dim3A_257 = vector.broadcast %jit3A_255 : i32 to vector<16xi32>
          %broadcast_in_dim3A_258 = vector.broadcast %jit3A_256 : i32 to vector<16xi32>
          %select_n3A_259 = arith.select %lt3A_254, %broadcast_in_dim3A_257, %broadcast_in_dim3A_258 : vector<16xi1>, vector<16xi32>
          %add3A_260 = arith.addi %add3A_247, %select_n3A_259 : vector<16xi32>
          %jit3A_261 = arith.constant 0 : i32
          %jit3A_262 = arith.constant 1 : i32
          %broadcast_in_dim3A_263 = vector.broadcast %jit3A_261 : i32 to vector<16xi32>
          %broadcast_in_dim3A_264 = vector.broadcast %jit3A_262 : i32 to vector<16xi32>
          %select_n3A_265 = arith.select %lt3A_254, %broadcast_in_dim3A_263, %broadcast_in_dim3A_264 : vector<16xi1>, vector<16xi32>
          %add3A_266 = arith.addi %add3A_240, %select_n3A_265 : vector<16xi32>
          %lt3A_267 = arith.cmpf olt, %sub3A_200, %sub3A_202 : vector<16xf32>
          %jit3A_268 = arith.constant 1 : i32
          %jit3A_269 = arith.constant 0 : i32
          %broadcast_in_dim3A_270 = vector.broadcast %jit3A_268 : i32 to vector<16xi32>
          %broadcast_in_dim3A_271 = vector.broadcast %jit3A_269 : i32 to vector<16xi32>
          %select_n3A_272 = arith.select %lt3A_267, %broadcast_in_dim3A_270, %broadcast_in_dim3A_271 : vector<16xi1>, vector<16xi32>
          %add3A_273 = arith.addi %add3A_253, %select_n3A_272 : vector<16xi32>
          %jit3A_274 = arith.constant 0 : i32
          %jit3A_275 = arith.constant 1 : i32
          %broadcast_in_dim3A_276 = vector.broadcast %jit3A_274 : i32 to vector<16xi32>
          %broadcast_in_dim3A_277 = vector.broadcast %jit3A_275 : i32 to vector<16xi32>
          %select_n3A_278 = arith.select %lt3A_267, %broadcast_in_dim3A_276, %broadcast_in_dim3A_277 : vector<16xi1>, vector<16xi32>
          %add3A_279 = arith.addi %add3A_266, %select_n3A_278 : vector<16xi32>
          %lt3A_280 = arith.constant 0 : i32
          %lt3A_281 = vector.broadcast %lt3A_280 : i32 to vector<16xi32>
          %lt3A_282 = arith.cmpi slt, %add3A_234, %lt3A_281 : vector<16xi32>
          %gt3A = arith.constant 3 : i32
          %gt3A_283 = vector.broadcast %gt3A : i32 to vector<16xi32>
          %gt3A_284 = arith.cmpi sgt, %add3A_234, %gt3A_283 : vector<16xi32>
          %add3A_285 = arith.constant 4 : i32
          %add3A_286 = vector.broadcast %add3A_285 : i32 to vector<16xi32>
          %add3A_287 = arith.addi %mul3A_185, %add3A_286 : vector<16xi32>
          %sub3A_288 = arith.constant 4 : i32
          %sub3A_289 = vector.broadcast %sub3A_288 : i32 to vector<16xi32>
          %sub3A_290 = arith.subi %mul3A_185, %sub3A_289 : vector<16xi32>
          %select_n3A_291 = arith.select %gt3A_284, %sub3A_290, %mul3A_185 : vector<16xi1>, vector<16xi32>
          %select_n3A_292 = arith.select %lt3A_282, %add3A_287, %select_n3A_291 : vector<16xi1>, vector<16xi32>
          %add3A_293 = arith.constant 4 : i32
          %add3A_294 = vector.broadcast %add3A_293 : i32 to vector<16xi32>
          %add3A_295 = arith.addi %add3A_234, %add3A_294 : vector<16xi32>
          %sub3A_296 = arith.constant 4 : i32
          %sub3A_297 = vector.broadcast %sub3A_296 : i32 to vector<16xi32>
          %sub3A_298 = arith.subi %add3A_234, %sub3A_297 : vector<16xi32>
          %select_n3A_299 = arith.select %gt3A_284, %sub3A_298, %add3A_234 : vector<16xi1>, vector<16xi32>
          %select_n3A_300 = arith.select %lt3A_282, %add3A_295, %select_n3A_299 : vector<16xi1>, vector<16xi32>
          %convert_element_type3A_301 = arith.sitofp %select_n3A_292 : vector<16xi32> to vector<16xf32>
          %sub3A_302 = arith.subf %add3A_123, %convert_element_type3A_301 : vector<16xf32>
          %mul3A_303 = arith.constant 2.500000e-01 : f32
          %mul3A_304 = vector.broadcast %mul3A_303 : f32 to vector<16xf32>
          %mul3A_305 = arith.mulf %sub3A_302, %mul3A_304 : vector<16xf32>
          %lt3A_306 = arith.constant 0 : i32
          %lt3A_307 = vector.broadcast %lt3A_306 : i32 to vector<16xi32>
          %lt3A_308 = arith.cmpi slt, %add3A_260, %lt3A_307 : vector<16xi32>
          %gt3A_309 = arith.constant 3 : i32
          %gt3A_310 = vector.broadcast %gt3A_309 : i32 to vector<16xi32>
          %gt3A_311 = arith.cmpi sgt, %add3A_260, %gt3A_310 : vector<16xi32>
          %add3A_312 = arith.constant 4 : i32
          %add3A_313 = vector.broadcast %add3A_312 : i32 to vector<16xi32>
          %add3A_314 = arith.addi %mul3A_188, %add3A_313 : vector<16xi32>
          %sub3A_315 = arith.constant 4 : i32
          %sub3A_316 = vector.broadcast %sub3A_315 : i32 to vector<16xi32>
          %sub3A_317 = arith.subi %mul3A_188, %sub3A_316 : vector<16xi32>
          %select_n3A_318 = arith.select %gt3A_311, %sub3A_317, %mul3A_188 : vector<16xi1>, vector<16xi32>
          %select_n3A_319 = arith.select %lt3A_308, %add3A_314, %select_n3A_318 : vector<16xi1>, vector<16xi32>
          %add3A_320 = arith.constant 4 : i32
          %add3A_321 = vector.broadcast %add3A_320 : i32 to vector<16xi32>
          %add3A_322 = arith.addi %add3A_260, %add3A_321 : vector<16xi32>
          %sub3A_323 = arith.constant 4 : i32
          %sub3A_324 = vector.broadcast %sub3A_323 : i32 to vector<16xi32>
          %sub3A_325 = arith.subi %add3A_260, %sub3A_324 : vector<16xi32>
          %select_n3A_326 = arith.select %gt3A_311, %sub3A_325, %add3A_260 : vector<16xi1>, vector<16xi32>
          %select_n3A_327 = arith.select %lt3A_308, %add3A_322, %select_n3A_326 : vector<16xi1>, vector<16xi32>
          %convert_element_type3A_328 = arith.sitofp %select_n3A_319 : vector<16xi32> to vector<16xf32>
          %sub3A_329 = arith.subf %sub3A, %convert_element_type3A_328 : vector<16xf32>
          %mul3A_330 = arith.constant 2.500000e-01 : f32
          %mul3A_331 = vector.broadcast %mul3A_330 : f32 to vector<16xf32>
          %mul3A_332 = arith.mulf %sub3A_329, %mul3A_331 : vector<16xf32>
          %lt3A_333 = arith.constant 0 : i32
          %lt3A_334 = vector.broadcast %lt3A_333 : i32 to vector<16xi32>
          %lt3A_335 = arith.cmpi slt, %add3A_273, %lt3A_334 : vector<16xi32>
          %gt3A_336 = arith.constant 3 : i32
          %gt3A_337 = vector.broadcast %gt3A_336 : i32 to vector<16xi32>
          %gt3A_338 = arith.cmpi sgt, %add3A_273, %gt3A_337 : vector<16xi32>
          %add3A_339 = arith.constant 4 : i32
          %add3A_340 = vector.broadcast %add3A_339 : i32 to vector<16xi32>
          %add3A_341 = arith.addi %mul3A_191, %add3A_340 : vector<16xi32>
          %sub3A_342 = arith.constant 4 : i32
          %sub3A_343 = vector.broadcast %sub3A_342 : i32 to vector<16xi32>
          %sub3A_344 = arith.subi %mul3A_191, %sub3A_343 : vector<16xi32>
          %select_n3A_345 = arith.select %gt3A_338, %sub3A_344, %mul3A_191 : vector<16xi1>, vector<16xi32>
          %select_n3A_346 = arith.select %lt3A_335, %add3A_341, %select_n3A_345 : vector<16xi1>, vector<16xi32>
          %add3A_347 = arith.constant 4 : i32
          %add3A_348 = vector.broadcast %add3A_347 : i32 to vector<16xi32>
          %add3A_349 = arith.addi %add3A_273, %add3A_348 : vector<16xi32>
          %sub3A_350 = arith.constant 4 : i32
          %sub3A_351 = vector.broadcast %sub3A_350 : i32 to vector<16xi32>
          %sub3A_352 = arith.subi %add3A_273, %sub3A_351 : vector<16xi32>
          %select_n3A_353 = arith.select %gt3A_338, %sub3A_352, %add3A_273 : vector<16xi1>, vector<16xi32>
          %select_n3A_354 = arith.select %lt3A_335, %add3A_349, %select_n3A_353 : vector<16xi1>, vector<16xi32>
          %convert_element_type3A_355 = arith.sitofp %select_n3A_346 : vector<16xi32> to vector<16xf32>
          %sub3A_356 = arith.subf %sub3A_127, %convert_element_type3A_355 : vector<16xf32>
          %mul3A_357 = arith.constant 2.500000e-01 : f32
          %mul3A_358 = vector.broadcast %mul3A_357 : f32 to vector<16xf32>
          %mul3A_359 = arith.mulf %sub3A_356, %mul3A_358 : vector<16xf32>
          %lt3A_360 = arith.constant 0 : i32
          %lt3A_361 = vector.broadcast %lt3A_360 : i32 to vector<16xi32>
          %lt3A_362 = arith.cmpi slt, %add3A_279, %lt3A_361 : vector<16xi32>
          %gt3A_363 = arith.constant 3 : i32
          %gt3A_364 = vector.broadcast %gt3A_363 : i32 to vector<16xi32>
          %gt3A_365 = arith.cmpi sgt, %add3A_279, %gt3A_364 : vector<16xi32>
          %add3A_366 = arith.constant 4 : i32
          %add3A_367 = vector.broadcast %add3A_366 : i32 to vector<16xi32>
          %add3A_368 = arith.addi %mul3A_194, %add3A_367 : vector<16xi32>
          %sub3A_369 = arith.constant 4 : i32
          %sub3A_370 = vector.broadcast %sub3A_369 : i32 to vector<16xi32>
          %sub3A_371 = arith.subi %mul3A_194, %sub3A_370 : vector<16xi32>
          %select_n3A_372 = arith.select %gt3A_365, %sub3A_371, %mul3A_194 : vector<16xi1>, vector<16xi32>
          %select_n3A_373 = arith.select %lt3A_362, %add3A_368, %select_n3A_372 : vector<16xi1>, vector<16xi32>
          %add3A_374 = arith.constant 4 : i32
          %add3A_375 = vector.broadcast %add3A_374 : i32 to vector<16xi32>
          %add3A_376 = arith.addi %add3A_279, %add3A_375 : vector<16xi32>
          %sub3A_377 = arith.constant 4 : i32
          %sub3A_378 = vector.broadcast %sub3A_377 : i32 to vector<16xi32>
          %sub3A_379 = arith.subi %add3A_279, %sub3A_378 : vector<16xi32>
          %select_n3A_380 = arith.select %gt3A_365, %sub3A_379, %add3A_279 : vector<16xi1>, vector<16xi32>
          %select_n3A_381 = arith.select %lt3A_362, %add3A_376, %select_n3A_380 : vector<16xi1>, vector<16xi32>
          %convert_element_type3A_382 = arith.sitofp %select_n3A_373 : vector<16xi32> to vector<16xf32>
          %sub3A_383 = arith.subf %mul3A_130, %convert_element_type3A_382 : vector<16xf32>
          %mul3A_384 = arith.constant 2.500000e-01 : f32
          %mul3A_385 = vector.broadcast %mul3A_384 : f32 to vector<16xf32>
          %mul3A_386 = arith.mulf %sub3A_383, %mul3A_385 : vector<16xf32>
          %eq3A = arith.constant 0 : i32
          %eq3A_387 = vector.broadcast %eq3A : i32 to vector<16xi32>
          %eq3A_388 = arith.cmpi eq, %select_n3A_300, %eq3A_387 : vector<16xi32>
          %jit3A_389 = arith.constant 0.000000e+00 : f32
          %broadcast_in_dim3A_390 = vector.broadcast %jit3A_389 : f32 to vector<16xf32>
          %select_n3A_391 = arith.select %eq3A_388, %mul3A_305, %broadcast_in_dim3A_390 : vector<16xi1>, vector<16xf32>
          %eq3A_392 = arith.constant 0 : i32
          %eq3A_393 = vector.broadcast %eq3A_392 : i32 to vector<16xi32>
          %eq3A_394 = arith.cmpi eq, %select_n3A_327, %eq3A_393 : vector<16xi32>
          %jit3A_395 = arith.constant 0.000000e+00 : f32
          %broadcast_in_dim3A_396 = vector.broadcast %jit3A_395 : f32 to vector<16xf32>
          %select_n3A_397 = arith.select %eq3A_394, %mul3A_332, %broadcast_in_dim3A_396 : vector<16xi1>, vector<16xf32>
          %add3A_398 = arith.addf %select_n3A_391, %select_n3A_397 : vector<16xf32>
          %eq3A_399 = arith.constant 0 : i32
          %eq3A_400 = vector.broadcast %eq3A_399 : i32 to vector<16xi32>
          %eq3A_401 = arith.cmpi eq, %select_n3A_354, %eq3A_400 : vector<16xi32>
          %jit3A_402 = arith.constant 0.000000e+00 : f32
          %broadcast_in_dim3A_403 = vector.broadcast %jit3A_402 : f32 to vector<16xf32>
          %select_n3A_404 = arith.select %eq3A_401, %mul3A_359, %broadcast_in_dim3A_403 : vector<16xi1>, vector<16xf32>
          %add3A_405 = arith.addf %add3A_398, %select_n3A_404 : vector<16xf32>
          %eq3A_406 = arith.constant 0 : i32
          %eq3A_407 = vector.broadcast %eq3A_406 : i32 to vector<16xi32>
          %eq3A_408 = arith.cmpi eq, %select_n3A_381, %eq3A_407 : vector<16xi32>
          %jit3A_409 = arith.constant 0.000000e+00 : f32
          %broadcast_in_dim3A_410 = vector.broadcast %jit3A_409 : f32 to vector<16xf32>
          %select_n3A_411 = arith.select %eq3A_408, %mul3A_386, %broadcast_in_dim3A_410 : vector<16xi1>, vector<16xf32>
          %add3A_412 = arith.addf %add3A_405, %select_n3A_411 : vector<16xf32>
          %eq3A_413 = arith.constant 1 : i32
          %eq3A_414 = vector.broadcast %eq3A_413 : i32 to vector<16xi32>
          %eq3A_415 = arith.cmpi eq, %select_n3A_300, %eq3A_414 : vector<16xi32>
          %jit3A_416 = arith.constant 0.000000e+00 : f32
          %broadcast_in_dim3A_417 = vector.broadcast %jit3A_416 : f32 to vector<16xf32>
          %select_n3A_418 = arith.select %eq3A_415, %mul3A_305, %broadcast_in_dim3A_417 : vector<16xi1>, vector<16xf32>
          %eq3A_419 = arith.constant 1 : i32
          %eq3A_420 = vector.broadcast %eq3A_419 : i32 to vector<16xi32>
          %eq3A_421 = arith.cmpi eq, %select_n3A_327, %eq3A_420 : vector<16xi32>
          %jit3A_422 = arith.constant 0.000000e+00 : f32
          %broadcast_in_dim3A_423 = vector.broadcast %jit3A_422 : f32 to vector<16xf32>
          %select_n3A_424 = arith.select %eq3A_421, %mul3A_332, %broadcast_in_dim3A_423 : vector<16xi1>, vector<16xf32>
          %add3A_425 = arith.addf %select_n3A_418, %select_n3A_424 : vector<16xf32>
          %eq3A_426 = arith.constant 1 : i32
          %eq3A_427 = vector.broadcast %eq3A_426 : i32 to vector<16xi32>
          %eq3A_428 = arith.cmpi eq, %select_n3A_354, %eq3A_427 : vector<16xi32>
          %jit3A_429 = arith.constant 0.000000e+00 : f32
          %broadcast_in_dim3A_430 = vector.broadcast %jit3A_429 : f32 to vector<16xf32>
          %select_n3A_431 = arith.select %eq3A_428, %mul3A_359, %broadcast_in_dim3A_430 : vector<16xi1>, vector<16xf32>
          %add3A_432 = arith.addf %add3A_425, %select_n3A_431 : vector<16xf32>
          %eq3A_433 = arith.constant 1 : i32
          %eq3A_434 = vector.broadcast %eq3A_433 : i32 to vector<16xi32>
          %eq3A_435 = arith.cmpi eq, %select_n3A_381, %eq3A_434 : vector<16xi32>
          %jit3A_436 = arith.constant 0.000000e+00 : f32
          %broadcast_in_dim3A_437 = vector.broadcast %jit3A_436 : f32 to vector<16xf32>
          %select_n3A_438 = arith.select %eq3A_435, %mul3A_386, %broadcast_in_dim3A_437 : vector<16xi1>, vector<16xf32>
          %add3A_439 = arith.addf %add3A_432, %select_n3A_438 : vector<16xf32>
          %eq3A_440 = arith.constant 2 : i32
          %eq3A_441 = vector.broadcast %eq3A_440 : i32 to vector<16xi32>
          %eq3A_442 = arith.cmpi eq, %select_n3A_300, %eq3A_441 : vector<16xi32>
          %jit3A_443 = arith.constant 0.000000e+00 : f32
          %broadcast_in_dim3A_444 = vector.broadcast %jit3A_443 : f32 to vector<16xf32>
          %select_n3A_445 = arith.select %eq3A_442, %mul3A_305, %broadcast_in_dim3A_444 : vector<16xi1>, vector<16xf32>
          %eq3A_446 = arith.constant 2 : i32
          %eq3A_447 = vector.broadcast %eq3A_446 : i32 to vector<16xi32>
          %eq3A_448 = arith.cmpi eq, %select_n3A_327, %eq3A_447 : vector<16xi32>
          %jit3A_449 = arith.constant 0.000000e+00 : f32
          %broadcast_in_dim3A_450 = vector.broadcast %jit3A_449 : f32 to vector<16xf32>
          %select_n3A_451 = arith.select %eq3A_448, %mul3A_332, %broadcast_in_dim3A_450 : vector<16xi1>, vector<16xf32>
          %add3A_452 = arith.addf %select_n3A_445, %select_n3A_451 : vector<16xf32>
          %eq3A_453 = arith.constant 2 : i32
          %eq3A_454 = vector.broadcast %eq3A_453 : i32 to vector<16xi32>
          %eq3A_455 = arith.cmpi eq, %select_n3A_354, %eq3A_454 : vector<16xi32>
          %jit3A_456 = arith.constant 0.000000e+00 : f32
          %broadcast_in_dim3A_457 = vector.broadcast %jit3A_456 : f32 to vector<16xf32>
          %select_n3A_458 = arith.select %eq3A_455, %mul3A_359, %broadcast_in_dim3A_457 : vector<16xi1>, vector<16xf32>
          %add3A_459 = arith.addf %add3A_452, %select_n3A_458 : vector<16xf32>
          %eq3A_460 = arith.constant 2 : i32
          %eq3A_461 = vector.broadcast %eq3A_460 : i32 to vector<16xi32>
          %eq3A_462 = arith.cmpi eq, %select_n3A_381, %eq3A_461 : vector<16xi32>
          %jit3A_463 = arith.constant 0.000000e+00 : f32
          %broadcast_in_dim3A_464 = vector.broadcast %jit3A_463 : f32 to vector<16xf32>
          %select_n3A_465 = arith.select %eq3A_462, %mul3A_386, %broadcast_in_dim3A_464 : vector<16xi1>, vector<16xf32>
          %add3A_466 = arith.addf %add3A_459, %select_n3A_465 : vector<16xf32>
          %eq3A_467 = arith.constant 3 : i32
          %eq3A_468 = vector.broadcast %eq3A_467 : i32 to vector<16xi32>
          %eq3A_469 = arith.cmpi eq, %select_n3A_300, %eq3A_468 : vector<16xi32>
          %jit3A_470 = arith.constant 0.000000e+00 : f32
          %broadcast_in_dim3A_471 = vector.broadcast %jit3A_470 : f32 to vector<16xf32>
          %select_n3A_472 = arith.select %eq3A_469, %mul3A_305, %broadcast_in_dim3A_471 : vector<16xi1>, vector<16xf32>
          %eq3A_473 = arith.constant 3 : i32
          %eq3A_474 = vector.broadcast %eq3A_473 : i32 to vector<16xi32>
          %eq3A_475 = arith.cmpi eq, %select_n3A_327, %eq3A_474 : vector<16xi32>
          %jit3A_476 = arith.constant 0.000000e+00 : f32
          %broadcast_in_dim3A_477 = vector.broadcast %jit3A_476 : f32 to vector<16xf32>
          %select_n3A_478 = arith.select %eq3A_475, %mul3A_332, %broadcast_in_dim3A_477 : vector<16xi1>, vector<16xf32>
          %add3A_479 = arith.addf %select_n3A_472, %select_n3A_478 : vector<16xf32>
          %eq3A_480 = arith.constant 3 : i32
          %eq3A_481 = vector.broadcast %eq3A_480 : i32 to vector<16xi32>
          %eq3A_482 = arith.cmpi eq, %select_n3A_354, %eq3A_481 : vector<16xi32>
          %jit3A_483 = arith.constant 0.000000e+00 : f32
          %broadcast_in_dim3A_484 = vector.broadcast %jit3A_483 : f32 to vector<16xf32>
          %select_n3A_485 = arith.select %eq3A_482, %mul3A_359, %broadcast_in_dim3A_484 : vector<16xi1>, vector<16xf32>
          %add3A_486 = arith.addf %add3A_479, %select_n3A_485 : vector<16xf32>
          %eq3A_487 = arith.constant 3 : i32
          %eq3A_488 = vector.broadcast %eq3A_487 : i32 to vector<16xi32>
          %eq3A_489 = arith.cmpi eq, %select_n3A_381, %eq3A_488 : vector<16xi32>
          %jit3A_490 = arith.constant 0.000000e+00 : f32
          %broadcast_in_dim3A_491 = vector.broadcast %jit3A_490 : f32 to vector<16xf32>
          %select_n3A_492 = arith.select %eq3A_489, %mul3A_386, %broadcast_in_dim3A_491 : vector<16xi1>, vector<16xf32>
          %add3A_493 = arith.addf %add3A_486, %select_n3A_492 : vector<16xf32>
          %add3A_494 = arith.constant 1.000000e+00 : f32
          %add3A_495 = vector.broadcast %add3A_494 : f32 to vector<16xf32>
          %add3A_496 = arith.addf %add3A_495, %add3A_493 : vector<16xf32>
          %sub3A_497 = arith.subf %add3A_496, %add3A_412 : vector<16xf32>
          %sub3A_498 = arith.subf %add3A_466, %add3A_493 : vector<16xf32>
          %sub3A_499 = arith.subf %add3A_439, %add3A_466 : vector<16xf32>
          %sub3A_500 = arith.subf %add3A_412, %add3A_439 : vector<16xf32>
          %mul3A_501 = arith.constant -1640531535 : i32
          %mul3A_502 = vector.broadcast %mul3A_501 : i32 to vector<16xi32>
          %mul3A_503 = arith.muli %select_n3A_292, %mul3A_502 : vector<16xi32>
          %mul3A_504 = arith.constant 805459861 : i32
          %mul3A_505 = vector.broadcast %mul3A_504 : i32 to vector<16xi32>
          %mul3A_506 = arith.muli %select_n3A_319, %mul3A_505 : vector<16xi32>
          %xor3A = arith.xori %mul3A_503, %mul3A_506 : vector<16xi32>
          %mul3A_507 = arith.constant -620313867 : i32
          %mul3A_508 = vector.broadcast %mul3A_507 : i32 to vector<16xi32>
          %mul3A_509 = arith.muli %select_n3A_346, %mul3A_508 : vector<16xi32>
          %xor3A_510 = arith.xori %xor3A, %mul3A_509 : vector<16xi32>
          %and3A = arith.constant 262143 : i32
          %and3A_511 = vector.broadcast %and3A : i32 to vector<16xi32>
          %and3A_512 = arith.andi %xor3A_510, %and3A_511 : vector<16xi32>
          %shift_right_arithmetic3A = arith.constant 7 : i32
          %shift_right_arithmetic3A_513 = vector.broadcast %shift_right_arithmetic3A : i32 to vector<16xi32>
          %shift_right_arithmetic3A_514 = arith.shrsi %and3A_512, %shift_right_arithmetic3A_513 : vector<16xi32>
          %shift_left3A = arith.constant 8 : i32
          %shift_left3A_515 = vector.broadcast %shift_left3A : i32 to vector<16xi32>
          %shift_left3A_516 = arith.shli %shift_right_arithmetic3A_514, %shift_left3A_515 : vector<16xi32>
          %add3A_517 = vector.broadcast %mul3A_74 : i32 to vector<16xi32>
          %add3A_518 = arith.addi %add3A_517, %shift_left3A_516 : vector<16xi32>
          %and3A_519 = arith.constant 127 : i32
          %and3A_520 = vector.broadcast %and3A_519 : i32 to vector<16xi32>
          %and3A_521 = arith.andi %and3A_512, %and3A_520 : vector<16xi32>
          %add3A_522 = arith.addi %add3A_518, %and3A_521 : vector<16xi32>
          %add3A_523 = arith.constant 0 : i32
          %add3A_524 = arith.addi %add3A_523, %mul3A_95 : i32
          %swap3A = arith.index_cast %add3A_524 : i32 to index
          %swap3A_525 = tpu.vector_load %arg12[%swap3A] {strides = array<i32>} : memref<4096xi32, #tpu.memory_space<vmem>>, vector<16xi32>,
          tpu.vector_store %arg12[%swap3A], %add3A_522 {strides = array<i32>} : memref<4096xi32, #tpu.memory_space<vmem>>, vector<16xi32>,
          %add3A_526 = arith.constant 128 : i32
          %add3A_527 = vector.broadcast %add3A_526 : i32 to vector<16xi32>
          %add3A_528 = arith.addi %add3A_522, %add3A_527 : vector<16xi32>
          %add3A_529 = arith.constant 0 : i32
          %add3A_530 = arith.addi %add3A_529, %mul3A_95 : i32
          %swap3A_531 = arith.index_cast %add3A_530 : i32 to index
          %swap3A_532 = tpu.vector_load %arg13[%swap3A_531] {strides = array<i32>} : memref<4096xi32, #tpu.memory_space<vmem>>, vector<16xi32>,
          tpu.vector_store %arg13[%swap3A_531], %add3A_528 {strides = array<i32>} : memref<4096xi32, #tpu.memory_space<vmem>>, vector<16xi32>,
          %add3A_533 = arith.constant 0 : i32
          %add3A_534 = arith.addi %add3A_533, %mul3A_95 : i32
          %swap3A_535 = arith.index_cast %add3A_534 : i32 to index
          %swap3A_536 = tpu.vector_load %arg14[%swap3A_535] {strides = array<i32>} : memref<4096xf32, #tpu.memory_space<vmem>>, vector<16xf32>,
          tpu.vector_store %arg14[%swap3A_535], %sub3A_497 {strides = array<i32>} : memref<4096xf32, #tpu.memory_space<vmem>>, vector<16xf32>,
          %gt3A_537 = arith.constant 2 : i32
          %gt3A_538 = vector.broadcast %gt3A_537 : i32 to vector<16xi32>
          %gt3A_539 = arith.cmpi sgt, %select_n3A_300, %gt3A_538 : vector<16xi32>
          %jit3A_540 = arith.constant -3 : i32
          %jit3A_541 = arith.constant 1 : i32
          %broadcast_in_dim3A_542 = vector.broadcast %jit3A_540 : i32 to vector<16xi32>
          %broadcast_in_dim3A_543 = vector.broadcast %jit3A_541 : i32 to vector<16xi32>
          %select_n3A_544 = arith.select %gt3A_539, %broadcast_in_dim3A_542, %broadcast_in_dim3A_543 : vector<16xi1>, vector<16xi32>
          %add3A_545 = arith.addi %select_n3A_292, %select_n3A_544 : vector<16xi32>
          %gt3A_546 = arith.constant 2 : i32
          %gt3A_547 = vector.broadcast %gt3A_546 : i32 to vector<16xi32>
          %gt3A_548 = arith.cmpi sgt, %select_n3A_327, %gt3A_547 : vector<16xi32>
          %jit3A_549 = arith.constant -3 : i32
          %jit3A_550 = arith.constant 1 : i32
          %broadcast_in_dim3A_551 = vector.broadcast %jit3A_549 : i32 to vector<16xi32>
          %broadcast_in_dim3A_552 = vector.broadcast %jit3A_550 : i32 to vector<16xi32>
          %select_n3A_553 = arith.select %gt3A_548, %broadcast_in_dim3A_551, %broadcast_in_dim3A_552 : vector<16xi1>, vector<16xi32>
          %add3A_554 = arith.addi %select_n3A_319, %select_n3A_553 : vector<16xi32>
          %gt3A_555 = arith.constant 2 : i32
          %gt3A_556 = vector.broadcast %gt3A_555 : i32 to vector<16xi32>
          %gt3A_557 = arith.cmpi sgt, %select_n3A_354, %gt3A_556 : vector<16xi32>
          %jit3A_558 = arith.constant -3 : i32
          %jit3A_559 = arith.constant 1 : i32
          %broadcast_in_dim3A_560 = vector.broadcast %jit3A_558 : i32 to vector<16xi32>
          %broadcast_in_dim3A_561 = vector.broadcast %jit3A_559 : i32 to vector<16xi32>
          %select_n3A_562 = arith.select %gt3A_557, %broadcast_in_dim3A_560, %broadcast_in_dim3A_561 : vector<16xi1>, vector<16xi32>
          %add3A_563 = arith.addi %select_n3A_346, %select_n3A_562 : vector<16xi32>
          %mul3A_564 = arith.constant -1640531535 : i32
          %mul3A_565 = vector.broadcast %mul3A_564 : i32 to vector<16xi32>
          %mul3A_566 = arith.muli %add3A_545, %mul3A_565 : vector<16xi32>
          %mul3A_567 = arith.constant 805459861 : i32
          %mul3A_568 = vector.broadcast %mul3A_567 : i32 to vector<16xi32>
          %mul3A_569 = arith.muli %add3A_554, %mul3A_568 : vector<16xi32>
          %xor3A_570 = arith.xori %mul3A_566, %mul3A_569 : vector<16xi32>
          %mul3A_571 = arith.constant -620313867 : i32
          %mul3A_572 = vector.broadcast %mul3A_571 : i32 to vector<16xi32>
          %mul3A_573 = arith.muli %add3A_563, %mul3A_572 : vector<16xi32>
          %xor3A_574 = arith.xori %xor3A_570, %mul3A_573 : vector<16xi32>
          %and3A_575 = arith.constant 262143 : i32
          %and3A_576 = vector.broadcast %and3A_575 : i32 to vector<16xi32>
          %and3A_577 = arith.andi %xor3A_574, %and3A_576 : vector<16xi32>
          %shift_right_arithmetic3A_578 = arith.constant 7 : i32
          %shift_right_arithmetic3A_579 = vector.broadcast %shift_right_arithmetic3A_578 : i32 to vector<16xi32>
          %shift_right_arithmetic3A_580 = arith.shrsi %and3A_577, %shift_right_arithmetic3A_579 : vector<16xi32>
          %shift_left3A_581 = arith.constant 8 : i32
          %shift_left3A_582 = vector.broadcast %shift_left3A_581 : i32 to vector<16xi32>
          %shift_left3A_583 = arith.shli %shift_right_arithmetic3A_580, %shift_left3A_582 : vector<16xi32>
          %add3A_584 = vector.broadcast %mul3A_74 : i32 to vector<16xi32>
          %add3A_585 = arith.addi %add3A_584, %shift_left3A_583 : vector<16xi32>
          %and3A_586 = arith.constant 127 : i32
          %and3A_587 = vector.broadcast %and3A_586 : i32 to vector<16xi32>
          %and3A_588 = arith.andi %and3A_577, %and3A_587 : vector<16xi32>
          %add3A_589 = arith.addi %add3A_585, %and3A_588 : vector<16xi32>
          %add3A_590 = arith.constant 1024 : i32
          %add3A_591 = arith.addi %add3A_590, %mul3A_95 : i32
          %swap3A_592 = arith.index_cast %add3A_591 : i32 to index
          %swap3A_593 = tpu.vector_load %arg12[%swap3A_592] {strides = array<i32>} : memref<4096xi32, #tpu.memory_space<vmem>>, vector<16xi32>,
          tpu.vector_store %arg12[%swap3A_592], %add3A_589 {strides = array<i32>} : memref<4096xi32, #tpu.memory_space<vmem>>, vector<16xi32>,
          %add3A_594 = arith.constant 128 : i32
          %add3A_595 = vector.broadcast %add3A_594 : i32 to vector<16xi32>
          %add3A_596 = arith.addi %add3A_589, %add3A_595 : vector<16xi32>
          %add3A_597 = arith.constant 1024 : i32
          %add3A_598 = arith.addi %add3A_597, %mul3A_95 : i32
          %swap3A_599 = arith.index_cast %add3A_598 : i32 to index
          %swap3A_600 = tpu.vector_load %arg13[%swap3A_599] {strides = array<i32>} : memref<4096xi32, #tpu.memory_space<vmem>>, vector<16xi32>,
          tpu.vector_store %arg13[%swap3A_599], %add3A_596 {strides = array<i32>} : memref<4096xi32, #tpu.memory_space<vmem>>, vector<16xi32>,
          %add3A_601 = arith.constant 1024 : i32
          %add3A_602 = arith.addi %add3A_601, %mul3A_95 : i32
          %swap3A_603 = arith.index_cast %add3A_602 : i32 to index
          %swap3A_604 = tpu.vector_load %arg14[%swap3A_603] {strides = array<i32>} : memref<4096xf32, #tpu.memory_space<vmem>>, vector<16xf32>,
          tpu.vector_store %arg14[%swap3A_603], %sub3A_498 {strides = array<i32>} : memref<4096xf32, #tpu.memory_space<vmem>>, vector<16xf32>,
          %gt3A_605 = arith.constant 1 : i32
          %gt3A_606 = vector.broadcast %gt3A_605 : i32 to vector<16xi32>
          %gt3A_607 = arith.cmpi sgt, %select_n3A_300, %gt3A_606 : vector<16xi32>
          %jit3A_608 = arith.constant -2 : i32
          %jit3A_609 = arith.constant 2 : i32
          %broadcast_in_dim3A_610 = vector.broadcast %jit3A_608 : i32 to vector<16xi32>
          %broadcast_in_dim3A_611 = vector.broadcast %jit3A_609 : i32 to vector<16xi32>
          %select_n3A_612 = arith.select %gt3A_607, %broadcast_in_dim3A_610, %broadcast_in_dim3A_611 : vector<16xi1>, vector<16xi32>
          %add3A_613 = arith.addi %select_n3A_292, %select_n3A_612 : vector<16xi32>
          %gt3A_614 = arith.constant 1 : i32
          %gt3A_615 = vector.broadcast %gt3A_614 : i32 to vector<16xi32>
          %gt3A_616 = arith.cmpi sgt, %select_n3A_327, %gt3A_615 : vector<16xi32>
          %jit3A_617 = arith.constant -2 : i32
          %jit3A_618 = arith.constant 2 : i32
          %broadcast_in_dim3A_619 = vector.broadcast %jit3A_617 : i32 to vector<16xi32>
          %broadcast_in_dim3A_620 = vector.broadcast %jit3A_618 : i32 to vector<16xi32>
          %select_n3A_621 = arith.select %gt3A_616, %broadcast_in_dim3A_619, %broadcast_in_dim3A_620 : vector<16xi1>, vector<16xi32>
          %add3A_622 = arith.addi %select_n3A_319, %select_n3A_621 : vector<16xi32>
          %gt3A_623 = arith.constant 1 : i32
          %gt3A_624 = vector.broadcast %gt3A_623 : i32 to vector<16xi32>
          %gt3A_625 = arith.cmpi sgt, %select_n3A_354, %gt3A_624 : vector<16xi32>
          %jit3A_626 = arith.constant -2 : i32
          %jit3A_627 = arith.constant 2 : i32
          %broadcast_in_dim3A_628 = vector.broadcast %jit3A_626 : i32 to vector<16xi32>
          %broadcast_in_dim3A_629 = vector.broadcast %jit3A_627 : i32 to vector<16xi32>
          %select_n3A_630 = arith.select %gt3A_625, %broadcast_in_dim3A_628, %broadcast_in_dim3A_629 : vector<16xi1>, vector<16xi32>
          %add3A_631 = arith.addi %select_n3A_346, %select_n3A_630 : vector<16xi32>
          %mul3A_632 = arith.constant -1640531535 : i32
          %mul3A_633 = vector.broadcast %mul3A_632 : i32 to vector<16xi32>
          %mul3A_634 = arith.muli %add3A_613, %mul3A_633 : vector<16xi32>
          %mul3A_635 = arith.constant 805459861 : i32
          %mul3A_636 = vector.broadcast %mul3A_635 : i32 to vector<16xi32>
          %mul3A_637 = arith.muli %add3A_622, %mul3A_636 : vector<16xi32>
          %xor3A_638 = arith.xori %mul3A_634, %mul3A_637 : vector<16xi32>
          %mul3A_639 = arith.constant -620313867 : i32
          %mul3A_640 = vector.broadcast %mul3A_639 : i32 to vector<16xi32>
          %mul3A_641 = arith.muli %add3A_631, %mul3A_640 : vector<16xi32>
          %xor3A_642 = arith.xori %xor3A_638, %mul3A_641 : vector<16xi32>
          %and3A_643 = arith.constant 262143 : i32
          %and3A_644 = vector.broadcast %and3A_643 : i32 to vector<16xi32>
          %and3A_645 = arith.andi %xor3A_642, %and3A_644 : vector<16xi32>
          %shift_right_arithmetic3A_646 = arith.constant 7 : i32
          %shift_right_arithmetic3A_647 = vector.broadcast %shift_right_arithmetic3A_646 : i32 to vector<16xi32>
          %shift_right_arithmetic3A_648 = arith.shrsi %and3A_645, %shift_right_arithmetic3A_647 : vector<16xi32>
          %shift_left3A_649 = arith.constant 8 : i32
          %shift_left3A_650 = vector.broadcast %shift_left3A_649 : i32 to vector<16xi32>
          %shift_left3A_651 = arith.shli %shift_right_arithmetic3A_648, %shift_left3A_650 : vector<16xi32>
          %add3A_652 = vector.broadcast %mul3A_74 : i32 to vector<16xi32>
          %add3A_653 = arith.addi %add3A_652, %shift_left3A_651 : vector<16xi32>
          %and3A_654 = arith.constant 127 : i32
          %and3A_655 = vector.broadcast %and3A_654 : i32 to vector<16xi32>
          %and3A_656 = arith.andi %and3A_645, %and3A_655 : vector<16xi32>
          %add3A_657 = arith.addi %add3A_653, %and3A_656 : vector<16xi32>
          %add3A_658 = arith.constant 2048 : i32
          %add3A_659 = arith.addi %add3A_658, %mul3A_95 : i32
          %swap3A_660 = arith.index_cast %add3A_659 : i32 to index
          %swap3A_661 = tpu.vector_load %arg12[%swap3A_660] {strides = array<i32>} : memref<4096xi32, #tpu.memory_space<vmem>>, vector<16xi32>,
          tpu.vector_store %arg12[%swap3A_660], %add3A_657 {strides = array<i32>} : memref<4096xi32, #tpu.memory_space<vmem>>, vector<16xi32>,
          %add3A_662 = arith.constant 128 : i32
          %add3A_663 = vector.broadcast %add3A_662 : i32 to vector<16xi32>
          %add3A_664 = arith.addi %add3A_657, %add3A_663 : vector<16xi32>
          %add3A_665 = arith.constant 2048 : i32
          %add3A_666 = arith.addi %add3A_665, %mul3A_95 : i32
          %swap3A_667 = arith.index_cast %add3A_666 : i32 to index
          %swap3A_668 = tpu.vector_load %arg13[%swap3A_667] {strides = array<i32>} : memref<4096xi32, #tpu.memory_space<vmem>>, vector<16xi32>,
          tpu.vector_store %arg13[%swap3A_667], %add3A_664 {strides = array<i32>} : memref<4096xi32, #tpu.memory_space<vmem>>, vector<16xi32>,
          %add3A_669 = arith.constant 2048 : i32
          %add3A_670 = arith.addi %add3A_669, %mul3A_95 : i32
          %swap3A_671 = arith.index_cast %add3A_670 : i32 to index
          %swap3A_672 = tpu.vector_load %arg14[%swap3A_671] {strides = array<i32>} : memref<4096xf32, #tpu.memory_space<vmem>>, vector<16xf32>,
          tpu.vector_store %arg14[%swap3A_671], %sub3A_499 {strides = array<i32>} : memref<4096xf32, #tpu.memory_space<vmem>>, vector<16xf32>,
          %gt3A_673 = arith.constant 0 : i32
          %gt3A_674 = vector.broadcast %gt3A_673 : i32 to vector<16xi32>
          %gt3A_675 = arith.cmpi sgt, %select_n3A_300, %gt3A_674 : vector<16xi32>
          %jit3A_676 = arith.constant -1 : i32
          %jit3A_677 = arith.constant 3 : i32
          %broadcast_in_dim3A_678 = vector.broadcast %jit3A_676 : i32 to vector<16xi32>
          %broadcast_in_dim3A_679 = vector.broadcast %jit3A_677 : i32 to vector<16xi32>
          %select_n3A_680 = arith.select %gt3A_675, %broadcast_in_dim3A_678, %broadcast_in_dim3A_679 : vector<16xi1>, vector<16xi32>
          %add3A_681 = arith.addi %select_n3A_292, %select_n3A_680 : vector<16xi32>
          %gt3A_682 = arith.constant 0 : i32
          %gt3A_683 = vector.broadcast %gt3A_682 : i32 to vector<16xi32>
          %gt3A_684 = arith.cmpi sgt, %select_n3A_327, %gt3A_683 : vector<16xi32>
          %jit3A_685 = arith.constant -1 : i32
          %jit3A_686 = arith.constant 3 : i32
          %broadcast_in_dim3A_687 = vector.broadcast %jit3A_685 : i32 to vector<16xi32>
          %broadcast_in_dim3A_688 = vector.broadcast %jit3A_686 : i32 to vector<16xi32>
          %select_n3A_689 = arith.select %gt3A_684, %broadcast_in_dim3A_687, %broadcast_in_dim3A_688 : vector<16xi1>, vector<16xi32>
          %add3A_690 = arith.addi %select_n3A_319, %select_n3A_689 : vector<16xi32>
          %gt3A_691 = arith.constant 0 : i32
          %gt3A_692 = vector.broadcast %gt3A_691 : i32 to vector<16xi32>
          %gt3A_693 = arith.cmpi sgt, %select_n3A_354, %gt3A_692 : vector<16xi32>
          %jit3A_694 = arith.constant -1 : i32
          %jit3A_695 = arith.constant 3 : i32
          %broadcast_in_dim3A_696 = vector.broadcast %jit3A_694 : i32 to vector<16xi32>
          %broadcast_in_dim3A_697 = vector.broadcast %jit3A_695 : i32 to vector<16xi32>
          %select_n3A_698 = arith.select %gt3A_693, %broadcast_in_dim3A_696, %broadcast_in_dim3A_697 : vector<16xi1>, vector<16xi32>
          %add3A_699 = arith.addi %select_n3A_346, %select_n3A_698 : vector<16xi32>
          %mul3A_700 = arith.constant -1640531535 : i32
          %mul3A_701 = vector.broadcast %mul3A_700 : i32 to vector<16xi32>
          %mul3A_702 = arith.muli %add3A_681, %mul3A_701 : vector<16xi32>
          %mul3A_703 = arith.constant 805459861 : i32
          %mul3A_704 = vector.broadcast %mul3A_703 : i32 to vector<16xi32>
          %mul3A_705 = arith.muli %add3A_690, %mul3A_704 : vector<16xi32>
          %xor3A_706 = arith.xori %mul3A_702, %mul3A_705 : vector<16xi32>
          %mul3A_707 = arith.constant -620313867 : i32
          %mul3A_708 = vector.broadcast %mul3A_707 : i32 to vector<16xi32>
          %mul3A_709 = arith.muli %add3A_699, %mul3A_708 : vector<16xi32>
          %xor3A_710 = arith.xori %xor3A_706, %mul3A_709 : vector<16xi32>
          %and3A_711 = arith.constant 262143 : i32
          %and3A_712 = vector.broadcast %and3A_711 : i32 to vector<16xi32>
          %and3A_713 = arith.andi %xor3A_710, %and3A_712 : vector<16xi32>
          %shift_right_arithmetic3A_714 = arith.constant 7 : i32
          %shift_right_arithmetic3A_715 = vector.broadcast %shift_right_arithmetic3A_714 : i32 to vector<16xi32>
          %shift_right_arithmetic3A_716 = arith.shrsi %and3A_713, %shift_right_arithmetic3A_715 : vector<16xi32>
          %shift_left3A_717 = arith.constant 8 : i32
          %shift_left3A_718 = vector.broadcast %shift_left3A_717 : i32 to vector<16xi32>
          %shift_left3A_719 = arith.shli %shift_right_arithmetic3A_716, %shift_left3A_718 : vector<16xi32>
          %add3A_720 = vector.broadcast %mul3A_74 : i32 to vector<16xi32>
          %add3A_721 = arith.addi %add3A_720, %shift_left3A_719 : vector<16xi32>
          %and3A_722 = arith.constant 127 : i32
          %and3A_723 = vector.broadcast %and3A_722 : i32 to vector<16xi32>
          %and3A_724 = arith.andi %and3A_713, %and3A_723 : vector<16xi32>
          %add3A_725 = arith.addi %add3A_721, %and3A_724 : vector<16xi32>
          %add3A_726 = arith.constant 3072 : i32
          %add3A_727 = arith.addi %add3A_726, %mul3A_95 : i32
          %swap3A_728 = arith.index_cast %add3A_727 : i32 to index
          %swap3A_729 = tpu.vector_load %arg12[%swap3A_728] {strides = array<i32>} : memref<4096xi32, #tpu.memory_space<vmem>>, vector<16xi32>,
          tpu.vector_store %arg12[%swap3A_728], %add3A_725 {strides = array<i32>} : memref<4096xi32, #tpu.memory_space<vmem>>, vector<16xi32>,
          %add3A_730 = arith.constant 128 : i32
          %add3A_731 = vector.broadcast %add3A_730 : i32 to vector<16xi32>
          %add3A_732 = arith.addi %add3A_725, %add3A_731 : vector<16xi32>
          %add3A_733 = arith.constant 3072 : i32
          %add3A_734 = arith.addi %add3A_733, %mul3A_95 : i32
          %swap3A_735 = arith.index_cast %add3A_734 : i32 to index
          %swap3A_736 = tpu.vector_load %arg13[%swap3A_735] {strides = array<i32>} : memref<4096xi32, #tpu.memory_space<vmem>>, vector<16xi32>,
          tpu.vector_store %arg13[%swap3A_735], %add3A_732 {strides = array<i32>} : memref<4096xi32, #tpu.memory_space<vmem>>, vector<16xi32>,
          %add3A_737 = arith.constant 3072 : i32
          %add3A_738 = arith.addi %add3A_737, %mul3A_95 : i32
          %swap3A_739 = arith.index_cast %add3A_738 : i32 to index
          %swap3A_740 = tpu.vector_load %arg14[%swap3A_739] {strides = array<i32>} : memref<4096xf32, #tpu.memory_space<vmem>>, vector<16xf32>,
          tpu.vector_store %arg14[%swap3A_739], %sub3A_500 {strides = array<i32>} : memref<4096xf32, #tpu.memory_space<vmem>>, vector<16xf32>,
        }
        %scan3A_80 = arith.constant 64 : i32
        %scan3A_81 = arith.constant 0 : i32
        %scan3A_82 = arith.constant 0 : i32
        %scan3A_83 = arith.constant 64 : i32
        %scan3A_84 = arith.addi %scan3A_82, %scan3A_83 : i32
        %scan3A_85 = arith.constant 1 : i32
        scf.for %scan3A_93 = %scan3A_82 to %scan3A_84 step %scan3A_85  : i32 {
          %mul3A_94 = arith.constant 16 : i32
          %mul3A_95 = arith.muli %scan3A_93, %mul3A_94 : i32
          %broadcast_in_dim3A_96 = arith.constant 0.000000e+00 : f32
          %broadcast_in_dim3A_97 = vector.broadcast %broadcast_in_dim3A_96 : f32 to vector<16xf32>
          %broadcast_in_dim3A_98 = arith.constant 0.000000e+00 : f32
          %broadcast_in_dim3A_99 = vector.broadcast %broadcast_in_dim3A_98 : f32 to vector<16xf32>
          %add3A_100 = arith.constant 0 : i32
          %add3A_101 = arith.addi %add3A_100, %mul3A_95 : i32
          %get3A = arith.index_cast %add3A_101 : i32 to index
          %get3A_102 = tpu.vector_load %arg10[%get3A] {strides = array<i32>} : memref<4096xf32, #tpu.memory_space<vmem>>, vector<16xf32>,
          %add3A_103 = arith.constant 0 : i32
          %add3A_104 = arith.addi %add3A_103, %mul3A_95 : i32
          %get3A_105 = arith.index_cast %add3A_104 : i32 to index
          %get3A_106 = tpu.vector_load %arg11[%get3A_105] {strides = array<i32>} : memref<4096xf32, #tpu.memory_space<vmem>>, vector<16xf32>,
          %add3A_107 = arith.constant 0 : i32
          %add3A_108 = arith.addi %add3A_107, %mul3A_95 : i32
          %get3A_109 = arith.index_cast %add3A_108 : i32 to index
          %get3A_110 = tpu.vector_load %arg9[%get3A_109] {strides = array<i32>} : memref<4096xf32, #tpu.memory_space<vmem>>, vector<16xf32>,
          %mul3A_111 = arith.mulf %get3A_110, %get3A_102 : vector<16xf32>
          %add3A_112 = arith.addf %broadcast_in_dim3A_97, %mul3A_111 : vector<16xf32>
          %mul3A_113 = arith.mulf %get3A_110, %get3A_106 : vector<16xf32>
          %add3A_114 = arith.addf %broadcast_in_dim3A_99, %mul3A_113 : vector<16xf32>
          %add3A_115 = arith.constant 1024 : i32
          %add3A_116 = arith.addi %add3A_115, %mul3A_95 : i32
          %get3A_117 = arith.index_cast %add3A_116 : i32 to index
          %get3A_118 = tpu.vector_load %arg10[%get3A_117] {strides = array<i32>} : memref<4096xf32, #tpu.memory_space<vmem>>, vector<16xf32>,
          %add3A_119 = arith.constant 1024 : i32
          %add3A_120 = arith.addi %add3A_119, %mul3A_95 : i32
          %get3A_121 = arith.index_cast %add3A_120 : i32 to index
          %get3A_122 = tpu.vector_load %arg11[%get3A_121] {strides = array<i32>} : memref<4096xf32, #tpu.memory_space<vmem>>, vector<16xf32>,
          %add3A_123 = arith.constant 1024 : i32
          %add3A_124 = arith.addi %add3A_123, %mul3A_95 : i32
          %get3A_125 = arith.index_cast %add3A_124 : i32 to index
          %get3A_126 = tpu.vector_load %arg9[%get3A_125] {strides = array<i32>} : memref<4096xf32, #tpu.memory_space<vmem>>, vector<16xf32>,
          %mul3A_127 = arith.mulf %get3A_126, %get3A_118 : vector<16xf32>
          %add3A_128 = arith.addf %add3A_112, %mul3A_127 : vector<16xf32>
          %mul3A_129 = arith.mulf %get3A_126, %get3A_122 : vector<16xf32>
          %add3A_130 = arith.addf %add3A_114, %mul3A_129 : vector<16xf32>
          %add3A_131 = arith.constant 2048 : i32
          %add3A_132 = arith.addi %add3A_131, %mul3A_95 : i32
          %get3A_133 = arith.index_cast %add3A_132 : i32 to index
          %get3A_134 = tpu.vector_load %arg10[%get3A_133] {strides = array<i32>} : memref<4096xf32, #tpu.memory_space<vmem>>, vector<16xf32>,
          %add3A_135 = arith.constant 2048 : i32
          %add3A_136 = arith.addi %add3A_135, %mul3A_95 : i32
          %get3A_137 = arith.index_cast %add3A_136 : i32 to index
          %get3A_138 = tpu.vector_load %arg11[%get3A_137] {strides = array<i32>} : memref<4096xf32, #tpu.memory_space<vmem>>, vector<16xf32>,
          %add3A_139 = arith.constant 2048 : i32
          %add3A_140 = arith.addi %add3A_139, %mul3A_95 : i32
          %get3A_141 = arith.index_cast %add3A_140 : i32 to index
          %get3A_142 = tpu.vector_load %arg9[%get3A_141] {strides = array<i32>} : memref<4096xf32, #tpu.memory_space<vmem>>, vector<16xf32>,
          %mul3A_143 = arith.mulf %get3A_142, %get3A_134 : vector<16xf32>
          %add3A_144 = arith.addf %add3A_128, %mul3A_143 : vector<16xf32>
          %mul3A_145 = arith.mulf %get3A_142, %get3A_138 : vector<16xf32>
          %add3A_146 = arith.addf %add3A_130, %mul3A_145 : vector<16xf32>
          %add3A_147 = arith.constant 3072 : i32
          %add3A_148 = arith.addi %add3A_147, %mul3A_95 : i32
          %get3A_149 = arith.index_cast %add3A_148 : i32 to index
          %get3A_150 = tpu.vector_load %arg10[%get3A_149] {strides = array<i32>} : memref<4096xf32, #tpu.memory_space<vmem>>, vector<16xf32>,
          %add3A_151 = arith.constant 3072 : i32
          %add3A_152 = arith.addi %add3A_151, %mul3A_95 : i32
          %get3A_153 = arith.index_cast %add3A_152 : i32 to index
          %get3A_154 = tpu.vector_load %arg11[%get3A_153] {strides = array<i32>} : memref<4096xf32, #tpu.memory_space<vmem>>, vector<16xf32>,
          %add3A_155 = arith.constant 3072 : i32
          %add3A_156 = arith.addi %add3A_155, %mul3A_95 : i32
          %get3A_157 = arith.index_cast %add3A_156 : i32 to index
          %get3A_158 = tpu.vector_load %arg9[%get3A_157] {strides = array<i32>} : memref<4096xf32, #tpu.memory_space<vmem>>, vector<16xf32>,
          %mul3A_159 = arith.mulf %get3A_158, %get3A_150 : vector<16xf32>
          %add3A_160 = arith.addf %add3A_144, %mul3A_159 : vector<16xf32>
          %mul3A_161 = arith.mulf %get3A_158, %get3A_154 : vector<16xf32>
          %add3A_162 = arith.addf %add3A_146, %mul3A_161 : vector<16xf32>
          %mul3A_163 = arith.constant 2 : i32
          %mul3A_164 = arith.muli %mul3A_163, %mul3A_21 : i32
          %swap3A = arith.index_cast %mul3A_164 : i32 to index
          %swap3A_165 = arith.index_cast %mul3A_95 : i32 to index
          %swap3A_166 = tpu.vector_load %arg17[%swap3A, %swap3A_165] {strides = array<i32>} : memref<32x1024xf32, #tpu.memory_space<vmem>>, vector<16xf32>,
          tpu.vector_store %arg17[%swap3A, %swap3A_165], %add3A_160 {strides = array<i32>} : memref<32x1024xf32, #tpu.memory_space<vmem>>, vector<16xf32>,
          %mul3A_167 = arith.constant 2 : i32
          %mul3A_168 = arith.muli %mul3A_167, %mul3A_21 : i32
          %add3A_169 = arith.constant 1 : i32
          %add3A_170 = arith.addi %mul3A_168, %add3A_169 : i32
          %swap3A_171 = arith.index_cast %add3A_170 : i32 to index
          %swap3A_172 = arith.index_cast %mul3A_95 : i32 to index
          %swap3A_173 = tpu.vector_load %arg17[%swap3A_171, %swap3A_172] {strides = array<i32>} : memref<32x1024xf32, #tpu.memory_space<vmem>>, vector<16xf32>,
          tpu.vector_store %arg17[%swap3A_171, %swap3A_172], %add3A_162 {strides = array<i32>} : memref<32x1024xf32, #tpu.memory_space<vmem>>, vector<16xf32>,
        }
        %scan3A_86 = arith.constant 64 : i32
        %scan3A_87 = arith.constant 0 : i32
        %scan3A_88 = arith.constant 0 : i32
        %scan3A_89 = arith.constant 64 : i32
        %scan3A_90 = arith.addi %scan3A_88, %scan3A_89 : i32
        %scan3A_91 = arith.constant 1 : i32
        scf.for %scan3A_93 = %scan3A_88 to %scan3A_90 step %scan3A_91  : i32 {
          %mul3A_94 = arith.constant 16 : i32
          %mul3A_95 = arith.muli %scan3A_93, %mul3A_94 : i32
          %broadcast_in_dim3A_96 = arith.constant 0.000000e+00 : f32
          %broadcast_in_dim3A_97 = vector.broadcast %broadcast_in_dim3A_96 : f32 to vector<16xf32>
          %broadcast_in_dim3A_98 = arith.constant 0.000000e+00 : f32
          %broadcast_in_dim3A_99 = vector.broadcast %broadcast_in_dim3A_98 : f32 to vector<16xf32>
          %add3A_100 = arith.constant 0 : i32
          %add3A_101 = arith.addi %add3A_100, %mul3A_95 : i32
          %get3A = arith.index_cast %add3A_101 : i32 to index
          %get3A_102 = tpu.vector_load %arg15[%get3A] {strides = array<i32>} : memref<4096xf32, #tpu.memory_space<vmem>>, vector<16xf32>,
          %add3A_103 = arith.constant 0 : i32
          %add3A_104 = arith.addi %add3A_103, %mul3A_95 : i32
          %get3A_105 = arith.index_cast %add3A_104 : i32 to index
          %get3A_106 = tpu.vector_load %arg16[%get3A_105] {strides = array<i32>} : memref<4096xf32, #tpu.memory_space<vmem>>, vector<16xf32>,
          %add3A_107 = arith.constant 0 : i32
          %add3A_108 = arith.addi %add3A_107, %mul3A_95 : i32
          %get3A_109 = arith.index_cast %add3A_108 : i32 to index
          %get3A_110 = tpu.vector_load %arg14[%get3A_109] {strides = array<i32>} : memref<4096xf32, #tpu.memory_space<vmem>>, vector<16xf32>,
          %mul3A_111 = arith.mulf %get3A_110, %get3A_102 : vector<16xf32>
          %add3A_112 = arith.addf %broadcast_in_dim3A_97, %mul3A_111 : vector<16xf32>
          %mul3A_113 = arith.mulf %get3A_110, %get3A_106 : vector<16xf32>
          %add3A_114 = arith.addf %broadcast_in_dim3A_99, %mul3A_113 : vector<16xf32>
          %add3A_115 = arith.constant 1024 : i32
          %add3A_116 = arith.addi %add3A_115, %mul3A_95 : i32
          %get3A_117 = arith.index_cast %add3A_116 : i32 to index
          %get3A_118 = tpu.vector_load %arg15[%get3A_117] {strides = array<i32>} : memref<4096xf32, #tpu.memory_space<vmem>>, vector<16xf32>,
          %add3A_119 = arith.constant 1024 : i32
          %add3A_120 = arith.addi %add3A_119, %mul3A_95 : i32
          %get3A_121 = arith.index_cast %add3A_120 : i32 to index
          %get3A_122 = tpu.vector_load %arg16[%get3A_121] {strides = array<i32>} : memref<4096xf32, #tpu.memory_space<vmem>>, vector<16xf32>,
          %add3A_123 = arith.constant 1024 : i32
          %add3A_124 = arith.addi %add3A_123, %mul3A_95 : i32
          %get3A_125 = arith.index_cast %add3A_124 : i32 to index
          %get3A_126 = tpu.vector_load %arg14[%get3A_125] {strides = array<i32>} : memref<4096xf32, #tpu.memory_space<vmem>>, vector<16xf32>,
          %mul3A_127 = arith.mulf %get3A_126, %get3A_118 : vector<16xf32>
          %add3A_128 = arith.addf %add3A_112, %mul3A_127 : vector<16xf32>
          %mul3A_129 = arith.mulf %get3A_126, %get3A_122 : vector<16xf32>
          %add3A_130 = arith.addf %add3A_114, %mul3A_129 : vector<16xf32>
          %add3A_131 = arith.constant 2048 : i32
          %add3A_132 = arith.addi %add3A_131, %mul3A_95 : i32
          %get3A_133 = arith.index_cast %add3A_132 : i32 to index
          %get3A_134 = tpu.vector_load %arg15[%get3A_133] {strides = array<i32>} : memref<4096xf32, #tpu.memory_space<vmem>>, vector<16xf32>,
          %add3A_135 = arith.constant 2048 : i32
          %add3A_136 = arith.addi %add3A_135, %mul3A_95 : i32
          %get3A_137 = arith.index_cast %add3A_136 : i32 to index
          %get3A_138 = tpu.vector_load %arg16[%get3A_137] {strides = array<i32>} : memref<4096xf32, #tpu.memory_space<vmem>>, vector<16xf32>,
          %add3A_139 = arith.constant 2048 : i32
          %add3A_140 = arith.addi %add3A_139, %mul3A_95 : i32
          %get3A_141 = arith.index_cast %add3A_140 : i32 to index
          %get3A_142 = tpu.vector_load %arg14[%get3A_141] {strides = array<i32>} : memref<4096xf32, #tpu.memory_space<vmem>>, vector<16xf32>,
          %mul3A_143 = arith.mulf %get3A_142, %get3A_134 : vector<16xf32>
          %add3A_144 = arith.addf %add3A_128, %mul3A_143 : vector<16xf32>
          %mul3A_145 = arith.mulf %get3A_142, %get3A_138 : vector<16xf32>
          %add3A_146 = arith.addf %add3A_130, %mul3A_145 : vector<16xf32>
          %add3A_147 = arith.constant 3072 : i32
          %add3A_148 = arith.addi %add3A_147, %mul3A_95 : i32
          %get3A_149 = arith.index_cast %add3A_148 : i32 to index
          %get3A_150 = tpu.vector_load %arg15[%get3A_149] {strides = array<i32>} : memref<4096xf32, #tpu.memory_space<vmem>>, vector<16xf32>,
          %add3A_151 = arith.constant 3072 : i32
          %add3A_152 = arith.addi %add3A_151, %mul3A_95 : i32
          %get3A_153 = arith.index_cast %add3A_152 : i32 to index
          %get3A_154 = tpu.vector_load %arg16[%get3A_153] {strides = array<i32>} : memref<4096xf32, #tpu.memory_space<vmem>>, vector<16xf32>,
          %add3A_155 = arith.constant 3072 : i32
          %add3A_156 = arith.addi %add3A_155, %mul3A_95 : i32
          %get3A_157 = arith.index_cast %add3A_156 : i32 to index
          %get3A_158 = tpu.vector_load %arg14[%get3A_157] {strides = array<i32>} : memref<4096xf32, #tpu.memory_space<vmem>>, vector<16xf32>,
          %mul3A_159 = arith.mulf %get3A_158, %get3A_150 : vector<16xf32>
          %add3A_160 = arith.addf %add3A_144, %mul3A_159 : vector<16xf32>
          %mul3A_161 = arith.mulf %get3A_158, %get3A_154 : vector<16xf32>
          %add3A_162 = arith.addf %add3A_146, %mul3A_161 : vector<16xf32>
          %mul3A_163 = arith.constant 2 : i32
          %mul3A_164 = arith.muli %mul3A_163, %add3A_25 : i32
          %swap3A = arith.index_cast %mul3A_164 : i32 to index
          %swap3A_165 = arith.index_cast %mul3A_95 : i32 to index
          %swap3A_166 = tpu.vector_load %arg17[%swap3A, %swap3A_165] {strides = array<i32>} : memref<32x1024xf32, #tpu.memory_space<vmem>>, vector<16xf32>,
          tpu.vector_store %arg17[%swap3A, %swap3A_165], %add3A_160 {strides = array<i32>} : memref<32x1024xf32, #tpu.memory_space<vmem>>, vector<16xf32>,
          %mul3A_167 = arith.constant 2 : i32
          %mul3A_168 = arith.muli %mul3A_167, %add3A_25 : i32
          %add3A_169 = arith.constant 1 : i32
          %add3A_170 = arith.addi %mul3A_168, %add3A_169 : i32
          %swap3A_171 = arith.index_cast %add3A_170 : i32 to index
          %swap3A_172 = arith.index_cast %mul3A_95 : i32 to index
          %swap3A_173 = tpu.vector_load %arg17[%swap3A_171, %swap3A_172] {strides = array<i32>} : memref<32x1024xf32, #tpu.memory_space<vmem>>, vector<16xf32>,
          tpu.vector_store %arg17[%swap3A_171, %swap3A_172], %add3A_162 {strides = array<i32>} : memref<32x1024xf32, #tpu.memory_space<vmem>>, vector<16xf32>,
        }
        %scan3A_92 = arith.constant 64 : i32
      }
      %scan3A_18 = arith.constant 8 : i32
      "tpu.region"() ({
        %run_scoped3A = tpu.sem_alloc : memref<!tpu.dma_semaphore, #tpu.memory_space<semaphore_mem>>
        %dma_start3A = arith.constant 0 : i32
        %dma_start3A_19 = tpu.memref_slice %arg5[%dma_start3A, %add3A_12] : memref<32x262144xf32, #tpu.memory_space<hbm>> -> memref<32x1024xf32, #tpu.memory_space<hbm>>
        %dma_start3A_20 = arith.constant 0 : i32
        %dma_start3A_21 = tpu.memref_slice %arg5[%dma_start3A_20, %add3A_12] : memref<32x262144xf32, #tpu.memory_space<hbm>> -> memref<32x1024xf32, #tpu.memory_space<hbm>>
        tpu.enqueue_dma source(%arg17 : memref<32x1024xf32, #tpu.memory_space<vmem>>) target(%dma_start3A_21 : memref<32x1024xf32, #tpu.memory_space<hbm>>) target_semaphore(%run_scoped3A : memref<!tpu.dma_semaphore, #tpu.memory_space<semaphore_mem>>)
        %dma_wait3A = arith.constant 0 : i32
        %dma_wait3A_22 = tpu.memref_slice %arg5[%dma_wait3A, %add3A_12] : memref<32x262144xf32, #tpu.memory_space<hbm>> -> memref<32x1024xf32, #tpu.memory_space<hbm>>
        %dma_wait3A_23 = arith.constant 0 : i32
        %dma_wait3A_24 = tpu.memref_slice %arg5[%dma_wait3A_23, %add3A_12] : memref<32x262144xf32, #tpu.memory_space<hbm>> -> memref<32x1024xf32, #tpu.memory_space<hbm>>
        tpu.wait_dma2 semaphore(%run_scoped3A : memref<!tpu.dma_semaphore, #tpu.memory_space<semaphore_mem>>) src(%arg17 : memref<32x1024xf32, #tpu.memory_space<vmem>>) dst(%dma_wait3A_24 : memref<32x1024xf32, #tpu.memory_space<hbm>>)
        tpu.yield
      }) : () -> ()
    }
    %scan3A_6 = arith.constant 8 : i32
    return
  }
}

module attributes {stable_mosaic.version = 14 : i64} {
  func.func @body(%arg0: i32, %arg1: memref<32x2048xf32, #tpu.memory_space<vmem>>, %arg2: memref<64x32xf32, #tpu.memory_space<vmem>>, %arg3: memref<64x1xf32, #tpu.memory_space<vmem>>, %arg4: memref<64x2048xf32, #tpu.memory_space<vmem>>) attributes {dimension_semantics = [#tpu.dimension_semantics<arbitrary>], iteration_bounds = array<i64: 128>, scalar_prefetch = 0 : i64, scratch_operands = 0 : i64, tpu.core_type = #tpu.core_type<tc>, window_params = [{transform_indices = @transform_0, window_bounds = array<i64: 32, 2048>}, {pipeline_mode = #tpu.pipeline_mode<synchronous>, transform_indices = @transform_1, window_bounds = array<i64: 64, 32>}, {pipeline_mode = #tpu.pipeline_mode<synchronous>, transform_indices = @transform_2, window_bounds = array<i64: 64, 1>}, {transform_indices = @transform_3, window_bounds = array<i64: 64, 2048>}]} {
    %get3A = arith.constant 0 : index
    %get3A_0 = arith.constant 0 : index
    %get3A_1 = vector.load %arg2[%get3A, %get3A_0] : memref<64x32xf32, #tpu.memory_space<vmem>>, vector<64x32xf32>
    %get3A_2 = arith.constant 0 : index
    %get3A_3 = arith.constant 0 : index
    %get3A_4 = vector.load %arg1[%get3A_2, %get3A_3] : memref<32x2048xf32, #tpu.memory_space<vmem>>, vector<32x2048xf32>
    %dot_general3A = arith.constant dense<0.000000e+00> : vector<64x2048xf32>
    %dot_general3A_5 = tpu.matmul %get3A_1, %get3A_4, %dot_general3A {dimension_numbers = #tpu.dot_dimension_numbers<[1], [0], [0], [1], [0, 0, 1, 1], [], []>, transpose_lhs_hint = false} : vector<64x32xf32>, vector<32x2048xf32>, vector<64x2048xf32> -> vector<64x2048xf32>
    %get3A_6 = arith.constant 0 : index
    %get3A_7 = arith.constant 0 : index
    %get3A_8 = vector.load %arg3[%get3A_6, %get3A_7] : memref<64x1xf32, #tpu.memory_space<vmem>>, vector<64x1xf32>
    %add3A = vector.broadcast %get3A_8 : vector<64x1xf32> to vector<64x2048xf32>
    %add3A_9 = arith.addf %dot_general3A_5, %add3A : vector<64x2048xf32>
    %swap3A = arith.constant 0 : index
    %swap3A_10 = arith.constant 0 : index
    %swap3A_11 = vector.load %arg4[%swap3A, %swap3A_10] : memref<64x2048xf32, #tpu.memory_space<vmem>>, vector<64x2048xf32>
    tpu.vector_store %arg4[%swap3A, %swap3A_10], %add3A_9 {strides = array<i32>} : memref<64x2048xf32, #tpu.memory_space<vmem>>, vector<64x2048xf32>,
    return
  }
  func.func @transform_0(%arg0: i32) -> (i32, i32) {
    %c0_i32 = arith.constant 0 : i32
    %c0_i32_0 = arith.constant 0 : i32
    return %c0_i32, %arg0 : i32, i32
  }
  func.func @transform_1(%arg0: i32) -> (i32, i32) {
    %c0_i32 = arith.constant 0 : i32
    %c0_i32_0 = arith.constant 0 : i32
    %c0_i32_1 = arith.constant 0 : i32
    return %c0_i32, %c0_i32_0 : i32, i32
  }
  func.func @transform_2(%arg0: i32) -> (i32, i32) {
    %c0_i32 = arith.constant 0 : i32
    %c0_i32_0 = arith.constant 0 : i32
    %c0_i32_1 = arith.constant 0 : i32
    return %c0_i32, %c0_i32_0 : i32, i32
  }
  func.func @transform_3(%arg0: i32) -> (i32, i32) {
    %c0_i32 = arith.constant 0 : i32
    %c0_i32_0 = arith.constant 0 : i32
    return %c0_i32, %arg0 : i32, i32
  }
}

</mosaic_0001>

<sc_bundles>
// kernel: kernel.4.cloned.1.call-start
scs
__scs_entry_jumppad:
0x0: {  	(pc) =	sbr.rel $0x88, $3  }
0x1: {  	(tag) =	ssettag $0x0;
	lr =	simm.s32 $0x1  }
0x2: {  	[smem:$0x3F9C] =	sst lr;
	_ =	strace $0xD0000000  }
0x3: {  	_ = 	snop  }
0x4: {  	_ = 	snop  }
0x5: {  	_ = 	snop  }
0x6: {  	_ = 	snop  }
0x7: {  	_ = 	snop  }
__scs_overlays_trampoline_lowered:
0x8: {  	[smem:$0x3FAB] =	sst s0  }
0x9: {  	[smem:$0x3FAC] =	sst s1  }
0xa: {  	[smem:$0x3FAD] =	sst s2  }
0xb: {  	[smem:$0x3FAE] =	sst s3  }
0xc: {  	[smem:$0x3FAF] =	sst s4  }
0xd: {  	[smem:$0x3FB0] =	sst s5  }
0xe: {  	[smem:$0x3FB1] =	sst s6  }
0xf: {  	[smem:$0x3FB2] =	sst s7  }
0x10: {  	[smem:$0x3FB3] =	sst s8  }
0x11: {  	[smem:$0x3FB4] =	sst s9;
	s0 =	simm.s32 @!p0 $0x0  }
0x12: {  	s1 =	sld [smem:$0x3F9A];
	s0 =	simm.s32 @p0 $0x1  }
0x13: {  	[smem:$0x3FB5] =	sst s0;
	s0 =	simm.s32 @!p1 $0x0  }
0x14: {  	s2 =	sld [smem:$0x3F99];
	s0 =	simm.s32 @p1 $0x1  }
0x15: {  	[smem:$0x3FB6] =	sst s0;
	s0 =	simm.s32 @!p2 $0x0  }
0x16: {  	s3 =	sld [smem:$0x3FDB];
	s0 =	simm.s32 @p2 $0x1  }
0x17: {  	s4 =	simm.s32 $0x1BF5;
	[smem:$0x3FB8] =	sst s0  }
0x18: {  	s0 =	sld [smem:$0x3F9B];
	_ =	swait.ge [sflag:s4], $0x0  }
0x19: {  	s7 =	sld [smem:$0x3F9C]  }
0x1a: {  	s8 =	sadd.s32 $0xFFFFE003, lr  }
0x1b: {  	s9 =	sadd.s32 $0xFFFFFEF7, lr;
	s5 =	simm.s32 $0xFFFFFFFF;
	p2 =	slt.u32 s8, $0xFFFFF086  }
0x1c: {  	p1 =	slt.u32 s9, $0xF7A;
	s5 =	simm.s32 @!p2 $0x0  }
0x1d: {  	s5 =	simm.s32 @p1 $0x1;
	p0 =	seq.s32 s7, s2  }
0x1e: {  	s7 =	smul.u32 @!p0 $0xF7A, s2;
	p2 =	seq.s32 @!p0 s5, $0x0  }
0x1f: {  	s9 =	smul.u32 $0xF7A, s1;
	s8 =	simm.s32 @!p0 $0x1BF5;
	p2 =	por !p2, p0  }
0x20: {  	[sflag:s8] =	ssyncset.s32 @!p0 $0xFFFFF086;
	s6 =	sadd.s32 @!p0 s3, s7;
	s7 =	simm.s32 @!p0 $0x108  }
0x21: {  	s3 =	sadd.s32 s3, s9;
	s6 =	sadd.s32 @!p0 $0x88, s6;
	s7 =	simm.s32 @p2 $0x1082  }
0x22: {  	[simem:s7], [sflag:s8] =	dma.local @!p0 [hbm:s6], $0xF7A  }
0x23: {  	s9 =	sor.u32 $0xD0000000, s2;
	s6 =	simm.s32 $0x108;
	_ =	swait.ge @!p0 [sflag:s8], $0x0  }
0x24: {  	s3 =	sadd.s32 $0x88, s3;
	s6 =	simm.s32 @!p1 $0x1082;
	[sflag:s4] =	ssyncset.s32 $0xFFFFF086  }
0x25: {  	[simem:s6], [sflag:s4] =	dma.local [hbm:s3], $0xF7A  }
0x26: {  	[smem:$0x3F9C] =	sst s1;
	(tag) =	ssettag s2;
	_ =	strace s9  }
0x27: {  	s1 =	sld [smem:$0x3FAC]  }
0x28: {  	s2 =	sld [smem:$0x3FAD]  }
0x29: {  	s4 =	sld [smem:$0x3FAF]  }
0x2a: {  	p0 =	seq.s32 s5, $0x0;
	s5 =	sld [smem:$0x3FB0]  }
0x2b: {  	s6 =	sld [smem:$0x3FB1]  }
0x2c: {  	s7 =	sld [smem:$0x3FB2]  }
0x2d: {  	s3 =	simm.s32 $0x108;
	s8 =	sld [smem:$0x3FB3]  }
0x2e: {  	s3 =	simm.s32 @!p0 $0x1082;
	s9 =	sld [smem:$0x3FB4]  }
0x2f: {  	lr =	sadd.s32 s0, s3;
	s0 =	sld [smem:$0x3FAB]  }
0x30: {  	s3 =	sld [smem:$0x3FAE]  }
0x31: {  	[smem:$0x3FB7] =	sst s10  }
0x32: {  	s10 =	sld [smem:$0x3FB5];
	_ =	sdelay $0x3  }
0x33: {  	p0 =	seq.s32 s10, $0x1;
	s10 =	sld [smem:$0x3FB7];
	_ =	sdelay $0x3  }
0x34: {  	[smem:$0x3FB7] =	sst s10  }
0x35: {  	s10 =	sld [smem:$0x3FB6];
	_ =	sdelay $0x3  }
0x36: {  	p1 =	seq.s32 s10, $0x1;
	s10 =	sld [smem:$0x3FB7];
	_ =	sdelay $0x3  }
0x37: {  	[smem:$0x3FB7] =	sst s10  }
0x38: {  	s10 =	sld [smem:$0x3FB8]  }
0x39: {  	_ = 	snop;
	(pc) =	sbr.ind lr, $3  }
0x3a: {  	_ = 	snop  }
0x3b: {  	_ = 	snop  }
0x3c: {  	p2 =	seq.s32 s10, $0x1;
	s10 =	sld [smem:$0x3FB7]  }
0x3d: {  	_ =	shalt  }
0x3e: {  	_ =	shalt  }
0x3f: {  	_ =	shalt  }
0x40: {  	_ =	shalt  }
0x41: {  	_ =	shalt  }
0x42: {  	_ =	shalt  }
0x43: {  	_ =	shalt  }
0x44: {  	_ =	shalt  }
0x45: {  	_ =	shalt  }
0x46: {  	_ =	shalt  }
0x47: {  	_ =	shalt  }
0x48: {  	_ =	shalt  }
0x49: {  	_ =	shalt  }
0x4a: {  	_ =	shalt  }
0x4b: {  	_ =	shalt  }
0x4c: {  	_ =	shalt  }
0x4d: {  	_ =	shalt  }
0x4e: {  	_ =	shalt  }
0x4f: {  	_ =	shalt  }
0x50: {  	_ =	shalt  }
0x51: {  	_ =	shalt  }
0x52: {  	_ =	shalt  }
0x53: {  	_ =	shalt  }
0x54: {  	_ =	shalt  }
0x55: {  	_ =	shalt  }
0x56: {  	_ =	shalt  }
0x57: {  	_ =	shalt  }
0x58: {  	_ =	shalt  }
0x59: {  	_ =	shalt  }
0x5a: {  	_ =	shalt  }
0x5b: {  	_ =	shalt  }
0x5c: {  	_ =	shalt  }
0x5d: {  	_ =	shalt  }
0x5e: {  	_ =	shalt  }
0x5f: {  	_ =	shalt  }
0x60: {  	_ =	shalt  }
0x61: {  	_ =	shalt  }
0x62: {  	_ =	shalt  }
0x63: {  	_ =	shalt  }
0x64: {  	_ =	shalt  }
0x65: {  	_ =	shalt  }
0x66: {  	_ =	shalt  }
0x67: {  	_ =	shalt  }
0x68: {  	_ =	shalt  }
0x69: {  	_ =	shalt  }
0x6a: {  	_ =	shalt  }
0x6b: {  	_ =	shalt  }
0x6c: {  	_ =	shalt  }
0x6d: {  	_ =	shalt  }
0x6e: {  	_ =	shalt  }
0x6f: {  	_ =	shalt  }
0x70: {  	_ =	shalt  }
0x71: {  	_ =	shalt  }
0x72: {  	_ =	shalt  }
0x73: {  	_ =	shalt  }
0x74: {  	_ =	shalt  }
0x75: {  	_ =	shalt  }
0x76: {  	_ =	shalt  }
0x77: {  	_ =	shalt  }
0x78: {  	_ =	shalt  }
0x79: {  	_ =	shalt  }
0x7a: {  	_ =	shalt  }
0x7b: {  	_ =	shalt  }
0x7c: {  	_ =	shalt  }
0x7d: {  	_ =	shalt  }
0x7e: {  	_ =	shalt  }
0x7f: {  	_ =	shalt  }
0x80: {  	_ =	shalt  }
0x81: {  	_ =	shalt  }
0x82: {  	_ =	shalt  }
0x83: {  	_ =	shalt  }
0x84: {  	_ =	shalt  }
0x85: {  	_ =	shalt  }
0x86: {  	_ =	shalt  }
0x87: {  	_ =	shalt  }
.Lfunc_end0:
.L_simem_size_0:
called_computation_lowered:
.L_overlay_start_0:
0x88: {  	s2 =	sld [smem:$0x3FD9]  }
0x89: {  	s3 =	sld [smem:$0x3FFE];
	_ =	sdelay $0x1  }
0x8a: {  	s1 =	srdreg.scid  }
0x8b: {  	s0 =	sand.u32 $0x1, s1  }
0x8c: {  	s17 =	sshll.u32 s0, $0xA;
	s2 =	sadd.s32 s3, s2  }
0x8d: {  	s2 =	sadd.s32 s2, s17  }
0x8e: {  	[smem:$0x3FC3] =	sst s2  }
0x8f: {  	_ = 	snop  }
0x90: {  	s2 =	sld [smem:$0x3FD0];
	(tm) =	ssettm $0x1  }
0x91: {  	s18 =	sld [smem:$0x3FFB];
	_ =	sdelay $0x3  }
0x92: {  	_ =	strace s18  }
0x93: {  	s3 =	sld [smem:$0x3FFC];
	_ =	sdelay $0x3  }
0x94: {  	_ =	strace s3  }
0x95: {  	s3 =	sld [smem:$0x3FFD];
	_ =	sdelay $0x3  }
0x96: {  	_ =	strace s3  }
0x97: {  	_ =	strace $0x8FFFFFFF  }
0x98: {  	s19 =	sld [smem:$0x3FDB];
	_ =	sdelay $0x1  }
0x99: {  	s4 =	simm.s32 $_scs_section_size  }
0x9a: {  	s5 =	simm.s32 $_size__tile_overlayer_lowered;
	s6 =	simm.s32 $_tile_overlayer_lowered  }
0x9b: {  	s22 =	simm.s32 $0x1BFF;
	s21 =	sshll.u32 s6, $0x1;
	s3 =	sadd.s32 s4, s19  }
0x9c: {  	s7 =	simm.s32 $0x0;
	s20 =	sshll.u32 s5, $0x1;
	s5 =	sadd.s32 s21, s3  }
0x9d: {  	[timem:s7], [sflag:s22] =	dma.local [hbm:s5], s20  }
0x9e: {  	_ =	swait.ge [sflag:s22], s20  }
0x9f: {  	s4 =	ssub.s32 $0x0, s20;
	[sflag:s22] =	ssyncset.done $0x0  }
0xa0: {  	[sflag:s22] =	ssyncadd.s32 s4;
	_ =	sdelay $0x1  }
0xa1: {  	s23 =	simm.s32 $0x1B8B  }
0xa2: {  	_ =	swait.ge [sflag:s23], $0x1  }
0xa3: {  	[sflag:s23] =	ssyncset.done $0x0  }
0xa4: {  	s25 =	simm.s32 $0x1B8E;
	s24 =	sld [smem:$0x3FFE];
	[sflag:s23] =	ssyncadd.s32 $0xFFFFFFFF  }
0xa5: {  	s26 =	simm.s32 $execute0_lowered;
	[smem:$0x3FD2] =	sst s25  }
0xa6: {  	s5 =	sshll.u32 s26, $0x1;
	_ =	strace $0x80000046;
	[dreg:$0x1] =	wrdreg $0xFFFFFFFF  }
0xa7: {  	s28 =	simm.s32 $_size_execute0_lowered;
	s3 =	sadd.s32 s3, s5;
	[dreg:$0x0] =	wrdreg $0x0  }
0xa8: {  	s5 =	sshll.u32 s28, $0x1;
	[dreg:$0x2] =	wrdreg s3  }
0xa9: {  	[dreg:$0x3] =	wrdreg s5  }
0xaa: {  	[dreg:$0x4] =	wrdreg $0xC0  }
0xab: {  	_ =	task [dreg:s7], $0x5FFFF  }
0xac: {  	[dreg:$0x1] =	wrdreg $0xFFFFFFFF  }
0xad: {  	[dreg:$0x0] =	wrdreg $0x60  }
0xae: {  	[dreg:$0x2] =	wrdreg s24  }
0xaf: {  	[dreg:$0x3] =	wrdreg s2  }
0xb0: {  	[dreg:$0x4] =	wrdreg $0x9  }
0xb1: {  	_ =	task.clear_ibuf [dreg:s7], $0x5FFFF;
	_ =	strace $0x90000046  }
0xb2: {  	s29 =	simm.s32 $0x9;
	_ =	strace $0x80000048  }
0xb3: {  	_ =	swait.ge [sflag:s29], $0x1  }
0xb4: {  	[sflag:s29] =	ssyncadd.s32 $0xFFFFFFFF  }
0xb5: {  	_ =	strace $0x90000048  }
0xb6: {  	_ =	sfence  }
0xb7: {  	s30 =	sld [smem:$0x0];
	_ =	sdelay $0x2  }
0xb8: {  	s31 =	sshll.u32 s1, $0xD;
	s1 =	sshrl.u32 s1, $0x2  }
0xb9: {  	s3 =	sand.u32 $0x4000, s31;
	s1 =	sadd.s32 s1, s30  }
0xba: {  	s0 =	sor.u32 s3, s0;
	s1 =	sshll.u32 s1, $0x11  }
0xbb: {  	s0 =	sor.u32 s1, s0  }
0xbc: {  	s0 =	sadd.s32 $0x8F2B, s0  }
0xbd: {  	[sflag:s0] =	ssyncadd.remote.s32 $0x1  }
0xbe: {  	_ =	sfence.sel $0xFFFF  }
0xbf: {  	[dreg:$0x0] =	wrdreg $0xFFFFFFFF;
	(pc) =	sbr.abs _section_cstart, $3  }
0xc0: {  	[dreg:$0x1] =	wrdreg $0xFFFFFFFF  }
0xc1: {  	_ =	task.clear_ibuf [dreg:s7], $0x2FFFF;
	_ =	strace $0x9FFFFFFF  }
0xc2: {  	(tm) =	ssettm $0x7FFFFFFF  }
0xc3: {  	_ =	shalt  }
tec
execute0_lowered:
.L_overlay_start_1:
0x0: {  	(tag) =	ssettag $0x1  }
0x1: {  	s5 =	rddreg [dreg:$0x0]  }
0x2: {  	s1 =	rddreg [dreg:$0x1]  }
0x3: {  	s0 =	rddreg [dreg:$0x2]  }
0x4: {  	s2 =	simm.s32 $0x0;
	s3 =	srdreg.scid;
	s9 =	simm.s32 $0x1  }
0x5: {  	s10 =	simm.s32 $0x400;
	s11 =	simm.s32 $0x40000;
	s12 =	simm.s32 $0xAC00  }
0x6: {  	s13 =	simm.s32 $0x0;
	[smem:$0x7FF] =	sst s2;
	s6 =	sand.u32 $0x1, s3  }
0x7: {  	s4 =	sadd.s32 $0xA00, s5;
	s3 =	stileid.u32;
	s7 =	ssub.s32 $0x2, s6  }
0x8: {  	s5 =	sadd.s32 $0x800, s5;
	_ =	strace $0x80000047;
	s8 =	sshrl.u32 s7, $0x1  }
0x9: {  	v0 =	vimm.s32 $0x0;
	vm0 =	vcmask $0x300;
	v2 =	vimm.s32 $0x3;
	s31 =	sshll.u32 s3, $0xB;
	s6 =	sshll.u32 s6, $0xA;
	s7 =	ssub.s32 s7, s8  }
0xa: {  	v3 =	vimm.s32 $0x1;
	v4 =	vimm.s32 $0x3FFFE;
	v1 =	vsel vm0, $0x3, v0;
	s6 =	sor.u32 s6, s31;
	s8 =	simm.s32 $0x12C00;
	s7 =	smax.u32 s7, $0x1  }
.LBB2_1:
0xb: {  	[tilespmem:s8], [sflag:$0x1] =	stream.linear.gather [hbm4b:s5+s2], $0x80, $0x38;
	[tilespmem:$0x12C80] =	vst v63  }
0xc: {  	_ =	swait.ge [sflag:s9], $0x80  }
0xd: {  	[sflag:s9] =	ssyncset.done $0x0  }
0xe: {  	s14 =	simm.s32 $0x0;
	[sflag:s9] =	ssyncadd.s32 $0xFFFFFF80  }
.LBB2_2:
0xf: {  	s15 =	sshll.u32 s14, $0x7  }
0x10: {  	s15 =	sadd.s32 s6, s15  }
0x11: {  	s16 =	simm.s32 $0x0;
	s17 =	sadd.s32 s4, s15  }
0x12: {  	[tilespmem:s16], [sflag:$0x1] =	stream.strided.gather [hbm4b:s17+s10], $0xC00, s11, s10, $0x38;
	[tilespmem:$0x12C80] =	vst v63  }
0x13: {  	_ =	swait.ge [sflag:s9], $0xC00  }
0x14: {  	[sflag:s9] =	ssyncset.done $0x0  }
0x15: {  	s18 =	simm.s32 $0xB800;
	s17 =	simm.s32 $0xB000;
	[sflag:s9] =	ssyncadd.s32 $0xFFFFF400  }
.LBB2_3:
0x16: {  	s19 =	sshll.u32 s16, $0x4  }
0x17: {  	v5 =	vmov s19  }
0x18: {  	v5 =	vshrl.u32 v5, $0x3  }
0x19: {  	v5 =	vshll.u32 v5, v1  }
0x1a: {  	v6 =	vbroadcast v5, $0x0  }
0x1b: {  	v7 =	vadd.s32 $0x2, v5  }
0x1c: {  	v8 =	vbroadcast v7, $0x0;
	v7 =	vadd.s32 $0x3, v5  }
0x1d: {  	s19 =	simm.s32 $0x0;
	v5 =	vor.u32 $0x1, v5;
	v9 =	vbroadcast v7, $0x0  }
0x1e: {  	v11 =	vld [tilespmem:s19+$0x800];
	v5 =	vbroadcast v5, $0x0  }
0x1f: {  	v12 =	vld [tilespmem:s19+$0x0]  }
0x20: {  	v7 =	vld.idx.msk [tilespmem:v6+s8+$0x0], $0xffff  }
0x21: {  	v6 =	vld [tilespmem:s19+$0x400]  }
0x22: {  	v8 =	vld.idx.msk [tilespmem:v8+s8+$0x0], $0xffff  }
0x23: {  	v9 =	vld.idx.msk [tilespmem:v9+s8+$0x0], $0xffff  }
0x24: {  	v10 =	vld.idx.msk [tilespmem:v5+s8+$0x0], $0xffff;
	_ =	sdelay $0x1  }
0x25: {  	v5 =	vmul.f32 v6, v7;
	v6 =	vmul.f32 v11, v7  }
0x26: {  	v11 =	vmul.f32 v12, v7  }
0x27: {  	v5 =	vadd.f32 v5, v8;
	v6 =	vadd.f32 v6, v9  }
0x28: {  	v11 =	vadd.f32 v11, v10  }
0x29: {  	v5 =	vmul.f32 $4.082483050e-01, v5;
	v12 =	vmul.f32 $2.886751290e-01, v6  }
0x2a: {  	v13 =	vmul.f32 $7.071067690e-01, v11  }
0x2b: {  	v14 =	vadd.f32 v12, v5;
	v5 =	vadd.f32 v5, v5;
	v6 =	vmul.f32 $-3.000000000e+00, v12;
	_ =	sdelay $0x1  }
0x2c: {  	v15 =	vadd.f32 v14, v13;
	v11 =	vsub.f32 v12, v5;
	v5 =	vmul.f32 $2.500000000e-01, v6  }
0x2d: {  	v12 =	vsub.f32 v14, v13  }
0x2e: {  	s20 =	sshll.u32 s16, $0x14;
	v13 =	vmul.f32 $2.500000000e-01, v15;
	v14 =	vmul.f32 $2.500000000e-01, v11;
	v16 =	vadd.f32 $-5.000000000e-01, v5  }
0x2f: {  	v5 =	vmov s20;
	v17 =	vmul.f32 $2.500000000e-01, v12  }
0x30: {  	v13 =	vadd.f32 $-5.000000000e-01, v13;
	v14 =	vadd.f32 $-5.000000000e-01, v14;
	v18 =	vtrunc.f32 v16  }
0x31: {  	v17 =	vadd.f32 $-5.000000000e-01, v17;
	v19 =	vcvt.f32.s32 v18;
	vm0 =	vgt.f32 v16, v18  }
0x32: {  	v16 =	vtrunc.f32 v13;
	v18 =	vtrunc.f32 v14;
	v20 =	vsel vm0, $0x1, v0  }
0x33: {  	v21 =	vtrunc.f32 v17;
	v22 =	vcvt.f32.s32 v18;
	v19 =	vadd.s32 v19, v20  }
0x34: {  	v20 =	vcvt.f32.s32 v16;
	vm12 =	vgt.f32 v13, v16;
	vm1 =	vgt.f32 v14, v18  }
0x35: {  	v13 =	vcvt.f32.s32 v21;
	vm2 =	vgt.f32 v17, v21;
	v14 =	vshll.u32 v19, $0x2  }
0x36: {  	v16 =	vsel vm12, $0x1, v0;
	v17 =	vsel vm2, $0x1, v0;
	v18 =	vsel vm1, $0x1, v0  }
0x37: {  	v21 =	vcvt.s32.f32 v14;
	v23 =	vadd.s32 $0x4, v14;
	v24 =	vadd.s32 $0xFFFFFFFC, v14  }
0x38: {  	v16 =	vadd.s32 v20, v16;
	v13 =	vadd.s32 v13, v17;
	v17 =	vadd.s32 v22, v18  }
0x39: {  	v18 =	vadd.s32 v19, v17;
	v19 =	vshll.u32 v16, $0x2;
	v17 =	vshll.u32 v17, $0x2  }
0x3a: {  	v20 =	vshll.u32 v13, $0x2;
	v22 =	vadd.s32 $0x4, v17;
	v25 =	vadd.s32 $0xFFFFFFFC, v17  }
0x3b: {  	v26 =	vcvt.s32.f32 v19;
	v27 =	vcvt.s32.f32 v20;
	v28 =	vadd.s32 $0x4, v19  }
0x3c: {  	v29 =	vcvt.s32.f32 v17;
	v21 =	vsub.f32 v6, v21;
	v30 =	vadd.s32 $0x4, v20  }
0x3d: {  	v31 =	vadd.s32 $0xFFFFFFFC, v19;
	v26 =	vsub.f32 v15, v26;
	v27 =	vsub.f32 v12, v27  }
0x3e: {  	v13 =	vadd.s32 v13, v18;
	v58 =	vadd.s32 $0xFFFFFFFC, v20;
	v18 =	vsub.f32 v11, v29  }
0x3f: {  	v13 =	vadd.s32 v16, v13;
	vm13 =	vlt.f32 v26, v21;
	vm14 =	vlt.f32 v27, v21  }
0x40: {  	vm15 =	vlt.f32 v26, v18;
	vm3 =	vlt.f32 v27, v18;
	vm4 =	vlt.f32 v18, v21  }
0x41: {  	vm5 =	vlt.f32 v26, v27;
	vm6 =	vmneg vm13;
	vm7 =	vmneg vm14  }
0x42: {  	vm8 =	vmneg vm15;
	vm9 =	vmneg vm3;
	vm10 =	vmneg vm4  }
0x43: {  	v16 =	vsel vm13, $0x1, v0;
	v18 =	vsel vm14, $0x1, v0;
	v21 =	vsel vm4, $0x1, v0  }
0x44: {  	v26 =	vsel vm5, $0x1, v0;
	v59 =	vsel vm15, $0x1, v0;
	v32 =	vsel vm3, $0x1, v0  }
0x45: {  	vm5 =	vmneg vm5;
	v33 =	vsel vm6, $0x1, v0;
	v34 =	vsel vm7, $0x1, v0  }
0x46: {  	v35 =	vsel vm8, $0x1, v0;
	v36 =	vsel vm9, $0x1, v0;
	v37 =	vsel vm10, $0x1, v0  }
0x47: {  	v26 =	vadd.s32 v26, v13;
	v38 =	vsel vm5, $0x1, v0;
	v21 =	vadd.s32 v21, v13  }
0x48: {  	v26 =	vadd.s32 v59, v26;
	v21 =	vadd.s32 v35, v21;
	v60 =	vadd.s32 v37, v13  }
0x49: {  	v13 =	vadd.s32 v38, v13;
	v21 =	vadd.s32 v36, v21;
	v27 =	vadd.s32 v33, v60  }
0x4a: {  	v16 =	vadd.s32 v16, v26;
	v13 =	vadd.s32 v32, v13;
	v61 =	vadd.s32 $0x4, v21  }
0x4b: {  	v62 =	vadd.s32 $0x4, v16;
	v63 =	vadd.s32 $0xFFFFFFFC, v16;
	v36 =	vadd.s32 $0xFFFFFFFC, v21  }
0x4c: {  	v27 =	vadd.s32 v34, v27;
	vm10 =	vlt.s32 v21, $0x0;
	vm11 =	vgt.s32 v21, $0x3  }
0x4d: {  	v13 =	vadd.s32 v18, v13;
	vm12 =	vlt.s32 v16, $0x0;
	vm13 =	vgt.s32 v16, $0x3  }
0x4e: {  	v18 =	vsel vm11, v36, v21;
	v21 =	vadd.s32 $0x4, v27;
	v34 =	vadd.s32 $0xFFFFFFFC, v27  }
0x4f: {  	v16 =	vsel vm13, v63, v16;
	v37 =	vadd.s32 $0x4, v13;
	v38 =	vadd.s32 $0xFFFFFFFC, v13  }
0x50: {  	v17 =	vsel vm11, v25, v17;
	vm14 =	vlt.s32 v27, $0x0;
	vm15 =	vgt.s32 v27, $0x3  }
0x51: {  	v19 =	vsel vm13, v31, v19;
	vm8 =	vlt.s32 v13, $0x0;
	vm9 =	vgt.s32 v13, $0x3  }
0x52: {  	v16 =	vsel vm12, v62, v16;
	v18 =	vsel vm10, v61, v18;
	v39 =	vsel vm15, v34, v27  }
0x53: {  	v20 =	vsel vm9, v58, v20;
	v13 =	vsel vm9, v38, v13;
	v14 =	vsel vm15, v24, v14  }
0x54: {  	v19 =	vsel vm12, v28, v19;
	v17 =	vsel vm10, v22, v17;
	v20 =	vsel vm8, v30, v20  }
0x55: {  	v22 =	vcvt.s32.f32 v19;
	vm10 =	veq.s32 v18, $0x0;
	v14 =	vsel vm14, v23, v14  }
0x56: {  	v21 =	vsel vm14, v21, v39;
	vm11 =	veq.s32 v16, $0x0;
	v13 =	vsel vm8, v37, v13  }
0x57: {  	vm12 =	veq.s32 v18, $0x3;
	vm13 =	veq.s32 v16, $0x3;
	v40 =	vcvt.s32.f32 v20  }
0x58: {  	v14 =	vcvt.s32.f32 v14;
	vm14 =	veq.s32 v13, $0x3;
	vm15 =	veq.s32 v13, $0x0  }
0x59: {  	vm5 =	veq.s32 v21, $0x3;
	vm6 =	veq.s32 v21, $0x0;
	vm7 =	vgt.s32 v13, $0x2  }
0x5a: {  	vm8 =	vlt.s32 v13, $0x2;
	vm9 =	vgt.s32 v13, $0x0;
	v15 =	vsub.f32 v15, v22  }
0x5b: {  	v22 =	vcvt.s32.f32 v17;
	v46 =	vsel vm7, $0x3FFFD, v3;
	v47 =	vsel vm8, $0x2, v4  }
0x5c: {  	v48 =	vsel vm9, $0x3FFFF, v2;
	vm8 =	veq.s32 v16, $0x2;
	vm9 =	vgt.s32 v18, $0x2  }
0x5d: {  	v12 =	vsub.f32 v12, v40;
	v6 =	vsub.f32 v6, v14;
	v25 =	vadd.s32 v20, v46  }
0x5e: {  	v26 =	vadd.s32 v20, v47;
	v27 =	vadd.s32 v20, v48;
	v52 =	vsel vm9, $0x3FFFD, v3  }
0x5f: {  	v20 =	vmul.u32 $0x25795, v20;
	v15 =	vmul.f32 $2.500000000e-01, v15;
	v11 =	vsub.f32 v11, v22  }
0x60: {  	v55 =	vmul.u32 $0x25795, v26;
	v27 =	vmul.u32 $0x25795, v27;
	v12 =	vmul.f32 $2.500000000e-01, v12  }
0x61: {  	v57 =	vadd.s32 v17, v52;
	v23 =	vmul.f32 $2.500000000e-01, v6;
	v11 =	vmul.f32 $2.500000000e-01, v11  }
0x62: {  	v14 =	vnsel vm13, $0x0, v15;
	vm13 =	veq.s32 v13, $0x1;
	v22 =	vnsel vm14, $0x0, v12  }
0x63: {  	v43 =	vnsel vm5, $0x0, v23;
	v44 =	vnsel vm6, $0x0, v23;
	vm14 =	veq.s32 v13, $0x2  }
0x64: {  	v6 =	vadd.f32 v22, v14;
	v14 =	vnsel vm11, $0x0, v15;
	v22 =	vnsel vm15, $0x0, v12  }
0x65: {  	v41 =	vnsel vm12, $0x0, v11;
	v42 =	vnsel vm10, $0x0, v11;
	vm10 =	vgt.s32 v16, $0x2  }
0x66: {  	vm11 =	vlt.s32 v16, $0x2;
	vm12 =	vgt.s32 v16, $0x0;
	vm15 =	veq.s32 v16, $0x1  }
0x67: {  	v16 =	vnsel vm13, $0x0, v12;
	v12 =	vnsel vm14, $0x0, v12;
	vm13 =	veq.s32 v18, $0x2  }
0x68: {  	vm14 =	veq.s32 v21, $0x1;
	v14 =	vadd.f32 v22, v14;
	v13 =	vsel vm10, $0x3FFFD, v3  }
0x69: {  	v49 =	vsel vm11, $0x2, v4;
	v50 =	vsel vm12, $0x3FFFF, v2;
	vm10 =	vlt.s32 v18, $0x2  }
0x6a: {  	vm11 =	vgt.s32 v18, $0x0;
	v51 =	vnsel vm15, $0x0, v15;
	v15 =	vnsel vm8, $0x0, v15  }
0x6b: {  	vm12 =	veq.s32 v18, $0x1;
	v18 =	vmul.u32 $0x379B1, v19;
	vm15 =	veq.s32 v21, $0x2  }
0x6c: {  	v22 =	vadd.f32 v6, v41;
	v6 =	vor.u32 $0x80, v5;
	v13 =	vadd.s32 v19, v13  }
0x6d: {  	v28 =	vadd.s32 v19, v49;
	v29 =	vadd.s32 v19, v50;
	v16 =	vadd.f32 v16, v51  }
0x6e: {  	v53 =	vsel vm10, $0x2, v4;
	v54 =	vsel vm11, $0x3FFFF, v2;
	v12 =	vadd.f32 v12, v15  }
0x6f: {  	v15 =	vmul.u32 $0x25795, v25;
	v59 =	vnsel vm12, $0x0, v11;
	v11 =	vnsel vm13, $0x0, v11  }
0x70: {  	v19 =	vmul.u32 $0x2C2F5, v57;
	v14 =	vadd.f32 v14, v42;
	v22 =	vadd.f32 v22, v43  }
0x71: {  	v21 =	vnsel vm15, $0x0, v23;
	v13 =	vmul.u32 $0x379B1, v13;
	v56 =	vmul.u32 $0x379B1, v28  }
0x72: {  	v30 =	vadd.s32 v17, v53;
	v14 =	vadd.f32 v14, v44;
	v45 =	vadd.f32 $1.000000000e+00, v22  }
0x73: {  	v29 =	vmul.u32 $0x379B1, v29;
	v58 =	vadd.s32 v17, v54;
	v17 =	vmul.u32 $0x2C2F5, v17  }
0x74: {  	v60 =	vmul.u32 $0x2C2F5, v30;
	v16 =	vadd.f32 v16, v59;
	v24 =	vsub.f32 v45, v14  }
0x75: {  	v61 =	vmul.u32 $0x2C2F5, v58;
	v11 =	vadd.f32 v12, v11;
	v12 =	vxor.u32 v15, v13  }
0x76: {  	s20 =	simm.s32 $0x10;
	v13 =	vxor.u32 v55, v56;
	v15 =	vxor.u32 v20, v18;
	v18 =	vxor.u32 v27, v29;
	[tilespmem:s19+$0x2C00] =	vst v24  }
0x77: {  	v20 =	vnsel vm14, $0x0, v23;
	v12 =	vxor.u32 v19, v12;
	v13 =	vxor.u32 v60, v13;
	v19 =	vld [tilespmem:s20+$0x400]  }
0x78: {  	v18 =	vxor.u32 v61, v18;
	v16 =	vadd.f32 v16, v20;
	v11 =	vadd.f32 v11, v21;
	v23 =	vld [tilespmem:s20+$0x800]  }
0x79: {  	v15 =	vxor.u32 v17, v15;
	v20 =	vshll.u32 v12, $0x1;
	v21 =	vshll.u32 v13, $0x1;
	v17 =	vld [tilespmem:s20+$0x0]  }
0x7a: {  	v62 =	vshll.u32 v18, $0x1;
	v63 =	vshll.u32 v15, $0x1;
	v12 =	vand.u32 $0x7F, v12  }
0x7b: {  	v13 =	vand.u32 $0x7F, v13;
	v15 =	vand.u32 $0x7F, v15;
	v20 =	vand.u32 $0x7FF00, v20  }
0x7c: {  	v21 =	vand.u32 $0x7FF00, v21;
	v25 =	vand.u32 $0x7FF00, v63;
	v22 =	vsub.f32 v11, v22  }
0x7d: {  	v11 =	vsub.f32 v16, v11;
	v19 =	vmul.f32 v19, v7;
	v23 =	vmul.f32 v23, v7  }
0x7e: {  	v14 =	vsub.f32 v14, v16;
	v16 =	vand.u32 $0x7F, v18;
	v17 =	vmul.f32 v17, v7  }
0x7f: {  	v12 =	vor.u32 v20, v12;
	v18 =	vadd.f32 v19, v8;
	v19 =	vadd.f32 v23, v9  }
0x80: {  	v13 =	vor.u32 v21, v13;
	v21 =	vor.u32 v25, v15;
	[tilespmem:s19+$0x3000] =	vst v22;
	v17 =	vadd.f32 v17, v10  }
0x81: {  	v24 =	vand.u32 $0x7FF00, v62;
	[tilespmem:s19+$0x3400] =	vst v11;
	v11 =	vmul.f32 $4.082483050e-01, v18;
	v18 =	vmul.f32 $2.886751290e-01, v19  }
0x82: {  	v15 =	vor.u32 v5, v12;
	v12 =	vor.u32 v6, v12;
	[tilespmem:s19+$0x3800] =	vst v14;
	v14 =	vmul.f32 $7.071067690e-01, v17  }
0x83: {  	[tilespmem:s19+$0x1000] =	vst v15;
	v17 =	vadd.f32 v18, v11;
	v19 =	vadd.f32 v11, v11;
	v11 =	vmul.f32 $-3.000000000e+00, v18  }
0x84: {  	v20 =	vor.u32 v6, v13;
	v16 =	vor.u32 v24, v16;
	[tilespmem:s19+$0x2000] =	vst v12;
	v15 =	vor.u32 v5, v13  }
0x85: {  	[tilespmem:s19+$0x2400] =	vst v20;
	v13 =	vadd.f32 v17, v14;
	v12 =	vsub.f32 v18, v19;
	v23 =	vmul.f32 $2.500000000e-01, v11  }
0x86: {  	v22 =	vor.u32 v5, v16;
	[tilespmem:s19+$0x1400] =	vst v15;
	v24 =	vor.u32 v6, v16;
	v14 =	vsub.f32 v17, v14  }
0x87: {  	[tilespmem:s19+$0x1800] =	vst v22;
	v18 =	vmul.f32 $2.500000000e-01, v13;
	v19 =	vmul.f32 $2.500000000e-01, v12;
	v17 =	vadd.f32 $-5.000000000e-01, v23  }
0x88: {  	s21 =	simm.s32 $0x80;
	v15 =	vor.u32 v5, v21;
	v16 =	vor.u32 v6, v21;
	[tilespmem:s19+$0x2800] =	vst v24;
	v20 =	vmul.f32 $2.500000000e-01, v14  }
.LBB2_4:
0x89: {  	p0 =	sne.s32 s21, $0xFC0;
	v18 =	vadd.f32 $-5.000000000e-01, v18;
	v19 =	vadd.f32 $-5.000000000e-01, v19;
	v21 =	vtrunc.f32 v17;
	[tilespmem:s19+$0xC00] =	vst v15  }
0x8a: {  	v15 =	vadd.f32 $-5.000000000e-01, v20;
	v20 =	vcvt.f32.s32 v21;
	vm0 =	vgt.f32 v17, v21;
	[tilespmem:s19+$0x1C00] =	vst v16;
	s19 =	smov.u32 s20  }
0x8b: {  	v16 =	vtrunc.f32 v18;
	v17 =	vtrunc.f32 v19;
	v21 =	vsel vm0, $0x1, v0  }
0x8c: {  	v22 =	vtrunc.f32 v15;
	v23 =	vcvt.f32.s32 v17;
	v20 =	vadd.s32 v20, v21  }
0x8d: {  	v21 =	vcvt.f32.s32 v16;
	vm0 =	vgt.f32 v18, v16;
	vm1 =	vgt.f32 v19, v17  }
0x8e: {  	v16 =	vcvt.f32.s32 v22;
	vm2 =	vgt.f32 v15, v22;
	v15 =	vshll.u32 v20, $0x2  }
0x8f: {  	v17 =	vsel vm0, $0x1, v0;
	v19 =	vsel vm1, $0x1, v0;
	v18 =	vsel vm2, $0x1, v0  }
0x90: {  	v22 =	vcvt.s32.f32 v15;
	v24 =	vadd.s32 $0x4, v15;
	v25 =	vadd.s32 $0xFFFFFFFC, v15  }
0x91: {  	v17 =	vadd.s32 v21, v17;
	v16 =	vadd.s32 v16, v18;
	v18 =	vadd.s32 v23, v19  }
0x92: {  	v19 =	vadd.s32 v20, v18;
	v20 =	vshll.u32 v17, $0x2;
	v18 =	vshll.u32 v18, $0x2  }
0x93: {  	v21 =	vshll.u32 v16, $0x2;
	v23 =	vadd.s32 $0x4, v18;
	v26 =	vadd.s32 $0xFFFFFFFC, v18  }
0x94: {  	v27 =	vcvt.s32.f32 v20;
	v28 =	vcvt.s32.f32 v21;
	v29 =	vadd.s32 $0x4, v20  }
0x95: {  	v22 =	vsub.f32 v11, v22;
	v30 =	vcvt.s32.f32 v18;
	v31 =	vadd.s32 $0x4, v21  }
0x96: {  	v32 =	vadd.s32 $0xFFFFFFFC, v20;
	v27 =	vsub.f32 v13, v27;
	v28 =	vsub.f32 v14, v28  }
0x97: {  	v16 =	vadd.s32 v16, v19;
	v19 =	vsub.f32 v12, v30;
	v30 =	vadd.s32 $0xFFFFFFFC, v21  }
0x98: {  	v16 =	vadd.s32 v17, v16;
	vm0 =	vlt.f32 v27, v22;
	vm1 =	vlt.f32 v28, v22  }
0x99: {  	vm2 =	vlt.f32 v27, v19;
	vm3 =	vlt.f32 v28, v19;
	vm4 =	vlt.f32 v19, v22  }
0x9a: {  	vm5 =	vlt.f32 v27, v28;
	vm6 =	vmneg vm0;
	vm7 =	vmneg vm1  }
0x9b: {  	vm8 =	vmneg vm2;
	vm9 =	vmneg vm3;
	vm10 =	vmneg vm4  }
0x9c: {  	v17 =	vsel vm0, $0x1, v0;
	v19 =	vsel vm1, $0x1, v0;
	v22 =	vsel vm4, $0x1, v0  }
0x9d: {  	v27 =	vsel vm5, $0x1, v0;
	v28 =	vsel vm2, $0x1, v0;
	v33 =	vsel vm3, $0x1, v0  }
0x9e: {  	vm0 =	vmneg vm5;
	v34 =	vsel vm6, $0x1, v0;
	v35 =	vsel vm7, $0x1, v0  }
0x9f: {  	v36 =	vsel vm8, $0x1, v0;
	v37 =	vsel vm9, $0x1, v0;
	v38 =	vsel vm10, $0x1, v0  }
0xa0: {  	v27 =	vadd.s32 v27, v16;
	v39 =	vsel vm0, $0x1, v0;
	v22 =	vadd.s32 v22, v16  }
0xa1: {  	v27 =	vadd.s32 v28, v27;
	v22 =	vadd.s32 v36, v22;
	v28 =	vadd.s32 v38, v16  }
0xa2: {  	v16 =	vadd.s32 v39, v16;
	v22 =	vadd.s32 v37, v22;
	v28 =	vadd.s32 v34, v28  }
0xa3: {  	v17 =	vadd.s32 v17, v27;
	v16 =	vadd.s32 v33, v16;
	v27 =	vadd.s32 $0x4, v22  }
0xa4: {  	v33 =	vadd.s32 $0x4, v17;
	v34 =	vadd.s32 $0xFFFFFFFC, v17;
	v36 =	vadd.s32 $0xFFFFFFFC, v22  }
0xa5: {  	v28 =	vadd.s32 v35, v28;
	vm0 =	vlt.s32 v22, $0x0;
	vm1 =	vgt.s32 v22, $0x3  }
0xa6: {  	v16 =	vadd.s32 v19, v16;
	vm2 =	vlt.s32 v17, $0x0;
	vm3 =	vgt.s32 v17, $0x3  }
0xa7: {  	v19 =	vsel vm1, v36, v22;
	v22 =	vadd.s32 $0x4, v28;
	v35 =	vadd.s32 $0xFFFFFFFC, v28  }
0xa8: {  	v17 =	vsel vm3, v34, v17;
	v34 =	vadd.s32 $0x4, v16;
	v36 =	vadd.s32 $0xFFFFFFFC, v16  }
0xa9: {  	v18 =	vsel vm1, v26, v18;
	vm1 =	vlt.s32 v28, $0x0;
	vm4 =	vgt.s32 v28, $0x3  }
0xaa: {  	v20 =	vsel vm3, v32, v20;
	vm3 =	vlt.s32 v16, $0x0;
	vm5 =	vgt.s32 v16, $0x3  }
0xab: {  	v17 =	vsel vm2, v33, v17;
	v19 =	vsel vm0, v27, v19;
	v26 =	vsel vm4, v35, v28  }
0xac: {  	v21 =	vsel vm5, v30, v21;
	v16 =	vsel vm5, v36, v16;
	v15 =	vsel vm4, v25, v15  }
0xad: {  	v20 =	vsel vm2, v29, v20;
	v18 =	vsel vm0, v23, v18;
	v21 =	vsel vm3, v31, v21  }
0xae: {  	v23 =	vcvt.s32.f32 v20;
	vm0 =	veq.s32 v19, $0x0;
	v25 =	vcvt.s32.f32 v21  }
0xaf: {  	v24 =	vsel vm1, v24, v15;
	v15 =	vsel vm1, v22, v26;
	vm1 =	veq.s32 v17, $0x0  }
0xb0: {  	v22 =	vcvt.s32.f32 v18;
	v13 =	vsub.f32 v13, v23;
	v14 =	vsub.f32 v14, v25  }
0xb1: {  	v16 =	vsel vm3, v34, v16;
	vm2 =	veq.s32 v19, $0x3;
	v23 =	vcvt.s32.f32 v24  }
0xb2: {  	v12 =	vsub.f32 v12, v22;
	v13 =	vmul.f32 $2.500000000e-01, v13;
	v14 =	vmul.f32 $2.500000000e-01, v14  }
0xb3: {  	vm3 =	veq.s32 v17, $0x3;
	vm4 =	veq.s32 v16, $0x3;
	v11 =	vsub.f32 v11, v23  }
0xb4: {  	v12 =	vmul.f32 $2.500000000e-01, v12;
	v22 =	vnsel vm3, $0x0, v13;
	v23 =	vnsel vm4, $0x0, v14  }
0xb5: {  	v11 =	vmul.f32 $2.500000000e-01, v11;
	vm3 =	veq.s32 v16, $0x0;
	v22 =	vadd.f32 v23, v22  }
0xb6: {  	v25 =	vnsel vm2, $0x0, v12;
	v24 =	vnsel vm3, $0x0, v14;
	v23 =	vnsel vm1, $0x0, v13  }
0xb7: {  	vm1 =	veq.s32 v15, $0x3;
	v23 =	vadd.f32 v24, v23;
	v22 =	vadd.f32 v22, v25  }
0xb8: {  	v24 =	vnsel vm0, $0x0, v12;
	vm0 =	vgt.s32 v16, $0x2;
	v25 =	vnsel vm1, $0x0, v11  }
0xb9: {  	vm1 =	veq.s32 v15, $0x0;
	v23 =	vadd.f32 v23, v24;
	v22 =	vadd.f32 v22, v25  }
0xba: {  	vm2 =	vgt.s32 v16, $0x0;
	v24 =	vnsel vm1, $0x0, v11;
	vm1 =	vlt.s32 v16, $0x2  }
0xbb: {  	vm3 =	vgt.s32 v17, $0x2;
	v23 =	vadd.f32 v23, v24;
	v24 =	vadd.f32 $1.000000000e+00, v22  }
0xbc: {  	vm4 =	vgt.s32 v17, $0x0;
	v25 =	vsel vm0, $0x3FFFD, v3;
	vm0 =	vlt.s32 v17, $0x2  }
0xbd: {  	v27 =	vsel vm2, $0x3FFFF, v2;
	v26 =	vsel vm1, $0x2, v4;
	v24 =	vsub.f32 v24, v23  }
0xbe: {  	vm2 =	veq.s32 v16, $0x2;
	vm1 =	veq.s32 v16, $0x1;
	v16 =	vsel vm3, $0x3FFFD, v3  }
0xbf: {  	v28 =	vsel vm4, $0x3FFFF, v2;
	vm3 =	veq.s32 v17, $0x1;
	[tilespmem:s19+$0x2C00] =	vst v24;
	v24 =	vsel vm0, $0x2, v4  }
0xc0: {  	vm5 =	vlt.s32 v19, $0x2;
	vm4 =	vgt.s32 v19, $0x2;
	vm0 =	veq.s32 v17, $0x2  }
0xc1: {  	v17 =	vnsel vm1, $0x0, v14;
	v14 =	vnsel vm2, $0x0, v14;
	vm1 =	vgt.s32 v19, $0x0  }
0xc2: {  	v29 =	vnsel vm3, $0x0, v13;
	v25 =	vadd.s32 v21, v25;
	v13 =	vnsel vm0, $0x0, v13  }
0xc3: {  	v27 =	vadd.s32 v21, v27;
	v16 =	vadd.s32 v20, v16;
	v26 =	vadd.s32 v21, v26  }
0xc4: {  	v30 =	vsel vm4, $0x3FFFD, v3;
	v28 =	vadd.s32 v20, v28;
	v24 =	vadd.s32 v20, v24  }
0xc5: {  	v17 =	vadd.f32 v17, v29;
	v29 =	vsel vm5, $0x2, v4;
	v31 =	vsel vm1, $0x3FFFF, v2  }
0xc6: {  	v13 =	vadd.f32 v14, v13;
	v14 =	vmul.u32 $0x25795, v25;
	v25 =	vmul.u32 $0x25795, v26  }
0xc7: {  	v16 =	vmul.u32 $0x379B1, v16;
	v24 =	vmul.u32 $0x379B1, v24;
	v26 =	vmul.u32 $0x25795, v27  }
0xc8: {  	v28 =	vmul.u32 $0x379B1, v28;
	v27 =	vadd.s32 v18, v30;
	v29 =	vadd.s32 v18, v29  }
0xc9: {  	v21 =	vmul.u32 $0x25795, v21;
	vm0 =	veq.s32 v19, $0x1;
	v30 =	vadd.s32 v18, v31  }
0xca: {  	v31 =	vnsel vm0, $0x0, v12;
	vm0 =	veq.s32 v19, $0x2;
	v19 =	vmul.u32 $0x379B1, v20  }
0xcb: {  	v12 =	vnsel vm0, $0x0, v12;
	v20 =	vmul.u32 $0x2C2F5, v27;
	v27 =	vmul.u32 $0x2C2F5, v29  }
0xcc: {  	v18 =	vmul.u32 $0x2C2F5, v18;
	v17 =	vadd.f32 v17, v31;
	v29 =	vmul.u32 $0x2C2F5, v30  }
0xcd: {  	v12 =	vadd.f32 v13, v12;
	v13 =	vxor.u32 v14, v16;
	v14 =	vxor.u32 v25, v24  }
0xce: {  	vm0 =	veq.s32 v15, $0x1;
	v16 =	vxor.u32 v21, v19;
	v19 =	vxor.u32 v26, v28  }
0xcf: {  	s20 =	sshra.s32 s21, $0x2;
	v21 =	vnsel vm0, $0x0, v11;
	vm0 =	veq.s32 v15, $0x2;
	v13 =	vxor.u32 v20, v13  }
0xd0: {  	v11 =	vnsel vm0, $0x0, v11;
	v14 =	vxor.u32 v27, v14;
	v19 =	vxor.u32 v29, v19;
	v15 =	vld [tilespmem:s20+$0x400]  }
0xd1: {  	v17 =	vadd.f32 v17, v21;
	v11 =	vadd.f32 v12, v11;
	v12 =	vxor.u32 v18, v16;
	v20 =	vld [tilespmem:s20+$0x800]  }
0xd2: {  	v18 =	vshll.u32 v13, $0x1;
	v21 =	vshll.u32 v14, $0x1;
	v24 =	vshll.u32 v19, $0x1;
	v16 =	vld [tilespmem:s20+$0x0]  }
0xd3: {  	v25 =	vshll.u32 v12, $0x1;
	v18 =	vand.u32 $0x7FF00, v18;
	v21 =	vand.u32 $0x7FF00, v21  }
0xd4: {  	v13 =	vand.u32 $0x7F, v13;
	v14 =	vand.u32 $0x7F, v14;
	v24 =	vand.u32 $0x7FF00, v24  }
0xd5: {  	v19 =	vand.u32 $0x7F, v19;
	v12 =	vand.u32 $0x7F, v12;
	v25 =	vand.u32 $0x7FF00, v25  }
0xd6: {  	v22 =	vsub.f32 v11, v22;
	v15 =	vmul.f32 v15, v7;
	v20 =	vmul.f32 v20, v7  }
0xd7: {  	v11 =	vsub.f32 v17, v11;
	v17 =	vsub.f32 v23, v17;
	v16 =	vmul.f32 v16, v7  }
0xd8: {  	v13 =	vor.u32 v18, v13;
	v15 =	vadd.f32 v15, v8;
	v20 =	vadd.f32 v20, v9;
	[tilespmem:s19+$0x3000] =	vst v22  }
0xd9: {  	v14 =	vor.u32 v21, v14;
	v18 =	vor.u32 v24, v19;
	v16 =	vadd.f32 v16, v10;
	[tilespmem:s19+$0x3400] =	vst v11  }
0xda: {  	v21 =	vor.u32 v25, v12;
	v11 =	vmul.f32 $4.082483050e-01, v15;
	v15 =	vmul.f32 $2.886751290e-01, v20;
	[tilespmem:s19+$0x3800] =	vst v17  }
0xdb: {  	v12 =	vor.u32 v5, v13;
	v13 =	vor.u32 v6, v13;
	v16 =	vmul.f32 $7.071067690e-01, v16  }
0xdc: {  	v19 =	vadd.f32 v11, v11;
	v17 =	vadd.f32 v15, v11;
	v11 =	vmul.f32 $-3.000000000e+00, v15;
	[tilespmem:s19+$0x1000] =	vst v12  }
.Ltmp0:
0xdd: {  	v23 =	vor.u32 v5, v18;
	v22 =	vor.u32 v6, v14;
	v20 =	vor.u32 v5, v14;
	[tilespmem:s19+$0x2000] =	vst v13;
	(pc) =	sbr.rel @p0 .LBB2_4-.Ltmp0, $4  }
0xde: {  	v12 =	vsub.f32 v15, v19;
	v13 =	vadd.f32 v17, v16;
	v24 =	vmul.f32 $2.500000000e-01, v11;
	[tilespmem:s19+$0x1400] =	vst v20  }
0xdf: {  	v15 =	vor.u32 v5, v21;
	v14 =	vsub.f32 v17, v16;
	[tilespmem:s19+$0x2400] =	vst v22;
	v22 =	vor.u32 v6, v18  }
0xe0: {  	v19 =	vmul.f32 $2.500000000e-01, v12;
	v18 =	vmul.f32 $2.500000000e-01, v13;
	v17 =	vadd.f32 $-5.000000000e-01, v24;
	[tilespmem:s19+$0x1800] =	vst v23  }
0xe1: {  	s21 =	sadd.s32 $0x40, s21;
	v16 =	vor.u32 v6, v21;
	v20 =	vmul.f32 $2.500000000e-01, v14;
	[tilespmem:s19+$0x2800] =	vst v22  }
0xe2: {  	v7 =	vadd.f32 $-5.000000000e-01, v18  }
0xe3: {  	v8 =	vadd.f32 $-5.000000000e-01, v19;
	v9 =	vtrunc.f32 v17;
	v10 =	vadd.f32 $-5.000000000e-01, v20  }
0xe4: {  	v18 =	vcvt.f32.s32 v9;
	vm0 =	vgt.f32 v17, v9;
	v9 =	vtrunc.f32 v7  }
0xe5: {  	v17 =	vtrunc.f32 v8;
	v19 =	vsel vm0, $0x1, v0;
	v20 =	vtrunc.f32 v10  }
0xe6: {  	v21 =	vcvt.f32.s32 v17;
	v18 =	vadd.s32 v18, v19;
	v19 =	vcvt.f32.s32 v9  }
0xe7: {  	vm12 =	vgt.f32 v7, v9;
	vm1 =	vgt.f32 v8, v17;
	v7 =	vcvt.f32.s32 v20  }
0xe8: {  	vm2 =	vgt.f32 v10, v20;
	v8 =	vshll.u32 v18, $0x2;
	v9 =	vsel vm12, $0x1, v0  }
0xe9: {  	v17 =	vsel vm1, $0x1, v0;
	v10 =	vsel vm2, $0x1, v0;
	v20 =	vcvt.s32.f32 v8  }
0xea: {  	v22 =	vadd.s32 $0x4, v8;
	v7 =	vadd.s32 v7, v10;
	v10 =	vadd.s32 v21, v17  }
0xeb: {  	v23 =	vadd.s32 $0xFFFFFFFC, v8;
	v9 =	vadd.s32 v19, v9;
	v17 =	vadd.s32 v18, v10  }
0xec: {  	v18 =	vshll.u32 v9, $0x2;
	v10 =	vshll.u32 v10, $0x2;
	v19 =	vshll.u32 v7, $0x2  }
0xed: {  	v20 =	vsub.f32 v11, v20;
	v21 =	vadd.s32 $0x4, v10;
	v25 =	vcvt.s32.f32 v18  }
0xee: {  	v24 =	vadd.s32 $0xFFFFFFFC, v10;
	v26 =	vcvt.s32.f32 v19;
	v28 =	vcvt.s32.f32 v10  }
0xef: {  	v27 =	vadd.s32 $0x4, v18;
	v29 =	vadd.s32 $0x4, v19;
	v25 =	vsub.f32 v13, v25  }
0xf0: {  	v7 =	vadd.s32 v7, v17;
	v26 =	vsub.f32 v14, v26;
	v17 =	vsub.f32 v12, v28  }
0xf1: {  	v30 =	vadd.s32 $0xFFFFFFFC, v18;
	v52 =	vadd.s32 $0xFFFFFFFC, v19;
	v7 =	vadd.s32 v9, v7  }
0xf2: {  	vm13 =	vlt.f32 v25, v20;
	vm14 =	vlt.f32 v26, v20;
	vm15 =	vlt.f32 v25, v17  }
0xf3: {  	vm3 =	vlt.f32 v26, v17;
	vm4 =	vlt.f32 v17, v20;
	vm5 =	vlt.f32 v25, v26  }
0xf4: {  	vm6 =	vmneg vm13;
	vm7 =	vmneg vm14;
	vm8 =	vmneg vm15  }
0xf5: {  	vm9 =	vmneg vm3;
	vm10 =	vmneg vm4;
	v9 =	vsel vm13, $0x1, v0  }
0xf6: {  	v17 =	vsel vm14, $0x1, v0;
	v20 =	vsel vm4, $0x1, v0;
	v25 =	vsel vm5, $0x1, v0  }
0xf7: {  	v53 =	vsel vm15, $0x1, v0;
	v31 =	vsel vm3, $0x1, v0;
	vm5 =	vmneg vm5  }
0xf8: {  	v32 =	vsel vm6, $0x1, v0;
	v33 =	vsel vm7, $0x1, v0;
	v34 =	vsel vm8, $0x1, v0  }
0xf9: {  	v35 =	vsel vm9, $0x1, v0;
	v36 =	vsel vm10, $0x1, v0;
	v25 =	vadd.s32 v25, v7  }
0xfa: {  	v37 =	vsel vm5, $0x1, v0;
	v20 =	vadd.s32 v20, v7;
	v25 =	vadd.s32 v53, v25  }
0xfb: {  	v20 =	vadd.s32 v34, v20;
	v54 =	vadd.s32 v36, v7;
	v7 =	vadd.s32 v37, v7  }
0xfc: {  	v20 =	vadd.s32 v35, v20;
	v26 =	vadd.s32 v32, v54;
	v9 =	vadd.s32 v9, v25  }
0xfd: {  	v7 =	vadd.s32 v31, v7;
	v55 =	vadd.s32 $0x4, v20;
	v56 =	vadd.s32 $0x4, v9  }
0xfe: {  	v57 =	vadd.s32 $0xFFFFFFFC, v9;
	v58 =	vadd.s32 $0xFFFFFFFC, v20;
	v26 =	vadd.s32 v33, v26  }
0xff: {  	vm11 =	vlt.s32 v20, $0x0;
	vm12 =	vgt.s32 v20, $0x3;
	v7 =	vadd.s32 v17, v7  }
0x100: {  	vm13 =	vlt.s32 v9, $0x0;
	vm14 =	vgt.s32 v9, $0x3;
	v17 =	vsel vm12, v58, v20  }
0x101: {  	v20 =	vadd.s32 $0x4, v26;
	v33 =	vadd.s32 $0xFFFFFFFC, v26;
	v9 =	vsel vm14, v57, v9  }
0x102: {  	v59 =	vadd.s32 $0x4, v7;
	v60 =	vadd.s32 $0xFFFFFFFC, v7;
	v10 =	vsel vm12, v24, v10  }
0x103: {  	vm15 =	vlt.s32 v26, $0x0;
	vm8 =	vgt.s32 v26, $0x3;
	v18 =	vsel vm14, v30, v18  }
0x104: {  	vm9 =	vlt.s32 v7, $0x0;
	vm10 =	vgt.s32 v7, $0x3;
	v9 =	vsel vm13, v56, v9  }
0x105: {  	v17 =	vsel vm11, v55, v17;
	v61 =	vsel vm8, v33, v26;
	v19 =	vsel vm10, v52, v19  }
0x106: {  	v7 =	vsel vm10, v60, v7;
	v8 =	vsel vm8, v23, v8;
	v18 =	vsel vm13, v27, v18  }
0x107: {  	v10 =	vsel vm11, v21, v10;
	v19 =	vsel vm9, v29, v19;
	v21 =	vcvt.s32.f32 v18  }
0x108: {  	vm11 =	veq.s32 v17, $0x0;
	v8 =	vsel vm15, v22, v8;
	v20 =	vsel vm15, v20, v61  }
0x109: {  	vm12 =	veq.s32 v9, $0x0;
	v7 =	vsel vm9, v59, v7;
	vm13 =	veq.s32 v17, $0x3  }
0x10a: {  	vm14 =	veq.s32 v9, $0x3;
	vm4 =	veq.s32 v17, $0x1;
	vm5 =	veq.s32 v17, $0x2  }
0x10b: {  	v23 =	vcvt.s32.f32 v19;
	v8 =	vcvt.s32.f32 v8;
	vm15 =	veq.s32 v7, $0x3  }
0x10c: {  	vm8 =	veq.s32 v7, $0x0;
	v13 =	vsub.f32 v13, v21;
	v21 =	vcvt.s32.f32 v10  }
0x10d: {  	vm9 =	veq.s32 v20, $0x3;
	vm10 =	veq.s32 v20, $0x0;
	v14 =	vsub.f32 v14, v23  }
0x10e: {  	v8 =	vsub.f32 v11, v8;
	v13 =	vmul.f32 $2.500000000e-01, v13;
	v12 =	vsub.f32 v12, v21  }
0x10f: {  	vm6 =	veq.s32 v20, $0x1;
	vm7 =	veq.s32 v20, $0x2;
	v14 =	vmul.f32 $2.500000000e-01, v14  }
0x110: {  	v8 =	vmul.f32 $2.500000000e-01, v8;
	v11 =	vmul.f32 $2.500000000e-01, v12;
	v12 =	vnsel vm14, $0x0, v13  }
0x111: {  	vm14 =	vgt.s32 v9, $0x2;
	v21 =	vnsel vm15, $0x0, v14;
	v22 =	vnsel vm8, $0x0, v14  }
0x112: {  	vm15 =	vlt.s32 v9, $0x2;
	vm8 =	vgt.s32 v9, $0x0;
	v12 =	vadd.f32 v21, v12  }
0x113: {  	v21 =	vnsel vm12, $0x0, v13;
	v23 =	vnsel vm13, $0x0, v11;
	vm12 =	vlt.s32 v7, $0x2  }
0x114: {  	vm13 =	vgt.s32 v7, $0x0;
	v32 =	vsel vm15, $0x2, v4;
	v33 =	vsel vm8, $0x3FFFF, v2  }
0x115: {  	vm15 =	vgt.s32 v17, $0x0;
	v41 =	vnsel vm4, $0x0, v11;
	v21 =	vadd.f32 v22, v21  }
0x116: {  	v22 =	vnsel vm11, $0x0, v11;
	vm11 =	vgt.s32 v7, $0x2;
	v62 =	vsel vm12, $0x2, v4  }
0x117: {  	v63 =	vsel vm13, $0x3FFFF, v2;
	vm12 =	veq.s32 v9, $0x2;
	vm13 =	vgt.s32 v17, $0x2  }
0x118: {  	v26 =	vadd.s32 v18, v32;
	v27 =	vadd.s32 v18, v33;
	v37 =	vsel vm15, $0x3FFFF, v2  }
0x119: {  	v11 =	vnsel vm5, $0x0, v11;
	v12 =	vadd.f32 v12, v23;
	v23 =	vnsel vm9, $0x0, v8  }
0x11a: {  	vm9 =	veq.s32 v7, $0x1;
	v24 =	vadd.s32 v19, v62;
	v25 =	vadd.s32 v19, v63  }
0x11b: {  	v35 =	vsel vm13, $0x3FFFD, v3;
	v38 =	vmul.u32 $0x379B1, v26;
	v27 =	vmul.u32 $0x379B1, v27  }
0x11c: {  	v40 =	vadd.s32 v10, v37;
	v21 =	vadd.f32 v21, v22;
	v22 =	vnsel vm10, $0x0, v8  }
0x11d: {  	vm10 =	veq.s32 v7, $0x2;
	v7 =	vsel vm14, $0x3FFFD, v3;
	vm14 =	vlt.s32 v17, $0x2  }
0x11e: {  	v25 =	vmul.u32 $0x25795, v25;
	v39 =	vadd.s32 v10, v35;
	v17 =	vmul.u32 $0x379B1, v18  }
0x11f: {  	v43 =	vmul.u32 $0x2C2F5, v40;
	v12 =	vadd.f32 v12, v23;
	v23 =	vsel vm11, $0x3FFFD, v3  }
0x120: {  	vm11 =	veq.s32 v9, $0x1;
	v9 =	vnsel vm9, $0x0, v14;
	v14 =	vnsel vm10, $0x0, v14  }
0x121: {  	v7 =	vadd.s32 v18, v7;
	v36 =	vsel vm14, $0x2, v4;
	v18 =	vmul.u32 $0x2C2F5, v39  }
0x122: {  	v21 =	vadd.f32 v21, v22;
	v34 =	vnsel vm11, $0x0, v13;
	v13 =	vnsel vm12, $0x0, v13  }
0x123: {  	v23 =	vadd.s32 v19, v23;
	v7 =	vmul.u32 $0x379B1, v7;
	v28 =	vadd.s32 v10, v36  }
0x124: {  	v19 =	vmul.u32 $0x25795, v19;
	v10 =	vmul.u32 $0x2C2F5, v10;
	v22 =	vadd.f32 $1.000000000e+00, v12  }
0x125: {  	v9 =	vadd.f32 v9, v34;
	v13 =	vadd.f32 v14, v13;
	v14 =	vmul.u32 $0x25795, v23  }
0x126: {  	v23 =	vmul.u32 $0x25795, v24;
	v42 =	vmul.u32 $0x2C2F5, v28;
	v22 =	vsub.f32 v22, v21  }
0x127: {  	v9 =	vadd.f32 v9, v41;
	v11 =	vadd.f32 v13, v11;
	v7 =	vxor.u32 v14, v7  }
0x128: {  	v13 =	vxor.u32 v23, v38;
	v14 =	vxor.u32 v19, v17;
	v17 =	vxor.u32 v25, v27  }
0x129: {  	v19 =	vnsel vm6, $0x0, v8;
	v8 =	vnsel vm7, $0x0, v8;
	v7 =	vxor.u32 v18, v7  }
0x12a: {  	v13 =	vxor.u32 v42, v13;
	v17 =	vxor.u32 v43, v17;
	v8 =	vadd.f32 v11, v8  }
0x12b: {  	[tilespmem:s19+$0xC00] =	vst v15;
	v10 =	vxor.u32 v10, v14;
	v9 =	vadd.f32 v9, v19;
	v11 =	vshll.u32 v7, $0x1  }
0x12c: {  	[tilespmem:s19+$0x1C00] =	vst v16;
	v14 =	vshll.u32 v13, $0x1;
	v15 =	vshll.u32 v17, $0x1;
	v12 =	vsub.f32 v8, v12  }
0x12d: {  	v16 =	vshll.u32 v10, $0x1;
	[tilespmem:s20+$0x2C00] =	vst v22;
	v7 =	vand.u32 $0x7F, v7;
	v8 =	vsub.f32 v9, v8  }
0x12e: {  	s21 =	sshllo.u32 s16, $0x1;
	v13 =	vand.u32 $0x7F, v13;
	v11 =	vand.u32 $0x7FF00, v11;
	v9 =	vsub.f32 v21, v9;
	[tilespmem:s20+$0x3000] =	vst v12  }
0x12f: {  	s30 =	sshll.u32 s21, $0x3;
	v10 =	vand.u32 $0x7F, v10;
	v14 =	vand.u32 $0x7FF00, v14;
	v7 =	vor.u32 v11, v7;
	[tilespmem:s20+$0x3400] =	vst v8  }
0x130: {  	v11 =	vmov s30;
	v13 =	vor.u32 v14, v13;
	[tilespmem:s20+$0x3800] =	vst v9;
	v9 =	vor.u32 v5, v7  }
0x131: {  	v12 =	vand.u32 $0x7FF00, v15;
	v15 =	vand.u32 $0x7FF00, v16;
	v7 =	vor.u32 v6, v7;
	[tilespmem:s20+$0x1000] =	vst v9  }
0x132: {  	v8 =	vand.u32 $0x7F, v17;
	v9 =	vshrl.u32 v11, $0x3;
	[tilespmem:s20+$0x2000] =	vst v7;
	v7 =	vor.u32 v5, v13  }
0x133: {  	v8 =	vor.u32 v12, v8;
	v11 =	vor.u32 v6, v13;
	v9 =	vshll.u32 v9, v1;
	[tilespmem:s20+$0x1400] =	vst v7  }
0x134: {  	v13 =	vor.u32 v5, v8;
	[tilespmem:s20+$0x2400] =	vst v11;
	v7 =	vbroadcast v9, $0x0;
	v12 =	vadd.s32 $0x2, v9  }
0x135: {  	v10 =	vor.u32 v15, v10;
	v8 =	vor.u32 v6, v8;
	[tilespmem:s20+$0x1800] =	vst v13;
	v11 =	vbroadcast v12, $0x0  }
0x136: {  	v5 =	vor.u32 v5, v10;
	[tilespmem:s20+$0x2800] =	vst v8  }
0x137: {  	v6 =	vor.u32 v6, v10;
	[tilespmem:s20+$0xC00] =	vst v5;
	v5 =	vadd.s32 $0x3, v9  }
0x138: {  	s19 =	simm.s32 $0x0;
	[tilespmem:s20+$0x1C00] =	vst v6;
	v6 =	vadd.s32 $0x1, v9;
	v5 =	vbroadcast v5, $0x0  }
0x139: {  	v6 =	vbroadcast v6, $0x0;
	v12 =	vld [tilespmem:s19+$0x800]  }
0x13a: {  	v7 =	vld.idx.msk [tilespmem:v7+s8+$0x0], $0xffff  }
0x13b: {  	v8 =	vld.idx.msk [tilespmem:v11+s8+$0x0], $0xffff  }
0x13c: {  	v11 =	vld [tilespmem:s19+$0x400]  }
0x13d: {  	v13 =	vld [tilespmem:s19+$0x0]  }
0x13e: {  	v9 =	vld.idx.msk [tilespmem:v5+s8+$0x0], $0xffff  }
0x13f: {  	v10 =	vld.idx.msk [tilespmem:v6+s8+$0x0], $0xffff;
	_ =	sdelay $0x1  }
0x140: {  	v6 =	vmul.f32 v12, v7;
	v5 =	vmul.f32 v11, v7  }
0x141: {  	v11 =	vmul.f32 v13, v7  }
0x142: {  	v6 =	vadd.f32 v6, v9;
	v5 =	vadd.f32 v5, v8  }
0x143: {  	v11 =	vadd.f32 v11, v10  }
0x144: {  	v12 =	vmul.f32 $2.886751290e-01, v6;
	v5 =	vmul.f32 $4.082483050e-01, v5  }
0x145: {  	v13 =	vmul.f32 $7.071067690e-01, v11  }
0x146: {  	v6 =	vmul.f32 $-3.000000000e+00, v12;
	v14 =	vadd.f32 v12, v5;
	v5 =	vadd.f32 v5, v5;
	_ =	sdelay $0x1  }
0x147: {  	v15 =	vadd.f32 v14, v13;
	v11 =	vsub.f32 v12, v5;
	v5 =	vmul.f32 $2.500000000e-01, v6  }
0x148: {  	v12 =	vsub.f32 v14, v13  }
0x149: {  	s31 =	sshll.u32 s21, $0x13;
	v13 =	vmul.f32 $2.500000000e-01, v15;
	v14 =	vmul.f32 $2.500000000e-01, v11;
	v16 =	vadd.f32 $-5.000000000e-01, v5  }
0x14a: {  	v5 =	vmov s31;
	v17 =	vmul.f32 $2.500000000e-01, v12  }
0x14b: {  	v13 =	vadd.f32 $-5.000000000e-01, v13;
	v14 =	vadd.f32 $-5.000000000e-01, v14;
	v18 =	vtrunc.f32 v16  }
0x14c: {  	v17 =	vadd.f32 $-5.000000000e-01, v17;
	v19 =	vcvt.f32.s32 v18;
	vm8 =	vgt.f32 v16, v18  }
0x14d: {  	v16 =	vtrunc.f32 v13;
	v18 =	vtrunc.f32 v14;
	v20 =	vsel vm8, $0x1, v0  }
0x14e: {  	v21 =	vtrunc.f32 v17;
	v22 =	vcvt.f32.s32 v18;
	v19 =	vadd.s32 v19, v20  }
0x14f: {  	v20 =	vcvt.f32.s32 v16;
	vm9 =	vgt.f32 v13, v16;
	vm10 =	vgt.f32 v14, v18  }
0x150: {  	v13 =	vcvt.f32.s32 v21;
	vm11 =	vgt.f32 v17, v21;
	v14 =	vshll.u32 v19, $0x2  }
0x151: {  	v16 =	vsel vm9, $0x1, v0;
	v17 =	vsel vm11, $0x1, v0;
	v18 =	vsel vm10, $0x1, v0  }
0x152: {  	v21 =	vcvt.s32.f32 v14;
	v23 =	vadd.s32 $0x4, v14;
	v44 =	vadd.s32 $0xFFFFFFFC, v14  }
0x153: {  	v16 =	vadd.s32 v20, v16;
	v13 =	vadd.s32 v13, v17;
	v17 =	vadd.s32 v22, v18  }
0x154: {  	v18 =	vadd.s32 v19, v17;
	v19 =	vshll.u32 v16, $0x2;
	v17 =	vshll.u32 v17, $0x2  }
0x155: {  	v20 =	vshll.u32 v13, $0x2;
	v22 =	vadd.s32 $0x4, v17;
	v45 =	vadd.s32 $0xFFFFFFFC, v17  }
0x156: {  	v46 =	vcvt.s32.f32 v19;
	v47 =	vcvt.s32.f32 v20;
	v48 =	vadd.s32 $0x4, v19  }
0x157: {  	v49 =	vcvt.s32.f32 v17;
	v21 =	vsub.f32 v6, v21;
	v50 =	vadd.s32 $0x4, v20  }
0x158: {  	v51 =	vadd.s32 $0xFFFFFFFC, v19;
	v26 =	vsub.f32 v15, v46;
	v27 =	vsub.f32 v12, v47  }
0x159: {  	v13 =	vadd.s32 v13, v18;
	v52 =	vadd.s32 $0xFFFFFFFC, v20;
	v18 =	vsub.f32 v11, v49  }
0x15a: {  	v13 =	vadd.s32 v16, v13;
	vm0 =	vlt.f32 v26, v21;
	vm1 =	vlt.f32 v27, v21  }
0x15b: {  	vm2 =	vlt.f32 v26, v18;
	vm3 =	vlt.f32 v27, v18;
	vm4 =	vlt.f32 v18, v21  }
0x15c: {  	vm5 =	vlt.f32 v26, v27;
	vm6 =	vmneg vm0;
	vm12 =	vmneg vm1  }
0x15d: {  	vm13 =	vmneg vm2;
	vm14 =	vmneg vm3;
	vm15 =	vmneg vm4  }
0x15e: {  	v16 =	vsel vm0, $0x1, v0;
	v18 =	vsel vm1, $0x1, v0;
	v21 =	vsel vm4, $0x1, v0  }
0x15f: {  	v26 =	vsel vm5, $0x1, v0;
	v53 =	vsel vm2, $0x1, v0;
	v54 =	vsel vm3, $0x1, v0  }
0x160: {  	vm5 =	vmneg vm5;
	v55 =	vsel vm6, $0x1, v0;
	v56 =	vsel vm12, $0x1, v0  }
0x161: {  	v57 =	vsel vm13, $0x1, v0;
	v58 =	vsel vm14, $0x1, v0;
	v59 =	vsel vm15, $0x1, v0  }
0x162: {  	v26 =	vadd.s32 v26, v13;
	v38 =	vsel vm5, $0x1, v0;
	v21 =	vadd.s32 v21, v13  }
0x163: {  	v26 =	vadd.s32 v53, v26;
	v21 =	vadd.s32 v57, v21;
	v60 =	vadd.s32 v59, v13  }
0x164: {  	v13 =	vadd.s32 v38, v13;
	v21 =	vadd.s32 v58, v21;
	v27 =	vadd.s32 v55, v60  }
0x165: {  	v16 =	vadd.s32 v16, v26;
	v13 =	vadd.s32 v54, v13;
	v61 =	vadd.s32 $0x4, v21  }
0x166: {  	v62 =	vadd.s32 $0x4, v16;
	v63 =	vadd.s32 $0xFFFFFFFC, v16;
	v36 =	vadd.s32 $0xFFFFFFFC, v21  }
0x167: {  	v27 =	vadd.s32 v56, v27;
	vm10 =	vlt.s32 v21, $0x0;
	vm11 =	vgt.s32 v21, $0x3  }
0x168: {  	v13 =	vadd.s32 v18, v13;
	vm12 =	vlt.s32 v16, $0x0;
	vm13 =	vgt.s32 v16, $0x3  }
0x169: {  	v18 =	vsel vm11, v36, v21;
	v21 =	vadd.s32 $0x4, v27;
	v34 =	vadd.s32 $0xFFFFFFFC, v27  }
0x16a: {  	v16 =	vsel vm13, v63, v16;
	v37 =	vadd.s32 $0x4, v13;
	v38 =	vadd.s32 $0xFFFFFFFC, v13  }
0x16b: {  	v17 =	vsel vm11, v45, v17;
	vm14 =	vlt.s32 v27, $0x0;
	vm15 =	vgt.s32 v27, $0x3  }
0x16c: {  	v19 =	vsel vm13, v51, v19;
	vm8 =	vlt.s32 v13, $0x0;
	vm9 =	vgt.s32 v13, $0x3  }
0x16d: {  	v16 =	vsel vm12, v62, v16;
	v18 =	vsel vm10, v61, v18;
	v39 =	vsel vm15, v34, v27  }
0x16e: {  	v20 =	vsel vm9, v52, v20;
	v13 =	vsel vm9, v38, v13;
	v14 =	vsel vm15, v44, v14  }
0x16f: {  	v19 =	vsel vm12, v48, v19;
	v17 =	vsel vm10, v22, v17;
	v20 =	vsel vm8, v50, v20  }
0x170: {  	v22 =	vcvt.s32.f32 v19;
	vm10 =	veq.s32 v18, $0x0;
	v14 =	vsel vm14, v23, v14  }
0x171: {  	v21 =	vsel vm14, v21, v39;
	vm11 =	veq.s32 v16, $0x0;
	v13 =	vsel vm8, v37, v13  }
0x172: {  	vm12 =	veq.s32 v18, $0x3;
	vm13 =	veq.s32 v16, $0x3;
	v40 =	vcvt.s32.f32 v20  }
0x173: {  	v14 =	vcvt.s32.f32 v14;
	vm14 =	veq.s32 v13, $0x3;
	vm15 =	veq.s32 v13, $0x0  }
0x174: {  	vm5 =	veq.s32 v21, $0x3;
	vm6 =	veq.s32 v21, $0x0;
	vm7 =	vgt.s32 v13, $0x2  }
0x175: {  	vm8 =	vlt.s32 v13, $0x2;
	vm9 =	vgt.s32 v13, $0x0;
	v15 =	vsub.f32 v15, v22  }
0x176: {  	v22 =	vcvt.s32.f32 v17;
	v46 =	vsel vm7, $0x3FFFD, v3;
	v47 =	vsel vm8, $0x2, v4  }
0x177: {  	v48 =	vsel vm9, $0x3FFFF, v2;
	vm8 =	veq.s32 v16, $0x2;
	vm9 =	vgt.s32 v18, $0x2  }
0x178: {  	v12 =	vsub.f32 v12, v40;
	v6 =	vsub.f32 v6, v14;
	v25 =	vadd.s32 v20, v46  }
0x179: {  	v26 =	vadd.s32 v20, v47;
	v27 =	vadd.s32 v20, v48;
	v52 =	vsel vm9, $0x3FFFD, v3  }
0x17a: {  	v20 =	vmul.u32 $0x25795, v20;
	v15 =	vmul.f32 $2.500000000e-01, v15;
	v11 =	vsub.f32 v11, v22  }
0x17b: {  	v55 =	vmul.u32 $0x25795, v26;
	v27 =	vmul.u32 $0x25795, v27;
	v12 =	vmul.f32 $2.500000000e-01, v12  }
0x17c: {  	v57 =	vadd.s32 v17, v52;
	v23 =	vmul.f32 $2.500000000e-01, v6;
	v11 =	vmul.f32 $2.500000000e-01, v11  }
0x17d: {  	v14 =	vnsel vm13, $0x0, v15;
	vm13 =	veq.s32 v13, $0x1;
	v22 =	vnsel vm14, $0x0, v12  }
0x17e: {  	v43 =	vnsel vm5, $0x0, v23;
	v44 =	vnsel vm6, $0x0, v23;
	vm14 =	veq.s32 v13, $0x2  }
0x17f: {  	v6 =	vadd.f32 v22, v14;
	v14 =	vnsel vm11, $0x0, v15;
	v22 =	vnsel vm15, $0x0, v12  }
0x180: {  	v41 =	vnsel vm12, $0x0, v11;
	v42 =	vnsel vm10, $0x0, v11;
	vm10 =	vgt.s32 v16, $0x2  }
0x181: {  	vm11 =	vlt.s32 v16, $0x2;
	vm12 =	vgt.s32 v16, $0x0;
	vm15 =	veq.s32 v16, $0x1  }
0x182: {  	v16 =	vnsel vm13, $0x0, v12;
	v12 =	vnsel vm14, $0x0, v12;
	vm13 =	veq.s32 v18, $0x2  }
0x183: {  	vm14 =	veq.s32 v21, $0x1;
	v14 =	vadd.f32 v22, v14;
	v13 =	vsel vm10, $0x3FFFD, v3  }
0x184: {  	v49 =	vsel vm11, $0x2, v4;
	v50 =	vsel vm12, $0x3FFFF, v2;
	vm10 =	vlt.s32 v18, $0x2  }
0x185: {  	vm11 =	vgt.s32 v18, $0x0;
	v51 =	vnsel vm15, $0x0, v15;
	v15 =	vnsel vm8, $0x0, v15  }
0x186: {  	vm12 =	veq.s32 v18, $0x1;
	v18 =	vmul.u32 $0x379B1, v19;
	vm15 =	veq.s32 v21, $0x2  }
0x187: {  	v22 =	vadd.f32 v6, v41;
	v6 =	vor.u32 $0x80, v5;
	v13 =	vadd.s32 v19, v13  }
0x188: {  	v28 =	vadd.s32 v19, v49;
	v29 =	vadd.s32 v19, v50;
	v16 =	vadd.f32 v16, v51  }
0x189: {  	v53 =	vsel vm10, $0x2, v4;
	v54 =	vsel vm11, $0x3FFFF, v2;
	v12 =	vadd.f32 v12, v15  }
0x18a: {  	v15 =	vmul.u32 $0x25795, v25;
	v59 =	vnsel vm12, $0x0, v11;
	v11 =	vnsel vm13, $0x0, v11  }
0x18b: {  	v19 =	vmul.u32 $0x2C2F5, v57;
	v14 =	vadd.f32 v14, v42;
	v22 =	vadd.f32 v22, v43  }
0x18c: {  	v21 =	vnsel vm15, $0x0, v23;
	v13 =	vmul.u32 $0x379B1, v13;
	v56 =	vmul.u32 $0x379B1, v28  }
0x18d: {  	v30 =	vadd.s32 v17, v53;
	v14 =	vadd.f32 v14, v44;
	v45 =	vadd.f32 $1.000000000e+00, v22  }
0x18e: {  	v29 =	vmul.u32 $0x379B1, v29;
	v58 =	vadd.s32 v17, v54;
	v17 =	vmul.u32 $0x2C2F5, v17  }
0x18f: {  	v60 =	vmul.u32 $0x2C2F5, v30;
	v16 =	vadd.f32 v16, v59;
	v24 =	vsub.f32 v45, v14  }
0x190: {  	v61 =	vmul.u32 $0x2C2F5, v58;
	v11 =	vadd.f32 v12, v11;
	v12 =	vxor.u32 v15, v13  }
0x191: {  	s20 =	simm.s32 $0x10;
	v13 =	vxor.u32 v55, v56;
	v15 =	vxor.u32 v20, v18;
	v18 =	vxor.u32 v27, v29;
	[tilespmem:s19+$0x7C00] =	vst v24  }
0x192: {  	v20 =	vnsel vm14, $0x0, v23;
	v12 =	vxor.u32 v19, v12;
	v13 =	vxor.u32 v60, v13;
	v19 =	vld [tilespmem:s20+$0x400]  }
0x193: {  	v18 =	vxor.u32 v61, v18;
	v16 =	vadd.f32 v16, v20;
	v11 =	vadd.f32 v11, v21;
	v23 =	vld [tilespmem:s20+$0x800]  }
0x194: {  	v15 =	vxor.u32 v17, v15;
	v20 =	vshll.u32 v12, $0x1;
	v21 =	vshll.u32 v13, $0x1;
	v17 =	vld [tilespmem:s20+$0x0]  }
0x195: {  	v62 =	vshll.u32 v18, $0x1;
	v63 =	vshll.u32 v15, $0x1;
	v12 =	vand.u32 $0x7F, v12  }
0x196: {  	v13 =	vand.u32 $0x7F, v13;
	v15 =	vand.u32 $0x7F, v15;
	v20 =	vand.u32 $0x7FF00, v20  }
0x197: {  	v21 =	vand.u32 $0x7FF00, v21;
	v25 =	vand.u32 $0x7FF00, v63;
	v22 =	vsub.f32 v11, v22  }
0x198: {  	v11 =	vsub.f32 v16, v11;
	v19 =	vmul.f32 v19, v7;
	v23 =	vmul.f32 v23, v7  }
0x199: {  	v14 =	vsub.f32 v14, v16;
	v16 =	vand.u32 $0x7F, v18;
	v17 =	vmul.f32 v17, v7  }
0x19a: {  	v12 =	vor.u32 v20, v12;
	v18 =	vadd.f32 v19, v8;
	v19 =	vadd.f32 v23, v9  }
0x19b: {  	v13 =	vor.u32 v21, v13;
	v21 =	vor.u32 v25, v15;
	[tilespmem:s19+$0x8000] =	vst v22;
	v17 =	vadd.f32 v17, v10  }
0x19c: {  	v24 =	vand.u32 $0x7FF00, v62;
	[tilespmem:s19+$0x8400] =	vst v11;
	v11 =	vmul.f32 $4.082483050e-01, v18;
	v18 =	vmul.f32 $2.886751290e-01, v19  }
0x19d: {  	v15 =	vor.u32 v5, v12;
	v12 =	vor.u32 v6, v12;
	[tilespmem:s19+$0x8800] =	vst v14;
	v14 =	vmul.f32 $7.071067690e-01, v17  }
0x19e: {  	[tilespmem:s19+$0x6000] =	vst v15;
	v17 =	vadd.f32 v18, v11;
	v19 =	vadd.f32 v11, v11;
	v11 =	vmul.f32 $-3.000000000e+00, v18  }
0x19f: {  	v20 =	vor.u32 v6, v13;
	v16 =	vor.u32 v24, v16;
	[tilespmem:s19+$0x7000] =	vst v12;
	v15 =	vor.u32 v5, v13  }
0x1a0: {  	[tilespmem:s19+$0x7400] =	vst v20;
	v13 =	vadd.f32 v17, v14;
	v12 =	vsub.f32 v18, v19;
	v23 =	vmul.f32 $2.500000000e-01, v11  }
0x1a1: {  	v22 =	vor.u32 v5, v16;
	[tilespmem:s19+$0x6400] =	vst v15;
	v24 =	vor.u32 v6, v16;
	v14 =	vsub.f32 v17, v14  }
0x1a2: {  	[tilespmem:s19+$0x6800] =	vst v22;
	v18 =	vmul.f32 $2.500000000e-01, v13;
	v19 =	vmul.f32 $2.500000000e-01, v12;
	v17 =	vadd.f32 $-5.000000000e-01, v23  }
0x1a3: {  	s21 =	simm.s32 $0x80;
	v15 =	vor.u32 v5, v21;
	v16 =	vor.u32 v6, v21;
	[tilespmem:s19+$0x7800] =	vst v24;
	v20 =	vmul.f32 $2.500000000e-01, v14  }
.LBB2_6:
0x1a4: {  	p0 =	sne.s32 s21, $0xFC0;
	v18 =	vadd.f32 $-5.000000000e-01, v18;
	v19 =	vadd.f32 $-5.000000000e-01, v19;
	v21 =	vtrunc.f32 v17;
	[tilespmem:s19+$0x5C00] =	vst v15  }
0x1a5: {  	v15 =	vadd.f32 $-5.000000000e-01, v20;
	v20 =	vcvt.f32.s32 v21;
	vm0 =	vgt.f32 v17, v21;
	[tilespmem:s19+$0x6C00] =	vst v16;
	s19 =	smov.u32 s20  }
0x1a6: {  	v16 =	vtrunc.f32 v18;
	v17 =	vtrunc.f32 v19;
	v21 =	vsel vm0, $0x1, v0  }
0x1a7: {  	v22 =	vtrunc.f32 v15;
	v23 =	vcvt.f32.s32 v17;
	v20 =	vadd.s32 v20, v21  }
0x1a8: {  	v21 =	vcvt.f32.s32 v16;
	vm0 =	vgt.f32 v18, v16;
	vm1 =	vgt.f32 v19, v17  }
0x1a9: {  	v16 =	vcvt.f32.s32 v22;
	vm2 =	vgt.f32 v15, v22;
	v15 =	vshll.u32 v20, $0x2  }
0x1aa: {  	v17 =	vsel vm0, $0x1, v0;
	v19 =	vsel vm1, $0x1, v0;
	v18 =	vsel vm2, $0x1, v0  }
0x1ab: {  	v22 =	vcvt.s32.f32 v15;
	v24 =	vadd.s32 $0x4, v15;
	v25 =	vadd.s32 $0xFFFFFFFC, v15  }
0x1ac: {  	v17 =	vadd.s32 v21, v17;
	v16 =	vadd.s32 v16, v18;
	v18 =	vadd.s32 v23, v19  }
0x1ad: {  	v19 =	vadd.s32 v20, v18;
	v20 =	vshll.u32 v17, $0x2;
	v18 =	vshll.u32 v18, $0x2  }
0x1ae: {  	v21 =	vshll.u32 v16, $0x2;
	v23 =	vadd.s32 $0x4, v18;
	v26 =	vadd.s32 $0xFFFFFFFC, v18  }
0x1af: {  	v27 =	vcvt.s32.f32 v20;
	v28 =	vcvt.s32.f32 v21;
	v29 =	vadd.s32 $0x4, v20  }
0x1b0: {  	v22 =	vsub.f32 v11, v22;
	v30 =	vcvt.s32.f32 v18;
	v31 =	vadd.s32 $0x4, v21  }
0x1b1: {  	v32 =	vadd.s32 $0xFFFFFFFC, v20;
	v27 =	vsub.f32 v13, v27;
	v28 =	vsub.f32 v14, v28  }
0x1b2: {  	v16 =	vadd.s32 v16, v19;
	v19 =	vsub.f32 v12, v30;
	v30 =	vadd.s32 $0xFFFFFFFC, v21  }
0x1b3: {  	v16 =	vadd.s32 v17, v16;
	vm0 =	vlt.f32 v27, v22;
	vm1 =	vlt.f32 v28, v22  }
0x1b4: {  	vm2 =	vlt.f32 v27, v19;
	vm3 =	vlt.f32 v28, v19;
	vm4 =	vlt.f32 v19, v22  }
0x1b5: {  	vm5 =	vlt.f32 v27, v28;
	vm6 =	vmneg vm0;
	vm7 =	vmneg vm1  }
0x1b6: {  	vm8 =	vmneg vm2;
	vm9 =	vmneg vm3;
	vm10 =	vmneg vm4  }
0x1b7: {  	v17 =	vsel vm0, $0x1, v0;
	v19 =	vsel vm1, $0x1, v0;
	v22 =	vsel vm4, $0x1, v0  }
0x1b8: {  	v27 =	vsel vm5, $0x1, v0;
	v28 =	vsel vm2, $0x1, v0;
	v33 =	vsel vm3, $0x1, v0  }
0x1b9: {  	vm0 =	vmneg vm5;
	v34 =	vsel vm6, $0x1, v0;
	v35 =	vsel vm7, $0x1, v0  }
0x1ba: {  	v36 =	vsel vm8, $0x1, v0;
	v37 =	vsel vm9, $0x1, v0;
	v38 =	vsel vm10, $0x1, v0  }
0x1bb: {  	v27 =	vadd.s32 v27, v16;
	v39 =	vsel vm0, $0x1, v0;
	v22 =	vadd.s32 v22, v16  }
0x1bc: {  	v27 =	vadd.s32 v28, v27;
	v22 =	vadd.s32 v36, v22;
	v28 =	vadd.s32 v38, v16  }
0x1bd: {  	v16 =	vadd.s32 v39, v16;
	v22 =	vadd.s32 v37, v22;
	v28 =	vadd.s32 v34, v28  }
0x1be: {  	v17 =	vadd.s32 v17, v27;
	v16 =	vadd.s32 v33, v16;
	v27 =	vadd.s32 $0x4, v22  }
0x1bf: {  	v33 =	vadd.s32 $0x4, v17;
	v34 =	vadd.s32 $0xFFFFFFFC, v17;
	v36 =	vadd.s32 $0xFFFFFFFC, v22  }
0x1c0: {  	v28 =	vadd.s32 v35, v28;
	vm0 =	vlt.s32 v22, $0x0;
	vm1 =	vgt.s32 v22, $0x3  }
0x1c1: {  	v16 =	vadd.s32 v19, v16;
	vm2 =	vlt.s32 v17, $0x0;
	vm3 =	vgt.s32 v17, $0x3  }
0x1c2: {  	v19 =	vsel vm1, v36, v22;
	v22 =	vadd.s32 $0x4, v28;
	v35 =	vadd.s32 $0xFFFFFFFC, v28  }
0x1c3: {  	v17 =	vsel vm3, v34, v17;
	v34 =	vadd.s32 $0x4, v16;
	v36 =	vadd.s32 $0xFFFFFFFC, v16  }
0x1c4: {  	v18 =	vsel vm1, v26, v18;
	vm1 =	vlt.s32 v28, $0x0;
	vm4 =	vgt.s32 v28, $0x3  }
0x1c5: {  	v20 =	vsel vm3, v32, v20;
	vm3 =	vlt.s32 v16, $0x0;
	vm5 =	vgt.s32 v16, $0x3  }
0x1c6: {  	v17 =	vsel vm2, v33, v17;
	v19 =	vsel vm0, v27, v19;
	v26 =	vsel vm4, v35, v28  }
0x1c7: {  	v21 =	vsel vm5, v30, v21;
	v16 =	vsel vm5, v36, v16;
	v15 =	vsel vm4, v25, v15  }
0x1c8: {  	v20 =	vsel vm2, v29, v20;
	v18 =	vsel vm0, v23, v18;
	v21 =	vsel vm3, v31, v21  }
0x1c9: {  	v23 =	vcvt.s32.f32 v20;
	vm0 =	veq.s32 v19, $0x0;
	v25 =	vcvt.s32.f32 v21  }
0x1ca: {  	v24 =	vsel vm1, v24, v15;
	v15 =	vsel vm1, v22, v26;
	vm1 =	veq.s32 v17, $0x0  }
0x1cb: {  	v22 =	vcvt.s32.f32 v18;
	v13 =	vsub.f32 v13, v23;
	v14 =	vsub.f32 v14, v25  }
0x1cc: {  	v16 =	vsel vm3, v34, v16;
	vm2 =	veq.s32 v19, $0x3;
	v23 =	vcvt.s32.f32 v24  }
0x1cd: {  	v12 =	vsub.f32 v12, v22;
	v13 =	vmul.f32 $2.500000000e-01, v13;
	v14 =	vmul.f32 $2.500000000e-01, v14  }
0x1ce: {  	vm3 =	veq.s32 v17, $0x3;
	vm4 =	veq.s32 v16, $0x3;
	v11 =	vsub.f32 v11, v23  }
0x1cf: {  	v12 =	vmul.f32 $2.500000000e-01, v12;
	v22 =	vnsel vm3, $0x0, v13;
	v23 =	vnsel vm4, $0x0, v14  }
0x1d0: {  	v11 =	vmul.f32 $2.500000000e-01, v11;
	vm3 =	veq.s32 v16, $0x0;
	v22 =	vadd.f32 v23, v22  }
0x1d1: {  	v25 =	vnsel vm2, $0x0, v12;
	v24 =	vnsel vm3, $0x0, v14;
	v23 =	vnsel vm1, $0x0, v13  }
0x1d2: {  	vm1 =	veq.s32 v15, $0x3;
	v23 =	vadd.f32 v24, v23;
	v22 =	vadd.f32 v22, v25  }
0x1d3: {  	v24 =	vnsel vm0, $0x0, v12;
	vm0 =	vgt.s32 v16, $0x2;
	v25 =	vnsel vm1, $0x0, v11  }
0x1d4: {  	vm1 =	veq.s32 v15, $0x0;
	v23 =	vadd.f32 v23, v24;
	v22 =	vadd.f32 v22, v25  }
0x1d5: {  	vm2 =	vgt.s32 v16, $0x0;
	v24 =	vnsel vm1, $0x0, v11;
	vm1 =	vlt.s32 v16, $0x2  }
0x1d6: {  	vm3 =	vgt.s32 v17, $0x2;
	v23 =	vadd.f32 v23, v24;
	v24 =	vadd.f32 $1.000000000e+00, v22  }
0x1d7: {  	vm4 =	vgt.s32 v17, $0x0;
	v25 =	vsel vm0, $0x3FFFD, v3;
	vm0 =	vlt.s32 v17, $0x2  }
0x1d8: {  	v27 =	vsel vm2, $0x3FFFF, v2;
	v26 =	vsel vm1, $0x2, v4;
	v24 =	vsub.f32 v24, v23  }
0x1d9: {  	vm2 =	veq.s32 v16, $0x2;
	vm1 =	veq.s32 v16, $0x1;
	v16 =	vsel vm3, $0x3FFFD, v3  }
0x1da: {  	v28 =	vsel vm4, $0x3FFFF, v2;
	vm3 =	veq.s32 v17, $0x1;
	[tilespmem:s19+$0x7C00] =	vst v24;
	v24 =	vsel vm0, $0x2, v4  }
0x1db: {  	vm5 =	vlt.s32 v19, $0x2;
	vm4 =	vgt.s32 v19, $0x2;
	vm0 =	veq.s32 v17, $0x2  }
0x1dc: {  	v17 =	vnsel vm1, $0x0, v14;
	v14 =	vnsel vm2, $0x0, v14;
	vm1 =	vgt.s32 v19, $0x0  }
0x1dd: {  	v29 =	vnsel vm3, $0x0, v13;
	v25 =	vadd.s32 v21, v25;
	v13 =	vnsel vm0, $0x0, v13  }
0x1de: {  	v27 =	vadd.s32 v21, v27;
	v16 =	vadd.s32 v20, v16;
	v26 =	vadd.s32 v21, v26  }
0x1df: {  	v30 =	vsel vm4, $0x3FFFD, v3;
	v28 =	vadd.s32 v20, v28;
	v24 =	vadd.s32 v20, v24  }
0x1e0: {  	v17 =	vadd.f32 v17, v29;
	v29 =	vsel vm5, $0x2, v4;
	v31 =	vsel vm1, $0x3FFFF, v2  }
0x1e1: {  	v13 =	vadd.f32 v14, v13;
	v14 =	vmul.u32 $0x25795, v25;
	v25 =	vmul.u32 $0x25795, v26  }
0x1e2: {  	v16 =	vmul.u32 $0x379B1, v16;
	v24 =	vmul.u32 $0x379B1, v24;
	v26 =	vmul.u32 $0x25795, v27  }
0x1e3: {  	v28 =	vmul.u32 $0x379B1, v28;
	v27 =	vadd.s32 v18, v30;
	v29 =	vadd.s32 v18, v29  }
0x1e4: {  	v21 =	vmul.u32 $0x25795, v21;
	vm0 =	veq.s32 v19, $0x1;
	v30 =	vadd.s32 v18, v31  }
0x1e5: {  	v31 =	vnsel vm0, $0x0, v12;
	vm0 =	veq.s32 v19, $0x2;
	v19 =	vmul.u32 $0x379B1, v20  }
0x1e6: {  	v12 =	vnsel vm0, $0x0, v12;
	v20 =	vmul.u32 $0x2C2F5, v27;
	v27 =	vmul.u32 $0x2C2F5, v29  }
0x1e7: {  	v18 =	vmul.u32 $0x2C2F5, v18;
	v17 =	vadd.f32 v17, v31;
	v29 =	vmul.u32 $0x2C2F5, v30  }
0x1e8: {  	v12 =	vadd.f32 v13, v12;
	v13 =	vxor.u32 v14, v16;
	v14 =	vxor.u32 v25, v24  }
0x1e9: {  	vm0 =	veq.s32 v15, $0x1;
	v16 =	vxor.u32 v21, v19;
	v19 =	vxor.u32 v26, v28  }
0x1ea: {  	s20 =	sshra.s32 s21, $0x2;
	v21 =	vnsel vm0, $0x0, v11;
	vm0 =	veq.s32 v15, $0x2;
	v13 =	vxor.u32 v20, v13  }
0x1eb: {  	v11 =	vnsel vm0, $0x0, v11;
	v14 =	vxor.u32 v27, v14;
	v19 =	vxor.u32 v29, v19;
	v15 =	vld [tilespmem:s20+$0x400]  }
0x1ec: {  	v17 =	vadd.f32 v17, v21;
	v11 =	vadd.f32 v12, v11;
	v12 =	vxor.u32 v18, v16;
	v20 =	vld [tilespmem:s20+$0x800]  }
0x1ed: {  	v18 =	vshll.u32 v13, $0x1;
	v21 =	vshll.u32 v14, $0x1;
	v24 =	vshll.u32 v19, $0x1;
	v16 =	vld [tilespmem:s20+$0x0]  }
0x1ee: {  	v25 =	vshll.u32 v12, $0x1;
	v18 =	vand.u32 $0x7FF00, v18;
	v21 =	vand.u32 $0x7FF00, v21  }
0x1ef: {  	v13 =	vand.u32 $0x7F, v13;
	v14 =	vand.u32 $0x7F, v14;
	v24 =	vand.u32 $0x7FF00, v24  }
0x1f0: {  	v19 =	vand.u32 $0x7F, v19;
	v12 =	vand.u32 $0x7F, v12;
	v25 =	vand.u32 $0x7FF00, v25  }
0x1f1: {  	v22 =	vsub.f32 v11, v22;
	v15 =	vmul.f32 v15, v7;
	v20 =	vmul.f32 v20, v7  }
0x1f2: {  	v11 =	vsub.f32 v17, v11;
	v17 =	vsub.f32 v23, v17;
	v16 =	vmul.f32 v16, v7  }
0x1f3: {  	v13 =	vor.u32 v18, v13;
	v15 =	vadd.f32 v15, v8;
	v20 =	vadd.f32 v20, v9;
	[tilespmem:s19+$0x8000] =	vst v22  }
0x1f4: {  	v14 =	vor.u32 v21, v14;
	v18 =	vor.u32 v24, v19;
	v16 =	vadd.f32 v16, v10;
	[tilespmem:s19+$0x8400] =	vst v11  }
0x1f5: {  	v21 =	vor.u32 v25, v12;
	v11 =	vmul.f32 $4.082483050e-01, v15;
	v15 =	vmul.f32 $2.886751290e-01, v20;
	[tilespmem:s19+$0x8800] =	vst v17  }
0x1f6: {  	v12 =	vor.u32 v5, v13;
	v13 =	vor.u32 v6, v13;
	v16 =	vmul.f32 $7.071067690e-01, v16  }
0x1f7: {  	v19 =	vadd.f32 v11, v11;
	v17 =	vadd.f32 v15, v11;
	v11 =	vmul.f32 $-3.000000000e+00, v15;
	[tilespmem:s19+$0x6000] =	vst v12  }
.Ltmp1:
0x1f8: {  	v23 =	vor.u32 v5, v18;
	v22 =	vor.u32 v6, v14;
	v20 =	vor.u32 v5, v14;
	[tilespmem:s19+$0x7000] =	vst v13;
	(pc) =	sbr.rel @p0 .LBB2_6-.Ltmp1, $4  }
0x1f9: {  	v12 =	vsub.f32 v15, v19;
	v13 =	vadd.f32 v17, v16;
	v24 =	vmul.f32 $2.500000000e-01, v11;
	[tilespmem:s19+$0x6400] =	vst v20  }
0x1fa: {  	v15 =	vor.u32 v5, v21;
	v14 =	vsub.f32 v17, v16;
	[tilespmem:s19+$0x7400] =	vst v22;
	v22 =	vor.u32 v6, v18  }
0x1fb: {  	v19 =	vmul.f32 $2.500000000e-01, v12;
	v18 =	vmul.f32 $2.500000000e-01, v13;
	v17 =	vadd.f32 $-5.000000000e-01, v24;
	[tilespmem:s19+$0x6800] =	vst v23  }
0x1fc: {  	s21 =	sadd.s32 $0x40, s21;
	v16 =	vor.u32 v6, v21;
	v20 =	vmul.f32 $2.500000000e-01, v14;
	[tilespmem:s19+$0x7800] =	vst v22  }
0x1fd: {  	v7 =	vadd.f32 $-5.000000000e-01, v18;
	v8 =	vadd.f32 $-5.000000000e-01, v19;
	v9 =	vtrunc.f32 v17  }
0x1fe: {  	v10 =	vadd.f32 $-5.000000000e-01, v20;
	v41 =	vcvt.f32.s32 v9  }
0x1ff: {  	vm0 =	vgt.f32 v17, v9;
	v9 =	vtrunc.f32 v7;
	v42 =	vtrunc.f32 v8  }
0x200: {  	v43 =	vsel vm0, $0x1, v0;
	v20 =	vtrunc.f32 v10;
	v21 =	vcvt.f32.s32 v42  }
0x201: {  	v18 =	vadd.s32 v41, v43;
	v44 =	vcvt.f32.s32 v9;
	vm13 =	vgt.f32 v7, v9  }
0x202: {  	vm1 =	vgt.f32 v8, v42;
	v7 =	vcvt.f32.s32 v20;
	vm2 =	vgt.f32 v10, v20  }
0x203: {  	v8 =	vshll.u32 v18, $0x2;
	v9 =	vsel vm13, $0x1, v0;
	v17 =	vsel vm1, $0x1, v0  }
0x204: {  	v10 =	vsel vm2, $0x1, v0;
	v45 =	vcvt.s32.f32 v8;
	v22 =	vadd.s32 $0x4, v8  }
0x205: {  	v9 =	vadd.s32 v44, v9;
	v7 =	vadd.s32 v7, v10;
	v10 =	vadd.s32 v21, v17  }
0x206: {  	v23 =	vadd.s32 $0xFFFFFFFC, v8;
	v46 =	vshll.u32 v9, $0x2;
	v17 =	vadd.s32 v18, v10  }
0x207: {  	v10 =	vshll.u32 v10, $0x2;
	v47 =	vshll.u32 v7, $0x2;
	v25 =	vcvt.s32.f32 v46  }
0x208: {  	v27 =	vadd.s32 $0x4, v46;
	v20 =	vsub.f32 v11, v45;
	v30 =	vadd.s32 $0xFFFFFFFC, v46  }
0x209: {  	v48 =	vadd.s32 $0x4, v10;
	v26 =	vcvt.s32.f32 v47;
	v28 =	vcvt.s32.f32 v10  }
0x20a: {  	v24 =	vadd.s32 $0xFFFFFFFC, v10;
	v29 =	vadd.s32 $0x4, v47;
	v25 =	vsub.f32 v13, v25  }
0x20b: {  	v7 =	vadd.s32 v7, v17;
	v26 =	vsub.f32 v14, v26;
	v49 =	vsub.f32 v12, v28  }
0x20c: {  	v50 =	vadd.s32 $0xFFFFFFFC, v47;
	v7 =	vadd.s32 v9, v7;
	vm14 =	vlt.f32 v25, v20  }
0x20d: {  	vm15 =	vlt.f32 v26, v20;
	vm9 =	vlt.f32 v25, v49;
	vm3 =	vlt.f32 v26, v49  }
0x20e: {  	vm4 =	vlt.f32 v25, v26;
	vm5 =	vlt.f32 v49, v20;
	vm6 =	vmneg vm14  }
0x20f: {  	v52 =	vsel vm14, $0x1, v0;
	v9 =	vsel vm4, $0x1, v0;
	vm7 =	vmneg vm15  }
0x210: {  	v51 =	vsel vm9, $0x1, v0;
	vm2 =	vmneg vm9;
	vm8 =	vmneg vm3  }
0x211: {  	vm9 =	vmneg vm5;
	v53 =	vsel vm15, $0x1, v0;
	v54 =	vsel vm5, $0x1, v0  }
0x212: {  	v55 =	vsel vm3, $0x1, v0;
	vm10 =	vmneg vm4;
	v31 =	vsel vm6, $0x1, v0  }
0x213: {  	v9 =	vadd.s32 v9, v7;
	v32 =	vsel vm7, $0x1, v0;
	v33 =	vsel vm2, $0x1, v0  }
0x214: {  	v34 =	vsel vm8, $0x1, v0;
	v35 =	vsel vm9, $0x1, v0;
	v25 =	vadd.s32 v54, v7  }
0x215: {  	v56 =	vsel vm10, $0x1, v0;
	v9 =	vadd.s32 v51, v9;
	v25 =	vadd.s32 v33, v25  }
0x216: {  	v35 =	vadd.s32 v35, v7;
	v7 =	vadd.s32 v56, v7;
	v25 =	vadd.s32 v34, v25  }
0x217: {  	v31 =	vadd.s32 v31, v35;
	v9 =	vadd.s32 v52, v9;
	v7 =	vadd.s32 v55, v7  }
0x218: {  	v57 =	vadd.s32 $0x4, v25;
	v58 =	vadd.s32 $0x4, v9;
	v59 =	vadd.s32 $0xFFFFFFFC, v9  }
0x219: {  	v34 =	vadd.s32 $0xFFFFFFFC, v25;
	v31 =	vadd.s32 v32, v31;
	vm11 =	vlt.s32 v25, $0x0  }
0x21a: {  	vm12 =	vgt.s32 v25, $0x3;
	v7 =	vadd.s32 v53, v7;
	vm13 =	vlt.s32 v9, $0x0  }
0x21b: {  	vm14 =	vgt.s32 v9, $0x3;
	v60 =	vsel vm12, v34, v25;
	v61 =	vadd.s32 $0x4, v31  }
0x21c: {  	v9 =	vsel vm14, v59, v9;
	v32 =	vadd.s32 $0xFFFFFFFC, v31;
	v10 =	vsel vm12, v24, v10  }
0x21d: {  	v62 =	vadd.s32 $0x4, v7;
	v63 =	vadd.s32 $0xFFFFFFFC, v7;
	v18 =	vsel vm14, v30, v46  }
0x21e: {  	vm15 =	vlt.s32 v31, $0x0;
	vm8 =	vgt.s32 v31, $0x3;
	vm9 =	vlt.s32 v7, $0x0  }
0x21f: {  	vm10 =	vgt.s32 v7, $0x3;
	v9 =	vsel vm13, v58, v9;
	v17 =	vsel vm11, v57, v60  }
0x220: {  	v34 =	vsel vm8, v32, v31;
	v19 =	vsel vm10, v50, v47;
	v7 =	vsel vm10, v63, v7  }
0x221: {  	v8 =	vsel vm8, v23, v8;
	v18 =	vsel vm13, v27, v18;
	v10 =	vsel vm11, v48, v10  }
0x222: {  	v19 =	vsel vm9, v29, v19;
	v35 =	vcvt.s32.f32 v18;
	vm11 =	veq.s32 v17, $0x0  }
0x223: {  	v8 =	vsel vm15, v22, v8;
	v20 =	vsel vm15, v61, v34;
	vm12 =	veq.s32 v9, $0x0  }
0x224: {  	v37 =	vcvt.s32.f32 v10;
	v7 =	vsel vm9, v62, v7;
	vm13 =	veq.s32 v17, $0x3  }
0x225: {  	vm14 =	veq.s32 v9, $0x3;
	vm10 =	vgt.s32 v9, $0x2;
	v60 =	vmul.u32 $0x379B1, v18  }
0x226: {  	v36 =	vcvt.s32.f32 v19;
	v8 =	vcvt.s32.f32 v8;
	vm4 =	veq.s32 v7, $0x3  }
0x227: {  	vm15 =	veq.s32 v7, $0x0;
	vm5 =	veq.s32 v20, $0x3;
	vm6 =	veq.s32 v20, $0x0  }
0x228: {  	vm7 =	vgt.s32 v7, $0x2;
	vm8 =	vlt.s32 v7, $0x2;
	vm9 =	vgt.s32 v7, $0x0  }
0x229: {  	v13 =	vsub.f32 v13, v35;
	v12 =	vsub.f32 v12, v37;
	v46 =	vsel vm7, $0x3FFFD, v3  }
0x22a: {  	v47 =	vsel vm8, $0x2, v4;
	v48 =	vsel vm9, $0x3FFFF, v2;
	vm8 =	veq.s32 v9, $0x2  }
0x22b: {  	vm9 =	vgt.s32 v17, $0x2;
	v14 =	vsub.f32 v14, v36;
	v8 =	vsub.f32 v11, v8  }
0x22c: {  	v23 =	vadd.s32 v19, v46;
	v24 =	vadd.s32 v19, v47;
	v25 =	vadd.s32 v19, v48  }
0x22d: {  	v52 =	vsel vm9, $0x3FFFD, v3;
	v19 =	vmul.u32 $0x25795, v19;
	v13 =	vmul.f32 $2.500000000e-01, v13  }
0x22e: {  	v11 =	vmul.f32 $2.500000000e-01, v12;
	v55 =	vmul.u32 $0x25795, v24;
	v25 =	vmul.u32 $0x25795, v25  }
0x22f: {  	v57 =	vadd.s32 v10, v52;
	v14 =	vmul.f32 $2.500000000e-01, v14;
	v8 =	vmul.f32 $2.500000000e-01, v8  }
0x230: {  	v61 =	vmul.u32 $0x2C2F5, v57;
	v12 =	vnsel vm14, $0x0, v13;
	v39 =	vnsel vm12, $0x0, v13  }
0x231: {  	v41 =	vnsel vm13, $0x0, v11;
	v42 =	vnsel vm11, $0x0, v11;
	vm11 =	vlt.s32 v9, $0x2  }
0x232: {  	vm12 =	vgt.s32 v9, $0x0;
	vm13 =	veq.s32 v7, $0x1;
	vm14 =	veq.s32 v7, $0x2  }
0x233: {  	v7 =	vsel vm10, $0x3FFFD, v3;
	vm10 =	vlt.s32 v17, $0x2;
	v38 =	vnsel vm4, $0x0, v14  }
0x234: {  	v40 =	vnsel vm15, $0x0, v14;
	v43 =	vnsel vm5, $0x0, v8;
	v44 =	vnsel vm6, $0x0, v8  }
0x235: {  	vm15 =	veq.s32 v9, $0x1;
	v49 =	vsel vm11, $0x2, v4;
	v50 =	vsel vm12, $0x3FFFF, v2  }
0x236: {  	v9 =	vnsel vm13, $0x0, v14;
	v14 =	vnsel vm14, $0x0, v14;
	vm11 =	vgt.s32 v17, $0x0  }
0x237: {  	v7 =	vadd.s32 v18, v7;
	v53 =	vsel vm10, $0x2, v4;
	vm12 =	veq.s32 v17, $0x1  }
0x238: {  	vm13 =	veq.s32 v17, $0x2;
	vm14 =	veq.s32 v20, $0x2;
	v12 =	vadd.f32 v38, v12  }
0x239: {  	v21 =	vadd.f32 v40, v39;
	v51 =	vnsel vm15, $0x0, v13;
	v13 =	vnsel vm8, $0x0, v13  }
0x23a: {  	v26 =	vadd.s32 v18, v49;
	v27 =	vadd.s32 v18, v50;
	v54 =	vsel vm11, $0x3FFFF, v2  }
0x23b: {  	v7 =	vmul.u32 $0x379B1, v7;
	v28 =	vadd.s32 v10, v53;
	v59 =	vnsel vm12, $0x0, v11  }
0x23c: {  	v11 =	vnsel vm13, $0x0, v11;
	vm15 =	veq.s32 v20, $0x1;
	v9 =	vadd.f32 v9, v51  }
0x23d: {  	v13 =	vadd.f32 v14, v13;
	v14 =	vmul.u32 $0x25795, v23;
	v56 =	vmul.u32 $0x379B1, v26  }
0x23e: {  	v27 =	vmul.u32 $0x379B1, v27;
	v58 =	vadd.s32 v10, v54;
	v62 =	vmul.u32 $0x2C2F5, v28  }
0x23f: {  	v10 =	vmul.u32 $0x2C2F5, v10;
	v12 =	vadd.f32 v12, v41;
	v21 =	vadd.f32 v21, v42  }
0x240: {  	v63 =	vmul.u32 $0x2C2F5, v58;
	v9 =	vadd.f32 v9, v59;
	v11 =	vadd.f32 v13, v11  }
0x241: {  	v7 =	vxor.u32 v14, v7;
	v13 =	vnsel vm14, $0x0, v8;
	v14 =	vxor.u32 v55, v56  }
0x242: {  	v8 =	vnsel vm15, $0x0, v8;
	v12 =	vadd.f32 v12, v43;
	v11 =	vadd.f32 v11, v13  }
0x243: {  	[tilespmem:s19+$0x5C00] =	vst v15;
	v15 =	vxor.u32 v25, v27;
	v21 =	vadd.f32 v21, v44;
	v8 =	vadd.f32 v9, v8  }
0x244: {  	v7 =	vxor.u32 v61, v7;
	v45 =	vadd.f32 $1.000000000e+00, v12;
	v12 =	vsub.f32 v11, v12  }
0x245: {  	[tilespmem:s19+$0x6C00] =	vst v16;
	v13 =	vxor.u32 v19, v60;
	v9 =	vxor.u32 v62, v14;
	v11 =	vsub.f32 v8, v11  }
0x246: {  	v14 =	vxor.u32 v63, v15;
	v15 =	vshll.u32 v7, $0x1;
	v8 =	vsub.f32 v21, v8;
	[tilespmem:s20+$0x8000] =	vst v12  }
0x247: {  	v7 =	vand.u32 $0x7F, v7;
	v15 =	vand.u32 $0x7FF00, v15;
	v22 =	vsub.f32 v45, v21;
	[tilespmem:s20+$0x8400] =	vst v11  }
0x248: {  	v10 =	vxor.u32 v10, v13;
	v7 =	vor.u32 v15, v7;
	v12 =	vshll.u32 v9, $0x1;
	[tilespmem:s20+$0x8800] =	vst v8  }
0x249: {  	v9 =	vand.u32 $0x7F, v9;
	v8 =	vor.u32 v5, v7;
	[tilespmem:s20+$0x7C00] =	vst v22;
	v11 =	vand.u32 $0x7FF00, v12  }
0x24a: {  	v7 =	vor.u32 v6, v7;
	v12 =	vshll.u32 v14, $0x1;
	[tilespmem:s20+$0x6000] =	vst v8;
	v9 =	vor.u32 v11, v9  }
0x24b: {  	[tilespmem:s20+$0x7000] =	vst v7;
	v8 =	vand.u32 $0x7FF00, v12;
	v11 =	vand.u32 $0x7F, v14;
	v7 =	vor.u32 v5, v9  }
0x24c: {  	v12 =	vshll.u32 v10, $0x1;
	v8 =	vor.u32 v8, v11;
	v9 =	vor.u32 v6, v9;
	[tilespmem:s20+$0x6400] =	vst v7  }
0x24d: {  	v10 =	vand.u32 $0x7F, v10;
	v7 =	vand.u32 $0x7FF00, v12;
	v11 =	vor.u32 v5, v8;
	[tilespmem:s20+$0x7400] =	vst v9  }
0x24e: {  	v8 =	vor.u32 v6, v8;
	v7 =	vor.u32 v7, v10;
	[tilespmem:s20+$0x6800] =	vst v11  }
0x24f: {  	[tilespmem:s20+$0x7800] =	vst v8;
	v5 =	vor.u32 v5, v7  }
0x250: {  	v6 =	vor.u32 v6, v7;
	[tilespmem:s20+$0x5C00] =	vst v5  }
0x251: {  	[tilespmem:s20+$0x6C00] =	vst v6;
	s20 =	simm.s32 $0x0  }
0x252: {  	v8 =	vld [tilespmem:s20+$0x4000]  }
0x253: {  	v11 =	vld [tilespmem:s20+$0x3000]  }
0x254: {  	v12 =	vld [tilespmem:s20+$0x5000]  }
0x255: {  	v13 =	vld [tilespmem:s20+$0x2C00]  }
0x256: {  	v9 =	vld [tilespmem:s20+$0x3C00]  }
0x257: {  	v14 =	vld [tilespmem:s20+$0x4C00]  }
0x258: {  	v6 =	vld [tilespmem:s20+$0x4400]  }
0x259: {  	v5 =	vld [tilespmem:s20+$0x3800]  }
0x25a: {  	v7 =	vld [tilespmem:s20+$0x3400]  }
0x25b: {  	v15 =	vmul.f32 v13, v9;
	v9 =	vld [tilespmem:s20+$0x5400]  }
0x25c: {  	v10 =	vld [tilespmem:s20+$0x4800];
	v14 =	vmul.f32 v13, v14  }
0x25d: {  	s21 =	simm.s32 $0x80;
	s19 =	simm.s32 $0x10;
	v8 =	vmul.f32 v11, v8;
	v11 =	vmul.f32 v11, v12;
	v12 =	vld [tilespmem:s20+$0x5800];
	v13 =	vadd.f32 $0.0e+00, v15  }
.LBB2_8:
0x25e: {  	p0 =	sne.s32 s21, $0xFC0;
	v14 =	vadd.f32 $0.0e+00, v14;
	s22 =	smov.u32 s21;
	s21 =	sadd.s32 $0x40, s21  }
0x25f: {  	v8 =	vadd.f32 v8, v13;
	v6 =	vmul.f32 v7, v6  }
0x260: {  	v11 =	vadd.f32 v11, v14;
	v7 =	vmul.f32 v7, v9  }
0x261: {  	v6 =	vadd.f32 v6, v8;
	v8 =	vmul.f32 v5, v10  }
0x262: {  	v7 =	vadd.f32 v7, v11;
	v5 =	vmul.f32 v5, v12  }
0x263: {  	s22 =	sshra.s32 s22, $0x2;
	v6 =	vadd.f32 v8, v6  }
0x264: {  	s23 =	sadd.s32 s20, s17;
	s20 =	smov.u32 s19;
	s19 =	smov.u32 s22;
	v5 =	vadd.f32 v5, v7  }
0x265: {  	[tilespmem:s23+$0xFFFFFC00] =	vst v6  }
0x266: {  	[tilespmem:s23+$0x0] =	vst v5  }
0x267: {  	v5 =	vld [tilespmem:s20+$0x4000]  }
0x268: {  	v7 =	vld [tilespmem:s20+$0x3000]  }
0x269: {  	v9 =	vld [tilespmem:s20+$0x5000]  }
0x26a: {  	v10 =	vld [tilespmem:s20+$0x2C00]  }
0x26b: {  	v12 =	vld [tilespmem:s20+$0x3C00]  }
0x26c: {  	v13 =	vld [tilespmem:s20+$0x4C00]  }
0x26d: {  	v8 =	vmul.f32 v7, v5;
	v6 =	vld [tilespmem:s20+$0x4400]  }
.Ltmp2:
0x26e: {  	v11 =	vmul.f32 v7, v9;
	v5 =	vld [tilespmem:s20+$0x3800];
	(pc) =	sbr.rel @p0 .LBB2_8-.Ltmp2, $4  }
0x26f: {  	v7 =	vld [tilespmem:s20+$0x3400]  }
0x270: {  	v12 =	vmul.f32 v10, v12;
	v9 =	vld [tilespmem:s20+$0x5400]  }
0x271: {  	v14 =	vmul.f32 v10, v13;
	v10 =	vld [tilespmem:s20+$0x4800]  }
0x272: {  	v13 =	vadd.f32 $0.0e+00, v12;
	v12 =	vld [tilespmem:s20+$0x5800]  }
0x273: {  	v14 =	vadd.f32 $0.0e+00, v14  }
0x274: {  	v8 =	vadd.f32 v8, v13;
	v6 =	vmul.f32 v7, v6  }
0x275: {  	v11 =	vadd.f32 v11, v14;
	v7 =	vmul.f32 v7, v9  }
0x276: {  	v6 =	vadd.f32 v6, v8;
	v8 =	vmul.f32 v5, v10  }
0x277: {  	v7 =	vadd.f32 v7, v11;
	v5 =	vmul.f32 v5, v12  }
0x278: {  	v6 =	vadd.f32 v8, v6  }
0x279: {  	s20 =	sadd.s32 s20, s17;
	v5 =	vadd.f32 v5, v7  }
0x27a: {  	[tilespmem:s20+$0xFFFFFC00] =	vst v6  }
0x27b: {  	[tilespmem:s20+$0x0] =	vst v5  }
0x27c: {  	v5 =	vld [tilespmem:s19+$0x4000]  }
0x27d: {  	v6 =	vld [tilespmem:s19+$0x3000]  }
0x27e: {  	v7 =	vld [tilespmem:s19+$0x5000]  }
0x27f: {  	v8 =	vld [tilespmem:s19+$0x2C00]  }
0x280: {  	v9 =	vld [tilespmem:s19+$0x3C00]  }
0x281: {  	v10 =	vld [tilespmem:s19+$0x4C00]  }
0x282: {  	v11 =	vld [tilespmem:s19+$0x4400]  }
0x283: {  	v61 =	vld [tilespmem:s19+$0x3800]  }
0x284: {  	v62 =	vld [tilespmem:s19+$0x3400]  }
0x285: {  	v63 =	vld [tilespmem:s19+$0x5400];
	v9 =	vmul.f32 v8, v9  }
0x286: {  	v8 =	vmul.f32 v8, v10;
	v10 =	vld [tilespmem:s19+$0x4800]  }
0x287: {  	v15 =	vld [tilespmem:s19+$0x5800];
	v5 =	vmul.f32 v6, v5;
	v9 =	vadd.f32 $0.0e+00, v9  }
0x288: {  	v6 =	vmul.f32 v6, v7;
	v7 =	vadd.f32 $0.0e+00, v8  }
0x289: {  	v8 =	vmul.f32 v62, v11;
	v5 =	vadd.f32 v5, v9  }
0x28a: {  	v6 =	vadd.f32 v6, v7;
	v7 =	vmul.f32 v62, v63  }
0x28b: {  	v5 =	vadd.f32 v8, v5;
	v8 =	vmul.f32 v61, v10  }
0x28c: {  	v6 =	vadd.f32 v7, v6;
	v7 =	vmul.f32 v61, v15  }
0x28d: {  	v5 =	vadd.f32 v8, v5  }
0x28e: {  	s31 =	sadd.s32 s19, s17;
	v6 =	vadd.f32 v7, v6  }
0x28f: {  	[tilespmem:s31+$0xFFFFFC00] =	vst v5  }
0x290: {  	s19 =	simm.s32 $0x0;
	[tilespmem:s31+$0x0] =	vst v6  }
0x291: {  	v6 =	vld [tilespmem:s19+$0x9800]  }
0x292: {  	v7 =	vld [tilespmem:s19+$0x9400]  }
0x293: {  	v8 =	vld [tilespmem:s19+$0x9000]  }
0x294: {  	v10 =	vld [tilespmem:s19+$0x8C00]  }
0x295: {  	s20 =	simm.s32 $0x40;
	v5 =	vmov s18;
	v9 =	vld [tilespmem:s19+$0x7C00]  }
.LBB2_10:
0x296: {  	p0 =	sne.s32 s20, $0xFC0;
	v11 =	vld [tilespmem:s19+$0x9C00]  }
0x297: {  	v12 =	vld [tilespmem:s19+$0x8000]  }
0x298: {  	v13 =	vld [tilespmem:s19+$0xA000]  }
0x299: {  	v14 =	vld [tilespmem:s19+$0x8400]  }
0x29a: {  	v10 =	vmul.f32 v9, v10;
	v15 =	vld [tilespmem:s19+$0xA400]  }
0x29b: {  	v9 =	vmul.f32 v9, v11;
	v11 =	vld [tilespmem:s19+$0x8800]  }
0x29c: {  	v10 =	vadd.f32 $0.0e+00, v10;
	v8 =	vmul.f32 v12, v8;
	v16 =	vld [tilespmem:s19+$0xA800]  }
0x29d: {  	v9 =	vadd.f32 $0.0e+00, v9;
	v12 =	vmul.f32 v12, v13  }
0x29e: {  	v8 =	vadd.f32 v8, v10;
	v7 =	vmul.f32 v14, v7  }
0x29f: {  	v9 =	vadd.f32 v12, v9;
	v10 =	vmul.f32 v14, v15  }
0x2a0: {  	v7 =	vadd.f32 v7, v8;
	v6 =	vmul.f32 v11, v6  }
0x2a1: {  	v8 =	vadd.f32 v10, v9;
	v9 =	vmul.f32 v11, v16  }
0x2a2: {  	v6 =	vadd.f32 v6, v7  }
0x2a3: {  	v7 =	vadd.f32 v9, v8  }
0x2a4: {  	[tilespmem:v5+s19+$0xFFFFFC00 ss:$0x1] =	vst.idx.msk $0xffff, v6  }
0x2a5: {  	[tilespmem:v5+s19+$0x0 ss:$0x1] =	vst.idx.msk $0xffff, v7;
	s19 =	sshra.s32 s20, $0x2  }
.Ltmp3:
0x2a6: {  	v6 =	vld [tilespmem:s19+$0x9800];
	(pc) =	sbr.rel @p0 .LBB2_10-.Ltmp3, $4  }
0x2a7: {  	v7 =	vld [tilespmem:s19+$0x9400]  }
0x2a8: {  	v8 =	vld [tilespmem:s19+$0x9000]  }
0x2a9: {  	v10 =	vld [tilespmem:s19+$0x8C00]  }
0x2aa: {  	s20 =	sadd.s32 $0x40, s20;
	v9 =	vld [tilespmem:s19+$0x7C00]  }
0x2ab: {  	v11 =	vld [tilespmem:s19+$0x9C00]  }
0x2ac: {  	v12 =	vld [tilespmem:s19+$0x8000]  }
0x2ad: {  	v13 =	vld [tilespmem:s19+$0xA000]  }
0x2ae: {  	v14 =	vld [tilespmem:s19+$0x8400]  }
0x2af: {  	v15 =	vld [tilespmem:s19+$0xA400];
	v10 =	vmul.f32 v9, v10  }
0x2b0: {  	v60 =	vld [tilespmem:s19+$0x8800];
	v59 =	vmul.f32 v9, v11  }
0x2b1: {  	v16 =	vld [tilespmem:s19+$0xA800];
	v8 =	vmul.f32 v12, v8;
	v10 =	vadd.f32 $0.0e+00, v10  }
0x2b2: {  	v12 =	vmul.f32 v12, v13;
	v9 =	vadd.f32 $0.0e+00, v59  }
0x2b3: {  	v7 =	vmul.f32 v14, v7;
	v8 =	vadd.f32 v8, v10  }
0x2b4: {  	s16 =	sadd.s32 $0x1, s16;
	v61 =	vmul.f32 v14, v15;
	v9 =	vadd.f32 v12, v9  }
0x2b5: {  	p0 =	sne.s32 s16, $0x8;
	v6 =	vmul.f32 v60, v6;
	v7 =	vadd.f32 v7, v8  }
.Ltmp4:
0x2b6: {  	v63 =	vmul.f32 v60, v16;
	v62 =	vadd.f32 v61, v9;
	(pc) =	sbr.rel @p0 .LBB2_3-.Ltmp4, $4  }
0x2b7: {  	v6 =	vadd.f32 v6, v7  }
0x2b8: {  	v7 =	vadd.f32 v63, v62  }
0x2b9: {  	[tilespmem:v5+s19+$0xFFFFFC00 ss:$0x1] =	vst.idx.msk $0xffff, v6  }
0x2ba: {  	s17 =	sadd.s32 $0x1000, s17;
	s18 =	sadd.s32 $0x1000, s18;
	[tilespmem:v5+s19+$0x0 ss:$0x1] =	vst.idx.msk $0xffff, v7  }
0x2bb: {  	s14 =	sadd.s32 $0x1, s14  }
0x2bc: {  	p0 =	sne.s32 s14, $0x8  }
.Ltmp5:
0x2bd: {  	s15 =	sadd.s32 s1, s15;
	(pc) =	sbr.rel @p0 .LBB2_2-.Ltmp5, $4  }
0x2be: {  	[hbm4b:s15+s10] =	stream.strided.scatter [tilespmem:s12], [sflag:$0x1], $0x8000, s11, s10, $0x38;
	[tilespmem:$0x12C80] =	vst v63  }
0x2bf: {  	_ =	swait.ge [sflag:s9], $0x8000  }
0x2c0: {  	[sflag:s9] =	ssyncset.done $0x0  }
0x2c1: {  	[sflag:s9] =	ssyncadd.s32 $0xFFFF8000  }
0x2c2: {  	s13 =	sadd.s32 $0x1, s13  }
0x2c3: {  	p0 =	sne.s32 s13, s7  }
.Ltmp6:
0x2c4: {  	_ = 	snop;
	(pc) =	sbr.rel @p0 .LBB2_1-.Ltmp6, $1  }
0x2c5: {  	_ =	sdelay $0x3  }
0x2c6: {  	_ =	sfence.sel $0x180000  }
0x2c7: {  	[bflag:$0x0] =	sbarrier.arrive $0xFFFF  }
0x2c8: {  	p0 =	sne.s32 s3, $0x0;
	_ =	strace $0x90000047  }
0x2c9: {  	s0 =	sadd.s32 @!p0 $0x100000, s0;
	[bflag:$0x2] =	sbarrier.arrive $0xFFFF  }
0x2ca: {  	[sflag:s0] =	ssyncadd.tile.s32 @!p0 $0x1;
	_ =	shalt  }
.Lfunc_end2:
_tile_overlayer_lowered:
.L_overlay_start_2:
0x2cb: {  	(tag) =	ssettag $0x2  }
0x2cc: {  	s0 =	rddreg [dreg:$0x0];
	s2 =	stileid.u32  }
0x2cd: {  	s1 =	rddreg [dreg:$0x1];
	p0 =	sne.s32 s2, $0x0  }
0x2ce: {  	s3 =	rddreg [dreg:$0x2];
	[bflag:$0x3] =	sbarrier.arrive $0xFFFF;
	s2 =	simm.s32 @!p0 $0x1C01  }
0x2cf: {  	[timem:s3], [sflag:s2] =	dma.local @!p0 [hbm:s0], s1  }
0x2d0: {  	s0 =	simm.s32 @!p0 $0x1  }
0x2d1: {  	_ =	swait.ge @!p0 [sflag:s0], s1  }
0x2d2: {  	s1 =	ssub.s32 @!p0 $0x0, s1;
	[sflag:s0] =	ssyncset.done @!p0 $0x0  }
0x2d3: {  	[sflag:s0] =	ssyncadd.s32 @!p0 s1  }
0x2d4: {  	[bflag:$0x3] =	sbarrier.arrive $0xFFFF  }
0x2d5: {  	_ =	shalt  }

</sc_bundles>
